<compile_context>
chip_gen: v7x
topology: tpu7x:2x2x1
jax: 0.10.2.dev20260603
libtpu: 0.0.44.dev20260713+nightly
codegen_flags: <defaults>
</compile_context>

<pallas_src>
import functools

import jax
import jax.numpy as jnp
from jax import lax
from jax.experimental import pallas as pl
from jax.experimental.pallas import tpu as pltpu
from jax.experimental.pallas import tpu_sc as plsc

N_NODES = 10000
N_EDGES = 320000
N_GRAPHS = 64
D_IN = 128
D_HALF = 64
D_HID = 16

NC, NS = 2, 16
NW = NC * NS
R = 10112
RS = 10240
TRASH = R
CH1 = 256
NCH2 = 80
CH2 = 1024
NCH = 10
E_PAD = NS * NCH2 * CH1
ZROWS = RS // NS
OROWS = R // NS

_mesh = plsc.VectorSubcoreMesh(core_axis_name="c", subcore_axis_name="s")
_sc_params = pltpu.CompilerParams(use_tc_tiling_on_sc=False)


def _fill(buf, nrows, width, value):
    vec = jnp.full((16,), value, jnp.float32)

    def row(r, carry):
        for k in range(width // 16):
            buf[r, pl.ds(k * 16, 16)] = vec
        return carry

    lax.fori_loop(0, nrows, row, 0)


def _zero_spmem(stage, spmem, s, width):
    _fill(stage, 128, width, 0.0)
    for z in range(ZROWS // 128):
        pltpu.sync_copy(stage.at[pl.ds(0, 128)],
                        spmem.at[pl.ds(s * ZROWS + z * 128, 128)])



def _sc_agg_x_body(xcat_hbm, src_hbm, dst_hbm, p_hbm, dg_hbm,
                   src_v, dst_v, rows_a, rows_b, ones_v, agg_s, deg_s,
                   sem_a, sem_b, sem_sa, sem_sb, sem_o):
    c = lax.axis_index("c")
    s = lax.axis_index("s")
    _zero_spmem(rows_a, agg_s, s, D_HALF)

    @pl.when(c == 1)
    def _():
        _zero_spmem(ones_v, deg_s, s, D_HID)
        _fill(ones_v, CH1, D_HID, 1.0)
    pltpu.sync_copy(src_hbm.at[s], src_v)
    pltpu.sync_copy(dst_hbm.at[s], dst_v)
    off = c * N_NODES

    def adj(r, carry):
        for k in range(CH1 // 16):
            sl = pl.ds(k * 16, 16)
            src_v[r, sl] = src_v[r, sl] + off
        return carry

    lax.fori_loop(0, NCH2, adj, 0)
    plsc.subcore_barrier()

    def start(j, buf, sem):
        pltpu.async_copy(xcat_hbm.at[src_v.at[j]], buf, sem)

    def wait(j, buf, sem):
        pltpu.make_async_copy(xcat_hbm.at[src_v.at[j]], buf, sem).wait()

    def s_start(j, buf, sem):
        pltpu.async_copy(buf, agg_s.at[dst_v.at[j]], sem, add=True)

    def s_wait(j, buf, sem):
        pltpu.make_async_copy(buf, agg_s.at[dst_v.at[j]], sem).wait()

    def o_start(j):
        pltpu.async_copy(ones_v, deg_s.at[dst_v.at[j]], sem_o, add=True)

    def o_wait(j):
        pltpu.make_async_copy(ones_v, deg_s.at[dst_v.at[j]], sem_o).wait()

    start(0, rows_a, sem_a)

    def pair(i, carry):
        j0 = 2 * i
        wait(j0, rows_a, sem_a)
        start(j0 + 1, rows_b, sem_b)
        s_start(j0, rows_a, sem_sa)

        @pl.when(c == 1)
        def _():
            o_start(j0)

            @pl.when(i > 0)
            def _():
                o_wait(j0 - 2)

        wait(j0 + 1, rows_b, sem_b)
        s_wait(j0, rows_a, sem_sa)
        start(j0 + 2, rows_a, sem_a)
        s_start(j0 + 1, rows_b, sem_sb)

        @pl.when(c == 1)
        def _():
            o_start(j0 + 1)

            @pl.when(i > 0)
            def _():
                o_wait(j0 - 1)

        s_wait(j0 + 1, rows_b, sem_sb)
        return carry

    lax.fori_loop(0, NCH2 // 2 - 1, pair, 0)
    wait(NCH2 - 2, rows_a, sem_a)
    start(NCH2 - 1, rows_b, sem_b)
    s_start(NCH2 - 2, rows_a, sem_sa)

    @pl.when(c == 1)
    def _():
        o_start(NCH2 - 2)
        o_wait(NCH2 - 4)
        o_start(NCH2 - 1)
        o_wait(NCH2 - 3)

    wait(NCH2 - 1, rows_b, sem_b)
    s_wait(NCH2 - 2, rows_a, sem_sa)
    s_start(NCH2 - 1, rows_b, sem_sb)

    @pl.when(c == 1)
    def _():
        o_wait(NCH2 - 2)
        o_wait(NCH2 - 1)

    s_wait(NCH2 - 1, rows_b, sem_sb)
    plsc.subcore_barrier()
    pltpu.sync_copy(agg_s.at[pl.ds(s * OROWS, OROWS)],
                    p_hbm.at[c, pl.ds(s * OROWS, OROWS)])

    @pl.when(c == 1)
    def _():
        pltpu.sync_copy(deg_s.at[pl.ds(s * OROWS, OROWS)],
                        dg_hbm.at[pl.ds(s * OROWS, OROWS)])


_sc_agg_x = functools.partial(
    pl.kernel,
    mesh=_mesh,
    compiler_params=_sc_params,
    out_type=[jax.ShapeDtypeStruct((NC, R, D_HALF), jnp.float32),
              jax.ShapeDtypeStruct((R, D_HID), jnp.float32)],
    scratch_types=[
        pltpu.VMEM((NCH2, CH1), jnp.int32),
        pltpu.VMEM((NCH2, CH1), jnp.int32),
        pltpu.VMEM((CH1, D_HALF), jnp.float32),
        pltpu.VMEM((CH1, D_HALF), jnp.float32),
        pltpu.VMEM((CH1, D_HID), jnp.float32),
        pltpu.VMEM_SHARED((RS, D_HALF), jnp.float32),
        pltpu.VMEM_SHARED((RS, D_HID), jnp.float32),
        pltpu.SemaphoreType.DMA,
        pltpu.SemaphoreType.DMA,
        pltpu.SemaphoreType.DMA,
        pltpu.SemaphoreType.DMA,
        pltpu.SemaphoreType.DMA,
    ],
)(_sc_agg_x_body)



def _sc_agg_h_body(h_hbm, src_hbm, dst_hbm, p_hbm,
                   src_v, dst_v, rows_a, rows_b, agg_s,
                   sem_a, sem_b, sem_sa, sem_sb):
    c = lax.axis_index("c")
    s = lax.axis_index("s")
    wid = c * NS + s
    _zero_spmem(rows_a, agg_s, s, D_HID)
    pltpu.sync_copy(src_hbm.at[wid], src_v)
    pltpu.sync_copy(dst_hbm.at[wid], dst_v)
    plsc.subcore_barrier()

    def start(j, buf, sem):
        pltpu.async_copy(h_hbm.at[src_v.at[j]], buf, sem)

    def wait(j, buf, sem):
        pltpu.make_async_copy(h_hbm.at[src_v.at[j]], buf, sem).wait()

    def s_start(j, buf, sem):
        pltpu.async_copy(buf, agg_s.at[dst_v.at[j]], sem, add=True)

    def s_wait(j, buf, sem):
        pltpu.make_async_copy(buf, agg_s.at[dst_v.at[j]], sem).wait()

    start(0, rows_a, sem_a)

    def pair(i, carry):
        j0 = 2 * i
        wait(j0, rows_a, sem_a)
        start(j0 + 1, rows_b, sem_b)
        s_start(j0, rows_a, sem_sa)
        wait(j0 + 1, rows_b, sem_b)
        s_wait(j0, rows_a, sem_sa)
        start(j0 + 2, rows_a, sem_a)
        s_start(j0 + 1, rows_b, sem_sb)
        s_wait(j0 + 1, rows_b, sem_sb)
        return carry

    lax.fori_loop(0, NCH // 2 - 1, pair, 0)
    wait(NCH - 2, rows_a, sem_a)
    start(NCH - 1, rows_b, sem_b)
    s_start(NCH - 2, rows_a, sem_sa)
    wait(NCH - 1, rows_b, sem_b)
    s_wait(NCH - 2, rows_a, sem_sa)
    s_start(NCH - 1, rows_b, sem_sb)
    s_wait(NCH - 1, rows_b, sem_sb)
    plsc.subcore_barrier()
    pltpu.sync_copy(agg_s.at[pl.ds(s * OROWS, OROWS)],
                    p_hbm.at[c, pl.ds(s * OROWS, OROWS)])


_sc_agg_h = functools.partial(
    pl.kernel,
    mesh=_mesh,
    compiler_params=_sc_params,
    out_type=[jax.ShapeDtypeStruct((NC, R, D_HID), jnp.float32)],
    scratch_types=[
        pltpu.VMEM((NCH, CH2), jnp.int32),
        pltpu.VMEM((NCH, CH2), jnp.int32),
        pltpu.VMEM((CH2, D_HID), jnp.float32),
        pltpu.VMEM((CH2, D_HID), jnp.float32),
        pltpu.VMEM_SHARED((RS, D_HID), jnp.float32),
        pltpu.SemaphoreType.DMA,
        pltpu.SemaphoreType.DMA,
        pltpu.SemaphoreType.DMA,
        pltpu.SemaphoreType.DMA,
    ],
)(_sc_agg_h_body)



def _lay1_body(p_ref, d_ref, w1_ref, b1_ref, o_ref):
    agg = jnp.concatenate([p_ref[0], p_ref[1]], axis=1)
    deg = jnp.maximum(d_ref[:, 0:1], 1.0)
    o_ref[...] = jnp.maximum(
        jnp.dot(agg / deg, w1_ref[...],
                preferred_element_type=jnp.float32) + b1_ref[...], 0.0)


def _fin_body(p_ref, d_ref, w2_ref, b2_ref, batch_ref, fcw_ref, fcb_ref,
              o_ref):
    agg = p_ref[0] + p_ref[1]
    deg = jnp.maximum(d_ref[:, 0:1], 1.0)
    h2 = jnp.maximum(
        jnp.dot(agg / deg, w2_ref[...],
                preferred_element_type=jnp.float32) + b2_ref[...], 0.0)
    b = batch_ref[...]
    gid = lax.broadcasted_iota(jnp.int32, (N_GRAPHS, R), 0)
    onehot = (b == gid).astype(jnp.float32)
    sums = jnp.dot(onehot, h2, preferred_element_type=jnp.float32,
                   precision=lax.Precision.HIGHEST)
    counts = jnp.sum(onehot, axis=1, keepdims=True)
    pooled = sums / jnp.maximum(counts, 1.0)
    o_ref[...] = (jnp.dot(pooled, fcw_ref[...],
                          preferred_element_type=jnp.float32) + fcb_ref[...])


_lay1 = pl.pallas_call(
    _lay1_body, out_shape=jax.ShapeDtypeStruct((R, D_HID), jnp.float32))

_fin = pl.pallas_call(
    _fin_body, out_shape=jax.ShapeDtypeStruct((N_GRAPHS, 1), jnp.float32))



def kernel(x, edge_index, batch, W1, b1, W2, b2, fc_W, fc_b):
    src = edge_index[0].astype(jnp.int32)
    dst = edge_index[1].astype(jnp.int32)
    n_pad_e = E_PAD - N_EDGES
    src_p = jnp.concatenate([src, jnp.zeros((n_pad_e,), jnp.int32)])
    dst_p = jnp.concatenate([dst, jnp.full((n_pad_e,), TRASH, jnp.int32)])
    src2 = src_p.reshape(NS, NCH2, CH1)
    dst2 = dst_p.reshape(NS, NCH2, CH1)
    src3 = src_p.reshape(NW, NCH, CH2)
    dst3 = dst_p.reshape(NW, NCH, CH2)
    xcat = jnp.concatenate([x[:, :D_HALF], x[:, D_HALF:]], axis=0)
    batch2 = jnp.concatenate(
        [batch.astype(jnp.int32),
         jnp.full((R - N_NODES,), N_GRAPHS, jnp.int32)]).reshape(1, R)

    p1, dg = _sc_agg_x(xcat, src2, dst2)
    h1 = _lay1(p1, dg, W1, b1.reshape(1, D_HID))
    (p2,) = _sc_agg_h(h1, src3, dst3)
    out = _fin(p2, dg, W2, b2.reshape(1, D_HID), batch2, fc_W,
               fc_b.reshape(1, 1))
    return out

# --- scband reference (transcript-rebuilt; emitter-appended) ---
"""Pipeline reference for scband-base-graph-network-16423954940723 (READ-ONLY COPY).

The authoritative reference and input builder live on the scoring server;
editing this copy changes nothing except your own understanding.
"""

import jax, jax.numpy as jnp
import numpy as np

N_NODES = 10000
N_EDGES = 320000
N_GRAPHS = 64
D_IN = 128
D_HID = 16
D_OUT = 1

def setup_inputs(seed: int = 0) -> dict:
    key = jax.random.key(seed)
    k1, k2, k3, k4, k5, k6, k7, k8 = jax.random.split(key, 8)
    x = jax.random.normal(k1, (N_NODES, D_IN), dtype=jnp.float32)
    edge_index = jax.random.randint(k2, (2, N_EDGES), 0, N_NODES, dtype=jnp.int64)
    batch = jnp.sort(jax.random.randint(k3, (N_NODES,), 0, N_GRAPHS, dtype=jnp.int64))
    # Learned parameters: 2 message-passing layers + final fc (per init_kwargs)
    W1 = jax.random.normal(k4, (D_IN, D_HID), dtype=jnp.float32) * (1.0 / np.sqrt(D_IN))
    b1 = jnp.zeros((D_HID,), dtype=jnp.float32)
    W2 = jax.random.normal(k5, (D_HID, D_HID), dtype=jnp.float32) * (1.0 / np.sqrt(D_HID))
    b2 = jnp.zeros((D_HID,), dtype=jnp.float32)
    fc_W = jax.random.normal(k6, (D_HID, D_OUT), dtype=jnp.float32) * (1.0 / np.sqrt(D_HID))
    fc_b = jnp.zeros((D_OUT,), dtype=jnp.float32)
    return {"x": x, "edge_index": edge_index, "batch": batch,
            "W1": W1, "b1": b1, "W2": W2, "b2": b2, "fc_W": fc_W, "fc_b": fc_b}

def _conv(x, edge_index, W, b):
    # mean-aggregation message passing: gather messages from src, scatter-add to dst, normalize by in-degree, linear transform
    src = edge_index[0]
    dst = edge_index[1]
    msgs = jnp.take(x, src, axis=0)
    agg = jax.ops.segment_sum(msgs, dst, num_segments=N_NODES)
    deg = jax.ops.segment_sum(jnp.ones((msgs.shape[0],), dtype=x.dtype), dst, num_segments=N_NODES)
    agg = agg / jnp.maximum(deg, 1.0)[:, None]
    return agg @ W + b

def reference(x, edge_index, batch, W1, b1, W2, b2, fc_W, fc_b):
    # Layer 1 + ReLU activation (dropout_proba=0.0 -> identity; batch_norm=False)
    h = _conv(x, edge_index, W1, b1)
    h = jax.nn.relu(h)
    # Layer 2 + ReLU
    h = _conv(h, edge_index, W2, b2)
    h = jax.nn.relu(h)
    # global_mean_pool over batch indices
    sums = jax.ops.segment_sum(h, batch, num_segments=N_GRAPHS)
    counts = jax.ops.segment_sum(jnp.ones((h.shape[0],), dtype=h.dtype), batch, num_segments=N_GRAPHS)
    pooled = sums / jnp.maximum(counts, 1.0)[:, None]
    # final fc
    out = pooled @ fc_W + fc_b
    return out

if __name__ == "__main__":
    import jax
    _d = setup_inputs()
    print(jax.jit(kernel)(*tuple(_d.values())))

</pallas_src>

<mosaic_0001>
#map = affine_map<(d0, d1) -> (0, 0)>
#map1 = affine_map<(d0, d1) -> (0, 0, 0)>
module attributes {stable_mosaic.version = 14 : i64} {
  func.func @_sc_agg_x_body(%arg0: i32, %arg1: i32, %arg2: memref<20000x64xf32, #tpu.memory_space<hbm>>, %arg3: memref<16x80x256xi32, #tpu.memory_space<hbm>>, %arg4: memref<16x80x256xi32, #tpu.memory_space<hbm>>, %arg5: memref<2x10112x64xf32, #tpu.memory_space<hbm>>, %arg6: memref<10112x16xf32, #tpu.memory_space<hbm>>, %arg7: memref<80x256xi32, #tpu.memory_space<vmem>>, %arg8: memref<80x256xi32, #tpu.memory_space<vmem>>, %arg9: memref<256x64xf32, #tpu.memory_space<vmem>>, %arg10: memref<256x64xf32, #tpu.memory_space<vmem>>, %arg11: memref<256x16xf32, #tpu.memory_space<vmem>>, %arg12: memref<10240x64xf32, #tpu.memory_space<vmem_shared>>, %arg13: memref<10240x16xf32, #tpu.memory_space<vmem_shared>>, %arg14: memref<!tpu.dma_semaphore, #tpu.memory_space<semaphore_mem>>, %arg15: memref<!tpu.dma_semaphore, #tpu.memory_space<semaphore_mem>>, %arg16: memref<!tpu.dma_semaphore, #tpu.memory_space<semaphore_mem>>, %arg17: memref<!tpu.dma_semaphore, #tpu.memory_space<semaphore_mem>>, %arg18: memref<!tpu.dma_semaphore, #tpu.memory_space<semaphore_mem>>) attributes {dimension_semantics = [#tpu.dimension_semantics<core_parallel>, #tpu.dimension_semantics<subcore_parallel>], iteration_bounds = array<i64: 2, 16>, scalar_prefetch = 0 : i64, scratch_operands = 12 : i64, tpu.core_type = #tpu.core_type<sc_vector_subcore>, window_params = [{transform_indices = #map}, {transform_indices = #map1}, {transform_indices = #map1}, {transform_indices = #map1}, {transform_indices = #map}]} {
    %broadcast_in_dim3A = arith.constant 0.000000e+00 : f32
    %broadcast_in_dim3A_0 = vector.broadcast %broadcast_in_dim3A : f32 to vector<16xf32>
    %scan3A = arith.constant 0 : i32
    %scan3A_1 = arith.constant 0 : i32
    %scan3A_2 = arith.constant 128 : i32
    %scan3A_3 = arith.addi %scan3A_1, %scan3A_2 : i32
    %scan3A_4 = arith.constant 1 : i32
    scf.for %scan3A_114 = %scan3A_1 to %scan3A_3 step %scan3A_4  : i32 {
      %swap3A = arith.index_cast %scan3A_114 : i32 to index
      %swap3A_115 = arith.constant 0 : index
      %swap3A_116 = tpu.vector_load %arg9[%swap3A, %swap3A_115] {strides = array<i32>} : memref<256x64xf32, #tpu.memory_space<vmem>>, vector<1x16xf32>,
      %swap3A_117 = vector.shape_cast %swap3A_116 : vector<1x16xf32> to vector<16xf32>
      %swap3A_118 = vector.shape_cast %broadcast_in_dim3A_0 : vector<16xf32> to vector<1x16xf32>
      tpu.vector_store %arg9[%swap3A, %swap3A_115], %swap3A_118 {strides = array<i32>} : memref<256x64xf32, #tpu.memory_space<vmem>>, vector<1x16xf32>,
      %swap3A_119 = arith.index_cast %scan3A_114 : i32 to index
      %swap3A_120 = arith.constant 16 : index
      %swap3A_121 = tpu.vector_load %arg9[%swap3A_119, %swap3A_120] {strides = array<i32>} : memref<256x64xf32, #tpu.memory_space<vmem>>, vector<1x16xf32>,
      %swap3A_122 = vector.shape_cast %swap3A_121 : vector<1x16xf32> to vector<16xf32>
      %swap3A_123 = vector.shape_cast %broadcast_in_dim3A_0 : vector<16xf32> to vector<1x16xf32>
      tpu.vector_store %arg9[%swap3A_119, %swap3A_120], %swap3A_123 {strides = array<i32>} : memref<256x64xf32, #tpu.memory_space<vmem>>, vector<1x16xf32>,
      %swap3A_124 = arith.index_cast %scan3A_114 : i32 to index
      %swap3A_125 = arith.constant 32 : index
      %swap3A_126 = tpu.vector_load %arg9[%swap3A_124, %swap3A_125] {strides = array<i32>} : memref<256x64xf32, #tpu.memory_space<vmem>>, vector<1x16xf32>,
      %swap3A_127 = vector.shape_cast %swap3A_126 : vector<1x16xf32> to vector<16xf32>
      %swap3A_128 = vector.shape_cast %broadcast_in_dim3A_0 : vector<16xf32> to vector<1x16xf32>
      tpu.vector_store %arg9[%swap3A_124, %swap3A_125], %swap3A_128 {strides = array<i32>} : memref<256x64xf32, #tpu.memory_space<vmem>>, vector<1x16xf32>,
      %swap3A_129 = arith.index_cast %scan3A_114 : i32 to index
      %swap3A_130 = arith.constant 48 : index
      %swap3A_131 = tpu.vector_load %arg9[%swap3A_129, %swap3A_130] {strides = array<i32>} : memref<256x64xf32, #tpu.memory_space<vmem>>, vector<1x16xf32>,
      %swap3A_132 = vector.shape_cast %swap3A_131 : vector<1x16xf32> to vector<16xf32>
      %swap3A_133 = vector.shape_cast %broadcast_in_dim3A_0 : vector<16xf32> to vector<1x16xf32>
      tpu.vector_store %arg9[%swap3A_129, %swap3A_130], %swap3A_133 {strides = array<i32>} : memref<256x64xf32, #tpu.memory_space<vmem>>, vector<1x16xf32>,
    }
    %scan3A_5 = arith.constant 128 : i32
    %mul3A = arith.constant 640 : i32
    %mul3A_6 = arith.muli %arg1, %mul3A : i32
    %add3A = arith.constant 0 : i32
    %add3A_7 = arith.addi %mul3A_6, %add3A : i32
    "tpu.region"() ({
      %run_scoped3A = tpu.sem_alloc : memref<!tpu.dma_semaphore, #tpu.memory_space<semaphore_mem>>
      %dma_start3A_114 = arith.constant 0 : i32
      %dma_start3A_115 = arith.constant 0 : i32
      %dma_start3A_116 = tpu.memref_slice %arg9[%dma_start3A_114, %dma_start3A_115] : memref<256x64xf32, #tpu.memory_space<vmem>> -> memref<128x64xf32, #tpu.memory_space<vmem>>
      %dma_start3A_117 = arith.constant 0 : i32
      %dma_start3A_118 = tpu.memref_slice %arg12[%add3A_7, %dma_start3A_117] : memref<10240x64xf32, #tpu.memory_space<vmem_shared>> -> memref<128x64xf32, #tpu.memory_space<vmem_shared>>
      %dma_start3A_119 = arith.constant 0 : i32
      %dma_start3A_120 = tpu.memref_slice %arg12[%add3A_7, %dma_start3A_119] : memref<10240x64xf32, #tpu.memory_space<vmem_shared>> -> memref<128x64xf32, #tpu.memory_space<vmem_shared>>
      %dma_start3A_121 = arith.constant 0 : i32
      %dma_start3A_122 = arith.constant 0 : i32
      %dma_start3A_123 = tpu.memref_slice %arg9[%dma_start3A_121, %dma_start3A_122] : memref<256x64xf32, #tpu.memory_space<vmem>> -> memref<128x64xf32, #tpu.memory_space<vmem>>
      tpu.enqueue_dma source(%dma_start3A_123 : memref<128x64xf32, #tpu.memory_space<vmem>>) target(%dma_start3A_120 : memref<128x64xf32, #tpu.memory_space<vmem_shared>>) target_semaphore(%run_scoped3A : memref<!tpu.dma_semaphore, #tpu.memory_space<semaphore_mem>>)
      %dma_wait3A_124 = arith.constant 0 : i32
      %dma_wait3A_125 = arith.constant 0 : i32
      %dma_wait3A_126 = tpu.memref_slice %arg9[%dma_wait3A_124, %dma_wait3A_125] : memref<256x64xf32, #tpu.memory_space<vmem>> -> memref<128x64xf32, #tpu.memory_space<vmem>>
      %dma_wait3A_127 = arith.constant 0 : i32
      %dma_wait3A_128 = tpu.memref_slice %arg12[%add3A_7, %dma_wait3A_127] : memref<10240x64xf32, #tpu.memory_space<vmem_shared>> -> memref<128x64xf32, #tpu.memory_space<vmem_shared>>
      %dma_wait3A_129 = arith.constant 0 : i32
      %dma_wait3A_130 = tpu.memref_slice %arg12[%add3A_7, %dma_wait3A_129] : memref<10240x64xf32, #tpu.memory_space<vmem_shared>> -> memref<128x64xf32, #tpu.memory_space<vmem_shared>>
      %dma_wait3A_131 = arith.constant 0 : i32
      %dma_wait3A_132 = arith.constant 0 : i32
      %dma_wait3A_133 = tpu.memref_slice %arg9[%dma_wait3A_131, %dma_wait3A_132] : memref<256x64xf32, #tpu.memory_space<vmem>> -> memref<128x64xf32, #tpu.memory_space<vmem>>
      tpu.wait_dma2 semaphore(%run_scoped3A : memref<!tpu.dma_semaphore, #tpu.memory_space<semaphore_mem>>) src(%dma_wait3A_133 : memref<128x64xf32, #tpu.memory_space<vmem>>) dst(%dma_wait3A_130 : memref<128x64xf32, #tpu.memory_space<vmem_shared>>)
      tpu.yield
    }) : () -> ()
    %mul3A_8 = arith.constant 640 : i32
    %mul3A_9 = arith.muli %arg1, %mul3A_8 : i32
    %add3A_10 = arith.constant 128 : i32
    %add3A_11 = arith.addi %mul3A_9, %add3A_10 : i32
    "tpu.region"() ({
      %run_scoped3A = tpu.sem_alloc : memref<!tpu.dma_semaphore, #tpu.memory_space<semaphore_mem>>
      %dma_start3A_114 = arith.constant 0 : i32
      %dma_start3A_115 = arith.constant 0 : i32
      %dma_start3A_116 = tpu.memref_slice %arg9[%dma_start3A_114, %dma_start3A_115] : memref<256x64xf32, #tpu.memory_space<vmem>> -> memref<128x64xf32, #tpu.memory_space<vmem>>
      %dma_start3A_117 = arith.constant 0 : i32
      %dma_start3A_118 = tpu.memref_slice %arg12[%add3A_11, %dma_start3A_117] : memref<10240x64xf32, #tpu.memory_space<vmem_shared>> -> memref<128x64xf32, #tpu.memory_space<vmem_shared>>
      %dma_start3A_119 = arith.constant 0 : i32
      %dma_start3A_120 = tpu.memref_slice %arg12[%add3A_11, %dma_start3A_119] : memref<10240x64xf32, #tpu.memory_space<vmem_shared>> -> memref<128x64xf32, #tpu.memory_space<vmem_shared>>
      %dma_start3A_121 = arith.constant 0 : i32
      %dma_start3A_122 = arith.constant 0 : i32
      %dma_start3A_123 = tpu.memref_slice %arg9[%dma_start3A_121, %dma_start3A_122] : memref<256x64xf32, #tpu.memory_space<vmem>> -> memref<128x64xf32, #tpu.memory_space<vmem>>
      tpu.enqueue_dma source(%dma_start3A_123 : memref<128x64xf32, #tpu.memory_space<vmem>>) target(%dma_start3A_120 : memref<128x64xf32, #tpu.memory_space<vmem_shared>>) target_semaphore(%run_scoped3A : memref<!tpu.dma_semaphore, #tpu.memory_space<semaphore_mem>>)
      %dma_wait3A_124 = arith.constant 0 : i32
      %dma_wait3A_125 = arith.constant 0 : i32
      %dma_wait3A_126 = tpu.memref_slice %arg9[%dma_wait3A_124, %dma_wait3A_125] : memref<256x64xf32, #tpu.memory_space<vmem>> -> memref<128x64xf32, #tpu.memory_space<vmem>>
      %dma_wait3A_127 = arith.constant 0 : i32
      %dma_wait3A_128 = tpu.memref_slice %arg12[%add3A_11, %dma_wait3A_127] : memref<10240x64xf32, #tpu.memory_space<vmem_shared>> -> memref<128x64xf32, #tpu.memory_space<vmem_shared>>
      %dma_wait3A_129 = arith.constant 0 : i32
      %dma_wait3A_130 = tpu.memref_slice %arg12[%add3A_11, %dma_wait3A_129] : memref<10240x64xf32, #tpu.memory_space<vmem_shared>> -> memref<128x64xf32, #tpu.memory_space<vmem_shared>>
      %dma_wait3A_131 = arith.constant 0 : i32
      %dma_wait3A_132 = arith.constant 0 : i32
      %dma_wait3A_133 = tpu.memref_slice %arg9[%dma_wait3A_131, %dma_wait3A_132] : memref<256x64xf32, #tpu.memory_space<vmem>> -> memref<128x64xf32, #tpu.memory_space<vmem>>
      tpu.wait_dma2 semaphore(%run_scoped3A : memref<!tpu.dma_semaphore, #tpu.memory_space<semaphore_mem>>) src(%dma_wait3A_133 : memref<128x64xf32, #tpu.memory_space<vmem>>) dst(%dma_wait3A_130 : memref<128x64xf32, #tpu.memory_space<vmem_shared>>)
      tpu.yield
    }) : () -> ()
    %mul3A_12 = arith.constant 640 : i32
    %mul3A_13 = arith.muli %arg1, %mul3A_12 : i32
    %add3A_14 = arith.constant 256 : i32
    %add3A_15 = arith.addi %mul3A_13, %add3A_14 : i32
    "tpu.region"() ({
      %run_scoped3A = tpu.sem_alloc : memref<!tpu.dma_semaphore, #tpu.memory_space<semaphore_mem>>
      %dma_start3A_114 = arith.constant 0 : i32
      %dma_start3A_115 = arith.constant 0 : i32
      %dma_start3A_116 = tpu.memref_slice %arg9[%dma_start3A_114, %dma_start3A_115] : memref<256x64xf32, #tpu.memory_space<vmem>> -> memref<128x64xf32, #tpu.memory_space<vmem>>
      %dma_start3A_117 = arith.constant 0 : i32
      %dma_start3A_118 = tpu.memref_slice %arg12[%add3A_15, %dma_start3A_117] : memref<10240x64xf32, #tpu.memory_space<vmem_shared>> -> memref<128x64xf32, #tpu.memory_space<vmem_shared>>
      %dma_start3A_119 = arith.constant 0 : i32
      %dma_start3A_120 = tpu.memref_slice %arg12[%add3A_15, %dma_start3A_119] : memref<10240x64xf32, #tpu.memory_space<vmem_shared>> -> memref<128x64xf32, #tpu.memory_space<vmem_shared>>
      %dma_start3A_121 = arith.constant 0 : i32
      %dma_start3A_122 = arith.constant 0 : i32
      %dma_start3A_123 = tpu.memref_slice %arg9[%dma_start3A_121, %dma_start3A_122] : memref<256x64xf32, #tpu.memory_space<vmem>> -> memref<128x64xf32, #tpu.memory_space<vmem>>
      tpu.enqueue_dma source(%dma_start3A_123 : memref<128x64xf32, #tpu.memory_space<vmem>>) target(%dma_start3A_120 : memref<128x64xf32, #tpu.memory_space<vmem_shared>>) target_semaphore(%run_scoped3A : memref<!tpu.dma_semaphore, #tpu.memory_space<semaphore_mem>>)
      %dma_wait3A_124 = arith.constant 0 : i32
      %dma_wait3A_125 = arith.constant 0 : i32
      %dma_wait3A_126 = tpu.memref_slice %arg9[%dma_wait3A_124, %dma_wait3A_125] : memref<256x64xf32, #tpu.memory_space<vmem>> -> memref<128x64xf32, #tpu.memory_space<vmem>>
      %dma_wait3A_127 = arith.constant 0 : i32
      %dma_wait3A_128 = tpu.memref_slice %arg12[%add3A_15, %dma_wait3A_127] : memref<10240x64xf32, #tpu.memory_space<vmem_shared>> -> memref<128x64xf32, #tpu.memory_space<vmem_shared>>
      %dma_wait3A_129 = arith.constant 0 : i32
      %dma_wait3A_130 = tpu.memref_slice %arg12[%add3A_15, %dma_wait3A_129] : memref<10240x64xf32, #tpu.memory_space<vmem_shared>> -> memref<128x64xf32, #tpu.memory_space<vmem_shared>>
      %dma_wait3A_131 = arith.constant 0 : i32
      %dma_wait3A_132 = arith.constant 0 : i32
      %dma_wait3A_133 = tpu.memref_slice %arg9[%dma_wait3A_131, %dma_wait3A_132] : memref<256x64xf32, #tpu.memory_space<vmem>> -> memref<128x64xf32, #tpu.memory_space<vmem>>
      tpu.wait_dma2 semaphore(%run_scoped3A : memref<!tpu.dma_semaphore, #tpu.memory_space<semaphore_mem>>) src(%dma_wait3A_133 : memref<128x64xf32, #tpu.memory_space<vmem>>) dst(%dma_wait3A_130 : memref<128x64xf32, #tpu.memory_space<vmem_shared>>)
      tpu.yield
    }) : () -> ()
    %mul3A_16 = arith.constant 640 : i32
    %mul3A_17 = arith.muli %arg1, %mul3A_16 : i32
    %add3A_18 = arith.constant 384 : i32
    %add3A_19 = arith.addi %mul3A_17, %add3A_18 : i32
    "tpu.region"() ({
      %run_scoped3A = tpu.sem_alloc : memref<!tpu.dma_semaphore, #tpu.memory_space<semaphore_mem>>
      %dma_start3A_114 = arith.constant 0 : i32
      %dma_start3A_115 = arith.constant 0 : i32
      %dma_start3A_116 = tpu.memref_slice %arg9[%dma_start3A_114, %dma_start3A_115] : memref<256x64xf32, #tpu.memory_space<vmem>> -> memref<128x64xf32, #tpu.memory_space<vmem>>
      %dma_start3A_117 = arith.constant 0 : i32
      %dma_start3A_118 = tpu.memref_slice %arg12[%add3A_19, %dma_start3A_117] : memref<10240x64xf32, #tpu.memory_space<vmem_shared>> -> memref<128x64xf32, #tpu.memory_space<vmem_shared>>
      %dma_start3A_119 = arith.constant 0 : i32
      %dma_start3A_120 = tpu.memref_slice %arg12[%add3A_19, %dma_start3A_119] : memref<10240x64xf32, #tpu.memory_space<vmem_shared>> -> memref<128x64xf32, #tpu.memory_space<vmem_shared>>
      %dma_start3A_121 = arith.constant 0 : i32
      %dma_start3A_122 = arith.constant 0 : i32
      %dma_start3A_123 = tpu.memref_slice %arg9[%dma_start3A_121, %dma_start3A_122] : memref<256x64xf32, #tpu.memory_space<vmem>> -> memref<128x64xf32, #tpu.memory_space<vmem>>
      tpu.enqueue_dma source(%dma_start3A_123 : memref<128x64xf32, #tpu.memory_space<vmem>>) target(%dma_start3A_120 : memref<128x64xf32, #tpu.memory_space<vmem_shared>>) target_semaphore(%run_scoped3A : memref<!tpu.dma_semaphore, #tpu.memory_space<semaphore_mem>>)
      %dma_wait3A_124 = arith.constant 0 : i32
      %dma_wait3A_125 = arith.constant 0 : i32
      %dma_wait3A_126 = tpu.memref_slice %arg9[%dma_wait3A_124, %dma_wait3A_125] : memref<256x64xf32, #tpu.memory_space<vmem>> -> memref<128x64xf32, #tpu.memory_space<vmem>>
      %dma_wait3A_127 = arith.constant 0 : i32
      %dma_wait3A_128 = tpu.memref_slice %arg12[%add3A_19, %dma_wait3A_127] : memref<10240x64xf32, #tpu.memory_space<vmem_shared>> -> memref<128x64xf32, #tpu.memory_space<vmem_shared>>
      %dma_wait3A_129 = arith.constant 0 : i32
      %dma_wait3A_130 = tpu.memref_slice %arg12[%add3A_19, %dma_wait3A_129] : memref<10240x64xf32, #tpu.memory_space<vmem_shared>> -> memref<128x64xf32, #tpu.memory_space<vmem_shared>>
      %dma_wait3A_131 = arith.constant 0 : i32
      %dma_wait3A_132 = arith.constant 0 : i32
      %dma_wait3A_133 = tpu.memref_slice %arg9[%dma_wait3A_131, %dma_wait3A_132] : memref<256x64xf32, #tpu.memory_space<vmem>> -> memref<128x64xf32, #tpu.memory_space<vmem>>
      tpu.wait_dma2 semaphore(%run_scoped3A : memref<!tpu.dma_semaphore, #tpu.memory_space<semaphore_mem>>) src(%dma_wait3A_133 : memref<128x64xf32, #tpu.memory_space<vmem>>) dst(%dma_wait3A_130 : memref<128x64xf32, #tpu.memory_space<vmem_shared>>)
      tpu.yield
    }) : () -> ()
    %mul3A_20 = arith.constant 640 : i32
    %mul3A_21 = arith.muli %arg1, %mul3A_20 : i32
    %add3A_22 = arith.constant 512 : i32
    %add3A_23 = arith.addi %mul3A_21, %add3A_22 : i32
    "tpu.region"() ({
      %run_scoped3A = tpu.sem_alloc : memref<!tpu.dma_semaphore, #tpu.memory_space<semaphore_mem>>
      %dma_start3A_114 = arith.constant 0 : i32
      %dma_start3A_115 = arith.constant 0 : i32
      %dma_start3A_116 = tpu.memref_slice %arg9[%dma_start3A_114, %dma_start3A_115] : memref<256x64xf32, #tpu.memory_space<vmem>> -> memref<128x64xf32, #tpu.memory_space<vmem>>
      %dma_start3A_117 = arith.constant 0 : i32
      %dma_start3A_118 = tpu.memref_slice %arg12[%add3A_23, %dma_start3A_117] : memref<10240x64xf32, #tpu.memory_space<vmem_shared>> -> memref<128x64xf32, #tpu.memory_space<vmem_shared>>
      %dma_start3A_119 = arith.constant 0 : i32
      %dma_start3A_120 = tpu.memref_slice %arg12[%add3A_23, %dma_start3A_119] : memref<10240x64xf32, #tpu.memory_space<vmem_shared>> -> memref<128x64xf32, #tpu.memory_space<vmem_shared>>
      %dma_start3A_121 = arith.constant 0 : i32
      %dma_start3A_122 = arith.constant 0 : i32
      %dma_start3A_123 = tpu.memref_slice %arg9[%dma_start3A_121, %dma_start3A_122] : memref<256x64xf32, #tpu.memory_space<vmem>> -> memref<128x64xf32, #tpu.memory_space<vmem>>
      tpu.enqueue_dma source(%dma_start3A_123 : memref<128x64xf32, #tpu.memory_space<vmem>>) target(%dma_start3A_120 : memref<128x64xf32, #tpu.memory_space<vmem_shared>>) target_semaphore(%run_scoped3A : memref<!tpu.dma_semaphore, #tpu.memory_space<semaphore_mem>>)
      %dma_wait3A_124 = arith.constant 0 : i32
      %dma_wait3A_125 = arith.constant 0 : i32
      %dma_wait3A_126 = tpu.memref_slice %arg9[%dma_wait3A_124, %dma_wait3A_125] : memref<256x64xf32, #tpu.memory_space<vmem>> -> memref<128x64xf32, #tpu.memory_space<vmem>>
      %dma_wait3A_127 = arith.constant 0 : i32
      %dma_wait3A_128 = tpu.memref_slice %arg12[%add3A_23, %dma_wait3A_127] : memref<10240x64xf32, #tpu.memory_space<vmem_shared>> -> memref<128x64xf32, #tpu.memory_space<vmem_shared>>
      %dma_wait3A_129 = arith.constant 0 : i32
      %dma_wait3A_130 = tpu.memref_slice %arg12[%add3A_23, %dma_wait3A_129] : memref<10240x64xf32, #tpu.memory_space<vmem_shared>> -> memref<128x64xf32, #tpu.memory_space<vmem_shared>>
      %dma_wait3A_131 = arith.constant 0 : i32
      %dma_wait3A_132 = arith.constant 0 : i32
      %dma_wait3A_133 = tpu.memref_slice %arg9[%dma_wait3A_131, %dma_wait3A_132] : memref<256x64xf32, #tpu.memory_space<vmem>> -> memref<128x64xf32, #tpu.memory_space<vmem>>
      tpu.wait_dma2 semaphore(%run_scoped3A : memref<!tpu.dma_semaphore, #tpu.memory_space<semaphore_mem>>) src(%dma_wait3A_133 : memref<128x64xf32, #tpu.memory_space<vmem>>) dst(%dma_wait3A_130 : memref<128x64xf32, #tpu.memory_space<vmem_shared>>)
      tpu.yield
    }) : () -> ()
    %eq3A = arith.constant 1 : i32
    %eq3A_24 = arith.cmpi eq, %arg0, %eq3A : i32
    %convert_element_type3A = arith.extui %eq3A_24 : i1 to i32
    %cond3A = arith.constant 0 : i32
    %cond3A_25 = arith.cmpi ne, %convert_element_type3A, %cond3A : i32
    scf.if %cond3A_25 {
      %broadcast_in_dim3A_114 = arith.constant 0.000000e+00 : f32
      %broadcast_in_dim3A_115 = vector.broadcast %broadcast_in_dim3A_114 : f32 to vector<16xf32>
      %scan3A_116 = arith.constant 0 : i32
      %scan3A_117 = arith.constant 0 : i32
      %scan3A_118 = arith.constant 128 : i32
      %scan3A_119 = arith.addi %scan3A_117, %scan3A_118 : i32
      %scan3A_120 = arith.constant 1 : i32
      scf.for %scan3A_150 = %scan3A_117 to %scan3A_119 step %scan3A_120  : i32 {
        %swap3A = arith.index_cast %scan3A_150 : i32 to index
        %swap3A_151 = arith.constant 0 : index
        %swap3A_152 = tpu.vector_load %arg11[%swap3A, %swap3A_151] {strides = array<i32>} : memref<256x16xf32, #tpu.memory_space<vmem>>, vector<1x16xf32>,
        %swap3A_153 = vector.shape_cast %swap3A_152 : vector<1x16xf32> to vector<16xf32>
        %swap3A_154 = vector.shape_cast %broadcast_in_dim3A_115 : vector<16xf32> to vector<1x16xf32>
        tpu.vector_store %arg11[%swap3A, %swap3A_151], %swap3A_154 {strides = array<i32>} : memref<256x16xf32, #tpu.memory_space<vmem>>, vector<1x16xf32>,
      }
      %scan3A_121 = arith.constant 128 : i32
      %mul3A_122 = arith.constant 640 : i32
      %mul3A_123 = arith.muli %arg1, %mul3A_122 : i32
      %add3A_124 = arith.constant 0 : i32
      %add3A_125 = arith.addi %mul3A_123, %add3A_124 : i32
      "tpu.region"() ({
        %run_scoped3A = tpu.sem_alloc : memref<!tpu.dma_semaphore, #tpu.memory_space<semaphore_mem>>
        %dma_start3A_150 = arith.constant 0 : i32
        %dma_start3A_151 = arith.constant 0 : i32
        %dma_start3A_152 = tpu.memref_slice %arg11[%dma_start3A_150, %dma_start3A_151] : memref<256x16xf32, #tpu.memory_space<vmem>> -> memref<128x16xf32, #tpu.memory_space<vmem>>
        %dma_start3A_153 = arith.constant 0 : i32
        %dma_start3A_154 = tpu.memref_slice %arg13[%add3A_125, %dma_start3A_153] : memref<10240x16xf32, #tpu.memory_space<vmem_shared>> -> memref<128x16xf32, #tpu.memory_space<vmem_shared>>
        %dma_start3A_155 = arith.constant 0 : i32
        %dma_start3A_156 = tpu.memref_slice %arg13[%add3A_125, %dma_start3A_155] : memref<10240x16xf32, #tpu.memory_space<vmem_shared>> -> memref<128x16xf32, #tpu.memory_space<vmem_shared>>
        %dma_start3A_157 = arith.constant 0 : i32
        %dma_start3A_158 = arith.constant 0 : i32
        %dma_start3A_159 = tpu.memref_slice %arg11[%dma_start3A_157, %dma_start3A_158] : memref<256x16xf32, #tpu.memory_space<vmem>> -> memref<128x16xf32, #tpu.memory_space<vmem>>
        tpu.enqueue_dma source(%dma_start3A_159 : memref<128x16xf32, #tpu.memory_space<vmem>>) target(%dma_start3A_156 : memref<128x16xf32, #tpu.memory_space<vmem_shared>>) target_semaphore(%run_scoped3A : memref<!tpu.dma_semaphore, #tpu.memory_space<semaphore_mem>>)
        %dma_wait3A_160 = arith.constant 0 : i32
        %dma_wait3A_161 = arith.constant 0 : i32
        %dma_wait3A_162 = tpu.memref_slice %arg11[%dma_wait3A_160, %dma_wait3A_161] : memref<256x16xf32, #tpu.memory_space<vmem>> -> memref<128x16xf32, #tpu.memory_space<vmem>>
        %dma_wait3A_163 = arith.constant 0 : i32
        %dma_wait3A_164 = tpu.memref_slice %arg13[%add3A_125, %dma_wait3A_163] : memref<10240x16xf32, #tpu.memory_space<vmem_shared>> -> memref<128x16xf32, #tpu.memory_space<vmem_shared>>
        %dma_wait3A_165 = arith.constant 0 : i32
        %dma_wait3A_166 = tpu.memref_slice %arg13[%add3A_125, %dma_wait3A_165] : memref<10240x16xf32, #tpu.memory_space<vmem_shared>> -> memref<128x16xf32, #tpu.memory_space<vmem_shared>>
        %dma_wait3A_167 = arith.constant 0 : i32
        %dma_wait3A_168 = arith.constant 0 : i32
        %dma_wait3A_169 = tpu.memref_slice %arg11[%dma_wait3A_167, %dma_wait3A_168] : memref<256x16xf32, #tpu.memory_space<vmem>> -> memref<128x16xf32, #tpu.memory_space<vmem>>
        tpu.wait_dma2 semaphore(%run_scoped3A : memref<!tpu.dma_semaphore, #tpu.memory_space<semaphore_mem>>) src(%dma_wait3A_169 : memref<128x16xf32, #tpu.memory_space<vmem>>) dst(%dma_wait3A_166 : memref<128x16xf32, #tpu.memory_space<vmem_shared>>)
        tpu.yield
      }) : () -> ()
      %mul3A_126 = arith.constant 640 : i32
      %mul3A_127 = arith.muli %arg1, %mul3A_126 : i32
      %add3A_128 = arith.constant 128 : i32
      %add3A_129 = arith.addi %mul3A_127, %add3A_128 : i32
      "tpu.region"() ({
        %run_scoped3A = tpu.sem_alloc : memref<!tpu.dma_semaphore, #tpu.memory_space<semaphore_mem>>
        %dma_start3A_150 = arith.constant 0 : i32
        %dma_start3A_151 = arith.constant 0 : i32
        %dma_start3A_152 = tpu.memref_slice %arg11[%dma_start3A_150, %dma_start3A_151] : memref<256x16xf32, #tpu.memory_space<vmem>> -> memref<128x16xf32, #tpu.memory_space<vmem>>
        %dma_start3A_153 = arith.constant 0 : i32
        %dma_start3A_154 = tpu.memref_slice %arg13[%add3A_129, %dma_start3A_153] : memref<10240x16xf32, #tpu.memory_space<vmem_shared>> -> memref<128x16xf32, #tpu.memory_space<vmem_shared>>
        %dma_start3A_155 = arith.constant 0 : i32
        %dma_start3A_156 = tpu.memref_slice %arg13[%add3A_129, %dma_start3A_155] : memref<10240x16xf32, #tpu.memory_space<vmem_shared>> -> memref<128x16xf32, #tpu.memory_space<vmem_shared>>
        %dma_start3A_157 = arith.constant 0 : i32
        %dma_start3A_158 = arith.constant 0 : i32
        %dma_start3A_159 = tpu.memref_slice %arg11[%dma_start3A_157, %dma_start3A_158] : memref<256x16xf32, #tpu.memory_space<vmem>> -> memref<128x16xf32, #tpu.memory_space<vmem>>
        tpu.enqueue_dma source(%dma_start3A_159 : memref<128x16xf32, #tpu.memory_space<vmem>>) target(%dma_start3A_156 : memref<128x16xf32, #tpu.memory_space<vmem_shared>>) target_semaphore(%run_scoped3A : memref<!tpu.dma_semaphore, #tpu.memory_space<semaphore_mem>>)
        %dma_wait3A_160 = arith.constant 0 : i32
        %dma_wait3A_161 = arith.constant 0 : i32
        %dma_wait3A_162 = tpu.memref_slice %arg11[%dma_wait3A_160, %dma_wait3A_161] : memref<256x16xf32, #tpu.memory_space<vmem>> -> memref<128x16xf32, #tpu.memory_space<vmem>>
        %dma_wait3A_163 = arith.constant 0 : i32
        %dma_wait3A_164 = tpu.memref_slice %arg13[%add3A_129, %dma_wait3A_163] : memref<10240x16xf32, #tpu.memory_space<vmem_shared>> -> memref<128x16xf32, #tpu.memory_space<vmem_shared>>
        %dma_wait3A_165 = arith.constant 0 : i32
        %dma_wait3A_166 = tpu.memref_slice %arg13[%add3A_129, %dma_wait3A_165] : memref<10240x16xf32, #tpu.memory_space<vmem_shared>> -> memref<128x16xf32, #tpu.memory_space<vmem_shared>>
        %dma_wait3A_167 = arith.constant 0 : i32
        %dma_wait3A_168 = arith.constant 0 : i32
        %dma_wait3A_169 = tpu.memref_slice %arg11[%dma_wait3A_167, %dma_wait3A_168] : memref<256x16xf32, #tpu.memory_space<vmem>> -> memref<128x16xf32, #tpu.memory_space<vmem>>
        tpu.wait_dma2 semaphore(%run_scoped3A : memref<!tpu.dma_semaphore, #tpu.memory_space<semaphore_mem>>) src(%dma_wait3A_169 : memref<128x16xf32, #tpu.memory_space<vmem>>) dst(%dma_wait3A_166 : memref<128x16xf32, #tpu.memory_space<vmem_shared>>)
        tpu.yield
      }) : () -> ()
      %mul3A_130 = arith.constant 640 : i32
      %mul3A_131 = arith.muli %arg1, %mul3A_130 : i32
      %add3A_132 = arith.constant 256 : i32
      %add3A_133 = arith.addi %mul3A_131, %add3A_132 : i32
      "tpu.region"() ({
        %run_scoped3A = tpu.sem_alloc : memref<!tpu.dma_semaphore, #tpu.memory_space<semaphore_mem>>
        %dma_start3A_150 = arith.constant 0 : i32
        %dma_start3A_151 = arith.constant 0 : i32
        %dma_start3A_152 = tpu.memref_slice %arg11[%dma_start3A_150, %dma_start3A_151] : memref<256x16xf32, #tpu.memory_space<vmem>> -> memref<128x16xf32, #tpu.memory_space<vmem>>
        %dma_start3A_153 = arith.constant 0 : i32
        %dma_start3A_154 = tpu.memref_slice %arg13[%add3A_133, %dma_start3A_153] : memref<10240x16xf32, #tpu.memory_space<vmem_shared>> -> memref<128x16xf32, #tpu.memory_space<vmem_shared>>
        %dma_start3A_155 = arith.constant 0 : i32
        %dma_start3A_156 = tpu.memref_slice %arg13[%add3A_133, %dma_start3A_155] : memref<10240x16xf32, #tpu.memory_space<vmem_shared>> -> memref<128x16xf32, #tpu.memory_space<vmem_shared>>
        %dma_start3A_157 = arith.constant 0 : i32
        %dma_start3A_158 = arith.constant 0 : i32
        %dma_start3A_159 = tpu.memref_slice %arg11[%dma_start3A_157, %dma_start3A_158] : memref<256x16xf32, #tpu.memory_space<vmem>> -> memref<128x16xf32, #tpu.memory_space<vmem>>
        tpu.enqueue_dma source(%dma_start3A_159 : memref<128x16xf32, #tpu.memory_space<vmem>>) target(%dma_start3A_156 : memref<128x16xf32, #tpu.memory_space<vmem_shared>>) target_semaphore(%run_scoped3A : memref<!tpu.dma_semaphore, #tpu.memory_space<semaphore_mem>>)
        %dma_wait3A_160 = arith.constant 0 : i32
        %dma_wait3A_161 = arith.constant 0 : i32
        %dma_wait3A_162 = tpu.memref_slice %arg11[%dma_wait3A_160, %dma_wait3A_161] : memref<256x16xf32, #tpu.memory_space<vmem>> -> memref<128x16xf32, #tpu.memory_space<vmem>>
        %dma_wait3A_163 = arith.constant 0 : i32
        %dma_wait3A_164 = tpu.memref_slice %arg13[%add3A_133, %dma_wait3A_163] : memref<10240x16xf32, #tpu.memory_space<vmem_shared>> -> memref<128x16xf32, #tpu.memory_space<vmem_shared>>
        %dma_wait3A_165 = arith.constant 0 : i32
        %dma_wait3A_166 = tpu.memref_slice %arg13[%add3A_133, %dma_wait3A_165] : memref<10240x16xf32, #tpu.memory_space<vmem_shared>> -> memref<128x16xf32, #tpu.memory_space<vmem_shared>>
        %dma_wait3A_167 = arith.constant 0 : i32
        %dma_wait3A_168 = arith.constant 0 : i32
        %dma_wait3A_169 = tpu.memref_slice %arg11[%dma_wait3A_167, %dma_wait3A_168] : memref<256x16xf32, #tpu.memory_space<vmem>> -> memref<128x16xf32, #tpu.memory_space<vmem>>
        tpu.wait_dma2 semaphore(%run_scoped3A : memref<!tpu.dma_semaphore, #tpu.memory_space<semaphore_mem>>) src(%dma_wait3A_169 : memref<128x16xf32, #tpu.memory_space<vmem>>) dst(%dma_wait3A_166 : memref<128x16xf32, #tpu.memory_space<vmem_shared>>)
        tpu.yield
      }) : () -> ()
      %mul3A_134 = arith.constant 640 : i32
      %mul3A_135 = arith.muli %arg1, %mul3A_134 : i32
      %add3A_136 = arith.constant 384 : i32
      %add3A_137 = arith.addi %mul3A_135, %add3A_136 : i32
      "tpu.region"() ({
        %run_scoped3A = tpu.sem_alloc : memref<!tpu.dma_semaphore, #tpu.memory_space<semaphore_mem>>
        %dma_start3A_150 = arith.constant 0 : i32
        %dma_start3A_151 = arith.constant 0 : i32
        %dma_start3A_152 = tpu.memref_slice %arg11[%dma_start3A_150, %dma_start3A_151] : memref<256x16xf32, #tpu.memory_space<vmem>> -> memref<128x16xf32, #tpu.memory_space<vmem>>
        %dma_start3A_153 = arith.constant 0 : i32
        %dma_start3A_154 = tpu.memref_slice %arg13[%add3A_137, %dma_start3A_153] : memref<10240x16xf32, #tpu.memory_space<vmem_shared>> -> memref<128x16xf32, #tpu.memory_space<vmem_shared>>
        %dma_start3A_155 = arith.constant 0 : i32
        %dma_start3A_156 = tpu.memref_slice %arg13[%add3A_137, %dma_start3A_155] : memref<10240x16xf32, #tpu.memory_space<vmem_shared>> -> memref<128x16xf32, #tpu.memory_space<vmem_shared>>
        %dma_start3A_157 = arith.constant 0 : i32
        %dma_start3A_158 = arith.constant 0 : i32
        %dma_start3A_159 = tpu.memref_slice %arg11[%dma_start3A_157, %dma_start3A_158] : memref<256x16xf32, #tpu.memory_space<vmem>> -> memref<128x16xf32, #tpu.memory_space<vmem>>
        tpu.enqueue_dma source(%dma_start3A_159 : memref<128x16xf32, #tpu.memory_space<vmem>>) target(%dma_start3A_156 : memref<128x16xf32, #tpu.memory_space<vmem_shared>>) target_semaphore(%run_scoped3A : memref<!tpu.dma_semaphore, #tpu.memory_space<semaphore_mem>>)
        %dma_wait3A_160 = arith.constant 0 : i32
        %dma_wait3A_161 = arith.constant 0 : i32
        %dma_wait3A_162 = tpu.memref_slice %arg11[%dma_wait3A_160, %dma_wait3A_161] : memref<256x16xf32, #tpu.memory_space<vmem>> -> memref<128x16xf32, #tpu.memory_space<vmem>>
        %dma_wait3A_163 = arith.constant 0 : i32
        %dma_wait3A_164 = tpu.memref_slice %arg13[%add3A_137, %dma_wait3A_163] : memref<10240x16xf32, #tpu.memory_space<vmem_shared>> -> memref<128x16xf32, #tpu.memory_space<vmem_shared>>
        %dma_wait3A_165 = arith.constant 0 : i32
        %dma_wait3A_166 = tpu.memref_slice %arg13[%add3A_137, %dma_wait3A_165] : memref<10240x16xf32, #tpu.memory_space<vmem_shared>> -> memref<128x16xf32, #tpu.memory_space<vmem_shared>>
        %dma_wait3A_167 = arith.constant 0 : i32
        %dma_wait3A_168 = arith.constant 0 : i32
        %dma_wait3A_169 = tpu.memref_slice %arg11[%dma_wait3A_167, %dma_wait3A_168] : memref<256x16xf32, #tpu.memory_space<vmem>> -> memref<128x16xf32, #tpu.memory_space<vmem>>
        tpu.wait_dma2 semaphore(%run_scoped3A : memref<!tpu.dma_semaphore, #tpu.memory_space<semaphore_mem>>) src(%dma_wait3A_169 : memref<128x16xf32, #tpu.memory_space<vmem>>) dst(%dma_wait3A_166 : memref<128x16xf32, #tpu.memory_space<vmem_shared>>)
        tpu.yield
      }) : () -> ()
      %mul3A_138 = arith.constant 640 : i32
      %mul3A_139 = arith.muli %arg1, %mul3A_138 : i32
      %add3A_140 = arith.constant 512 : i32
      %add3A_141 = arith.addi %mul3A_139, %add3A_140 : i32
      "tpu.region"() ({
        %run_scoped3A = tpu.sem_alloc : memref<!tpu.dma_semaphore, #tpu.memory_space<semaphore_mem>>
        %dma_start3A_150 = arith.constant 0 : i32
        %dma_start3A_151 = arith.constant 0 : i32
        %dma_start3A_152 = tpu.memref_slice %arg11[%dma_start3A_150, %dma_start3A_151] : memref<256x16xf32, #tpu.memory_space<vmem>> -> memref<128x16xf32, #tpu.memory_space<vmem>>
        %dma_start3A_153 = arith.constant 0 : i32
        %dma_start3A_154 = tpu.memref_slice %arg13[%add3A_141, %dma_start3A_153] : memref<10240x16xf32, #tpu.memory_space<vmem_shared>> -> memref<128x16xf32, #tpu.memory_space<vmem_shared>>
        %dma_start3A_155 = arith.constant 0 : i32
        %dma_start3A_156 = tpu.memref_slice %arg13[%add3A_141, %dma_start3A_155] : memref<10240x16xf32, #tpu.memory_space<vmem_shared>> -> memref<128x16xf32, #tpu.memory_space<vmem_shared>>
        %dma_start3A_157 = arith.constant 0 : i32
        %dma_start3A_158 = arith.constant 0 : i32
        %dma_start3A_159 = tpu.memref_slice %arg11[%dma_start3A_157, %dma_start3A_158] : memref<256x16xf32, #tpu.memory_space<vmem>> -> memref<128x16xf32, #tpu.memory_space<vmem>>
        tpu.enqueue_dma source(%dma_start3A_159 : memref<128x16xf32, #tpu.memory_space<vmem>>) target(%dma_start3A_156 : memref<128x16xf32, #tpu.memory_space<vmem_shared>>) target_semaphore(%run_scoped3A : memref<!tpu.dma_semaphore, #tpu.memory_space<semaphore_mem>>)
        %dma_wait3A_160 = arith.constant 0 : i32
        %dma_wait3A_161 = arith.constant 0 : i32
        %dma_wait3A_162 = tpu.memref_slice %arg11[%dma_wait3A_160, %dma_wait3A_161] : memref<256x16xf32, #tpu.memory_space<vmem>> -> memref<128x16xf32, #tpu.memory_space<vmem>>
        %dma_wait3A_163 = arith.constant 0 : i32
        %dma_wait3A_164 = tpu.memref_slice %arg13[%add3A_141, %dma_wait3A_163] : memref<10240x16xf32, #tpu.memory_space<vmem_shared>> -> memref<128x16xf32, #tpu.memory_space<vmem_shared>>
        %dma_wait3A_165 = arith.constant 0 : i32
        %dma_wait3A_166 = tpu.memref_slice %arg13[%add3A_141, %dma_wait3A_165] : memref<10240x16xf32, #tpu.memory_space<vmem_shared>> -> memref<128x16xf32, #tpu.memory_space<vmem_shared>>
        %dma_wait3A_167 = arith.constant 0 : i32
        %dma_wait3A_168 = arith.constant 0 : i32
        %dma_wait3A_169 = tpu.memref_slice %arg11[%dma_wait3A_167, %dma_wait3A_168] : memref<256x16xf32, #tpu.memory_space<vmem>> -> memref<128x16xf32, #tpu.memory_space<vmem>>
        tpu.wait_dma2 semaphore(%run_scoped3A : memref<!tpu.dma_semaphore, #tpu.memory_space<semaphore_mem>>) src(%dma_wait3A_169 : memref<128x16xf32, #tpu.memory_space<vmem>>) dst(%dma_wait3A_166 : memref<128x16xf32, #tpu.memory_space<vmem_shared>>)
        tpu.yield
      }) : () -> ()
      %broadcast_in_dim3A_142 = arith.constant 1.000000e+00 : f32
      %broadcast_in_dim3A_143 = vector.broadcast %broadcast_in_dim3A_142 : f32 to vector<16xf32>
      %scan3A_144 = arith.constant 0 : i32
      %scan3A_145 = arith.constant 0 : i32
      %scan3A_146 = arith.constant 256 : i32
      %scan3A_147 = arith.addi %scan3A_145, %scan3A_146 : i32
      %scan3A_148 = arith.constant 1 : i32
      scf.for %scan3A_150 = %scan3A_145 to %scan3A_147 step %scan3A_148  : i32 {
        %swap3A = arith.index_cast %scan3A_150 : i32 to index
        %swap3A_151 = arith.constant 0 : index
        %swap3A_152 = tpu.vector_load %arg11[%swap3A, %swap3A_151] {strides = array<i32>} : memref<256x16xf32, #tpu.memory_space<vmem>>, vector<1x16xf32>,
        %swap3A_153 = vector.shape_cast %swap3A_152 : vector<1x16xf32> to vector<16xf32>
        %swap3A_154 = vector.shape_cast %broadcast_in_dim3A_143 : vector<16xf32> to vector<1x16xf32>
        tpu.vector_store %arg11[%swap3A, %swap3A_151], %swap3A_154 {strides = array<i32>} : memref<256x16xf32, #tpu.memory_space<vmem>>, vector<1x16xf32>,
      }
      %scan3A_149 = arith.constant 256 : i32
    } else {
    }
    "tpu.region"() ({
      %run_scoped3A = tpu.sem_alloc : memref<!tpu.dma_semaphore, #tpu.memory_space<semaphore_mem>>
      %dma_start3A_114 = arith.constant 0 : i32
      %dma_start3A_115 = arith.constant 0 : i32
      %dma_start3A_116 = tpu.memref_slice %arg3[%arg1, %dma_start3A_114, %dma_start3A_115] : memref<16x80x256xi32, #tpu.memory_space<hbm>> -> memref<1x80x256xi32, #tpu.memory_space<hbm>>
      %dma_start3A_117 = tpu.memref_squeeze %dma_start3A_116 : memref<1x80x256xi32, #tpu.memory_space<hbm>> -> memref<80x256xi32, #tpu.memory_space<hbm>>
      %dma_start3A_118 = arith.constant 0 : i32
      %dma_start3A_119 = arith.constant 0 : i32
      %dma_start3A_120 = tpu.memref_slice %arg3[%arg1, %dma_start3A_118, %dma_start3A_119] : memref<16x80x256xi32, #tpu.memory_space<hbm>> -> memref<1x80x256xi32, #tpu.memory_space<hbm>>
      %dma_start3A_121 = tpu.memref_squeeze %dma_start3A_120 : memref<1x80x256xi32, #tpu.memory_space<hbm>> -> memref<80x256xi32, #tpu.memory_space<hbm>>
      tpu.enqueue_dma source(%dma_start3A_121 : memref<80x256xi32, #tpu.memory_space<hbm>>) target(%arg7 : memref<80x256xi32, #tpu.memory_space<vmem>>) target_semaphore(%run_scoped3A : memref<!tpu.dma_semaphore, #tpu.memory_space<semaphore_mem>>)
      %dma_wait3A_122 = arith.constant 0 : i32
      %dma_wait3A_123 = arith.constant 0 : i32
      %dma_wait3A_124 = tpu.memref_slice %arg3[%arg1, %dma_wait3A_122, %dma_wait3A_123] : memref<16x80x256xi32, #tpu.memory_space<hbm>> -> memref<1x80x256xi32, #tpu.memory_space<hbm>>
      %dma_wait3A_125 = tpu.memref_squeeze %dma_wait3A_124 : memref<1x80x256xi32, #tpu.memory_space<hbm>> -> memref<80x256xi32, #tpu.memory_space<hbm>>
      %dma_wait3A_126 = arith.constant 0 : i32
      %dma_wait3A_127 = arith.constant 0 : i32
      %dma_wait3A_128 = tpu.memref_slice %arg3[%arg1, %dma_wait3A_126, %dma_wait3A_127] : memref<16x80x256xi32, #tpu.memory_space<hbm>> -> memref<1x80x256xi32, #tpu.memory_space<hbm>>
      %dma_wait3A_129 = tpu.memref_squeeze %dma_wait3A_128 : memref<1x80x256xi32, #tpu.memory_space<hbm>> -> memref<80x256xi32, #tpu.memory_space<hbm>>
      tpu.wait_dma2 semaphore(%run_scoped3A : memref<!tpu.dma_semaphore, #tpu.memory_space<semaphore_mem>>) src(%dma_wait3A_129 : memref<80x256xi32, #tpu.memory_space<hbm>>) dst(%arg7 : memref<80x256xi32, #tpu.memory_space<vmem>>)
      tpu.yield
    }) : () -> ()
    "tpu.region"() ({
      %run_scoped3A = tpu.sem_alloc : memref<!tpu.dma_semaphore, #tpu.memory_space<semaphore_mem>>
      %dma_start3A_114 = arith.constant 0 : i32
      %dma_start3A_115 = arith.constant 0 : i32
      %dma_start3A_116 = tpu.memref_slice %arg4[%arg1, %dma_start3A_114, %dma_start3A_115] : memref<16x80x256xi32, #tpu.memory_space<hbm>> -> memref<1x80x256xi32, #tpu.memory_space<hbm>>
      %dma_start3A_117 = tpu.memref_squeeze %dma_start3A_116 : memref<1x80x256xi32, #tpu.memory_space<hbm>> -> memref<80x256xi32, #tpu.memory_space<hbm>>
      %dma_start3A_118 = arith.constant 0 : i32
      %dma_start3A_119 = arith.constant 0 : i32
      %dma_start3A_120 = tpu.memref_slice %arg4[%arg1, %dma_start3A_118, %dma_start3A_119] : memref<16x80x256xi32, #tpu.memory_space<hbm>> -> memref<1x80x256xi32, #tpu.memory_space<hbm>>
      %dma_start3A_121 = tpu.memref_squeeze %dma_start3A_120 : memref<1x80x256xi32, #tpu.memory_space<hbm>> -> memref<80x256xi32, #tpu.memory_space<hbm>>
      tpu.enqueue_dma source(%dma_start3A_121 : memref<80x256xi32, #tpu.memory_space<hbm>>) target(%arg8 : memref<80x256xi32, #tpu.memory_space<vmem>>) target_semaphore(%run_scoped3A : memref<!tpu.dma_semaphore, #tpu.memory_space<semaphore_mem>>)
      %dma_wait3A_122 = arith.constant 0 : i32
      %dma_wait3A_123 = arith.constant 0 : i32
      %dma_wait3A_124 = tpu.memref_slice %arg4[%arg1, %dma_wait3A_122, %dma_wait3A_123] : memref<16x80x256xi32, #tpu.memory_space<hbm>> -> memref<1x80x256xi32, #tpu.memory_space<hbm>>
      %dma_wait3A_125 = tpu.memref_squeeze %dma_wait3A_124 : memref<1x80x256xi32, #tpu.memory_space<hbm>> -> memref<80x256xi32, #tpu.memory_space<hbm>>
      %dma_wait3A_126 = arith.constant 0 : i32
      %dma_wait3A_127 = arith.constant 0 : i32
      %dma_wait3A_128 = tpu.memref_slice %arg4[%arg1, %dma_wait3A_126, %dma_wait3A_127] : memref<16x80x256xi32, #tpu.memory_space<hbm>> -> memref<1x80x256xi32, #tpu.memory_space<hbm>>
      %dma_wait3A_129 = tpu.memref_squeeze %dma_wait3A_128 : memref<1x80x256xi32, #tpu.memory_space<hbm>> -> memref<80x256xi32, #tpu.memory_space<hbm>>
      tpu.wait_dma2 semaphore(%run_scoped3A : memref<!tpu.dma_semaphore, #tpu.memory_space<semaphore_mem>>) src(%dma_wait3A_129 : memref<80x256xi32, #tpu.memory_space<hbm>>) dst(%arg8 : memref<80x256xi32, #tpu.memory_space<vmem>>)
      tpu.yield
    }) : () -> ()
    %mul3A_26 = arith.constant 10000 : i32
    %mul3A_27 = arith.muli %arg0, %mul3A_26 : i32
    %scan3A_28 = arith.constant 0 : i32
    %scan3A_29 = arith.constant 0 : i32
    %scan3A_30 = arith.constant 80 : i32
    %scan3A_31 = arith.addi %scan3A_29, %scan3A_30 : i32
    %scan3A_32 = arith.constant 1 : i32
    scf.for %scan3A_114 = %scan3A_29 to %scan3A_31 step %scan3A_32  : i32 {
      %get3A = arith.index_cast %scan3A_114 : i32 to index
      %get3A_115 = arith.constant 0 : index
      %get3A_116 = tpu.vector_load %arg7[%get3A, %get3A_115] {strides = array<i32>} : memref<80x256xi32, #tpu.memory_space<vmem>>, vector<1x16xi32>,
      %get3A_117 = vector.shape_cast %get3A_116 : vector<1x16xi32> to vector<16xi32>
      %add3A_118 = vector.broadcast %mul3A_27 : i32 to vector<16xi32>
      %add3A_119 = arith.addi %get3A_117, %add3A_118 : vector<16xi32>
      %swap3A = arith.index_cast %scan3A_114 : i32 to index
      %swap3A_120 = arith.constant 0 : index
      %swap3A_121 = tpu.vector_load %arg7[%swap3A, %swap3A_120] {strides = array<i32>} : memref<80x256xi32, #tpu.memory_space<vmem>>, vector<1x16xi32>,
      %swap3A_122 = vector.shape_cast %swap3A_121 : vector<1x16xi32> to vector<16xi32>
      %swap3A_123 = vector.shape_cast %add3A_119 : vector<16xi32> to vector<1x16xi32>
      tpu.vector_store %arg7[%swap3A, %swap3A_120], %swap3A_123 {strides = array<i32>} : memref<80x256xi32, #tpu.memory_space<vmem>>, vector<1x16xi32>,
      %get3A_124 = arith.index_cast %scan3A_114 : i32 to index
      %get3A_125 = arith.constant 16 : index
      %get3A_126 = tpu.vector_load %arg7[%get3A_124, %get3A_125] {strides = array<i32>} : memref<80x256xi32, #tpu.memory_space<vmem>>, vector<1x16xi32>,
      %get3A_127 = vector.shape_cast %get3A_126 : vector<1x16xi32> to vector<16xi32>
      %add3A_128 = vector.broadcast %mul3A_27 : i32 to vector<16xi32>
      %add3A_129 = arith.addi %get3A_127, %add3A_128 : vector<16xi32>
      %swap3A_130 = arith.index_cast %scan3A_114 : i32 to index
      %swap3A_131 = arith.constant 16 : index
      %swap3A_132 = tpu.vector_load %arg7[%swap3A_130, %swap3A_131] {strides = array<i32>} : memref<80x256xi32, #tpu.memory_space<vmem>>, vector<1x16xi32>,
      %swap3A_133 = vector.shape_cast %swap3A_132 : vector<1x16xi32> to vector<16xi32>
      %swap3A_134 = vector.shape_cast %add3A_129 : vector<16xi32> to vector<1x16xi32>
      tpu.vector_store %arg7[%swap3A_130, %swap3A_131], %swap3A_134 {strides = array<i32>} : memref<80x256xi32, #tpu.memory_space<vmem>>, vector<1x16xi32>,
      %get3A_135 = arith.index_cast %scan3A_114 : i32 to index
      %get3A_136 = arith.constant 32 : index
      %get3A_137 = tpu.vector_load %arg7[%get3A_135, %get3A_136] {strides = array<i32>} : memref<80x256xi32, #tpu.memory_space<vmem>>, vector<1x16xi32>,
      %get3A_138 = vector.shape_cast %get3A_137 : vector<1x16xi32> to vector<16xi32>
      %add3A_139 = vector.broadcast %mul3A_27 : i32 to vector<16xi32>
      %add3A_140 = arith.addi %get3A_138, %add3A_139 : vector<16xi32>
      %swap3A_141 = arith.index_cast %scan3A_114 : i32 to index
      %swap3A_142 = arith.constant 32 : index
      %swap3A_143 = tpu.vector_load %arg7[%swap3A_141, %swap3A_142] {strides = array<i32>} : memref<80x256xi32, #tpu.memory_space<vmem>>, vector<1x16xi32>,
      %swap3A_144 = vector.shape_cast %swap3A_143 : vector<1x16xi32> to vector<16xi32>
      %swap3A_145 = vector.shape_cast %add3A_140 : vector<16xi32> to vector<1x16xi32>
      tpu.vector_store %arg7[%swap3A_141, %swap3A_142], %swap3A_145 {strides = array<i32>} : memref<80x256xi32, #tpu.memory_space<vmem>>, vector<1x16xi32>,
      %get3A_146 = arith.index_cast %scan3A_114 : i32 to index
      %get3A_147 = arith.constant 48 : index
      %get3A_148 = tpu.vector_load %arg7[%get3A_146, %get3A_147] {strides = array<i32>} : memref<80x256xi32, #tpu.memory_space<vmem>>, vector<1x16xi32>,
      %get3A_149 = vector.shape_cast %get3A_148 : vector<1x16xi32> to vector<16xi32>
      %add3A_150 = vector.broadcast %mul3A_27 : i32 to vector<16xi32>
      %add3A_151 = arith.addi %get3A_149, %add3A_150 : vector<16xi32>
      %swap3A_152 = arith.index_cast %scan3A_114 : i32 to index
      %swap3A_153 = arith.constant 48 : index
      %swap3A_154 = tpu.vector_load %arg7[%swap3A_152, %swap3A_153] {strides = array<i32>} : memref<80x256xi32, #tpu.memory_space<vmem>>, vector<1x16xi32>,
      %swap3A_155 = vector.shape_cast %swap3A_154 : vector<1x16xi32> to vector<16xi32>
      %swap3A_156 = vector.shape_cast %add3A_151 : vector<16xi32> to vector<1x16xi32>
      tpu.vector_store %arg7[%swap3A_152, %swap3A_153], %swap3A_156 {strides = array<i32>} : memref<80x256xi32, #tpu.memory_space<vmem>>, vector<1x16xi32>,
      %get3A_157 = arith.index_cast %scan3A_114 : i32 to index
      %get3A_158 = arith.constant 64 : index
      %get3A_159 = tpu.vector_load %arg7[%get3A_157, %get3A_158] {strides = array<i32>} : memref<80x256xi32, #tpu.memory_space<vmem>>, vector<1x16xi32>,
      %get3A_160 = vector.shape_cast %get3A_159 : vector<1x16xi32> to vector<16xi32>
      %add3A_161 = vector.broadcast %mul3A_27 : i32 to vector<16xi32>
      %add3A_162 = arith.addi %get3A_160, %add3A_161 : vector<16xi32>
      %swap3A_163 = arith.index_cast %scan3A_114 : i32 to index
      %swap3A_164 = arith.constant 64 : index
      %swap3A_165 = tpu.vector_load %arg7[%swap3A_163, %swap3A_164] {strides = array<i32>} : memref<80x256xi32, #tpu.memory_space<vmem>>, vector<1x16xi32>,
      %swap3A_166 = vector.shape_cast %swap3A_165 : vector<1x16xi32> to vector<16xi32>
      %swap3A_167 = vector.shape_cast %add3A_162 : vector<16xi32> to vector<1x16xi32>
      tpu.vector_store %arg7[%swap3A_163, %swap3A_164], %swap3A_167 {strides = array<i32>} : memref<80x256xi32, #tpu.memory_space<vmem>>, vector<1x16xi32>,
      %get3A_168 = arith.index_cast %scan3A_114 : i32 to index
      %get3A_169 = arith.constant 80 : index
      %get3A_170 = tpu.vector_load %arg7[%get3A_168, %get3A_169] {strides = array<i32>} : memref<80x256xi32, #tpu.memory_space<vmem>>, vector<1x16xi32>,
      %get3A_171 = vector.shape_cast %get3A_170 : vector<1x16xi32> to vector<16xi32>
      %add3A_172 = vector.broadcast %mul3A_27 : i32 to vector<16xi32>
      %add3A_173 = arith.addi %get3A_171, %add3A_172 : vector<16xi32>
      %swap3A_174 = arith.index_cast %scan3A_114 : i32 to index
      %swap3A_175 = arith.constant 80 : index
      %swap3A_176 = tpu.vector_load %arg7[%swap3A_174, %swap3A_175] {strides = array<i32>} : memref<80x256xi32, #tpu.memory_space<vmem>>, vector<1x16xi32>,
      %swap3A_177 = vector.shape_cast %swap3A_176 : vector<1x16xi32> to vector<16xi32>
      %swap3A_178 = vector.shape_cast %add3A_173 : vector<16xi32> to vector<1x16xi32>
      tpu.vector_store %arg7[%swap3A_174, %swap3A_175], %swap3A_178 {strides = array<i32>} : memref<80x256xi32, #tpu.memory_space<vmem>>, vector<1x16xi32>,
      %get3A_179 = arith.index_cast %scan3A_114 : i32 to index
      %get3A_180 = arith.constant 96 : index
      %get3A_181 = tpu.vector_load %arg7[%get3A_179, %get3A_180] {strides = array<i32>} : memref<80x256xi32, #tpu.memory_space<vmem>>, vector<1x16xi32>,
      %get3A_182 = vector.shape_cast %get3A_181 : vector<1x16xi32> to vector<16xi32>
      %add3A_183 = vector.broadcast %mul3A_27 : i32 to vector<16xi32>
      %add3A_184 = arith.addi %get3A_182, %add3A_183 : vector<16xi32>
      %swap3A_185 = arith.index_cast %scan3A_114 : i32 to index
      %swap3A_186 = arith.constant 96 : index
      %swap3A_187 = tpu.vector_load %arg7[%swap3A_185, %swap3A_186] {strides = array<i32>} : memref<80x256xi32, #tpu.memory_space<vmem>>, vector<1x16xi32>,
      %swap3A_188 = vector.shape_cast %swap3A_187 : vector<1x16xi32> to vector<16xi32>
      %swap3A_189 = vector.shape_cast %add3A_184 : vector<16xi32> to vector<1x16xi32>
      tpu.vector_store %arg7[%swap3A_185, %swap3A_186], %swap3A_189 {strides = array<i32>} : memref<80x256xi32, #tpu.memory_space<vmem>>, vector<1x16xi32>,
      %get3A_190 = arith.index_cast %scan3A_114 : i32 to index
      %get3A_191 = arith.constant 112 : index
      %get3A_192 = tpu.vector_load %arg7[%get3A_190, %get3A_191] {strides = array<i32>} : memref<80x256xi32, #tpu.memory_space<vmem>>, vector<1x16xi32>,
      %get3A_193 = vector.shape_cast %get3A_192 : vector<1x16xi32> to vector<16xi32>
      %add3A_194 = vector.broadcast %mul3A_27 : i32 to vector<16xi32>
      %add3A_195 = arith.addi %get3A_193, %add3A_194 : vector<16xi32>
      %swap3A_196 = arith.index_cast %scan3A_114 : i32 to index
      %swap3A_197 = arith.constant 112 : index
      %swap3A_198 = tpu.vector_load %arg7[%swap3A_196, %swap3A_197] {strides = array<i32>} : memref<80x256xi32, #tpu.memory_space<vmem>>, vector<1x16xi32>,
      %swap3A_199 = vector.shape_cast %swap3A_198 : vector<1x16xi32> to vector<16xi32>
      %swap3A_200 = vector.shape_cast %add3A_195 : vector<16xi32> to vector<1x16xi32>
      tpu.vector_store %arg7[%swap3A_196, %swap3A_197], %swap3A_200 {strides = array<i32>} : memref<80x256xi32, #tpu.memory_space<vmem>>, vector<1x16xi32>,
      %get3A_201 = arith.index_cast %scan3A_114 : i32 to index
      %get3A_202 = arith.constant 128 : index
      %get3A_203 = tpu.vector_load %arg7[%get3A_201, %get3A_202] {strides = array<i32>} : memref<80x256xi32, #tpu.memory_space<vmem>>, vector<1x16xi32>,
      %get3A_204 = vector.shape_cast %get3A_203 : vector<1x16xi32> to vector<16xi32>
      %add3A_205 = vector.broadcast %mul3A_27 : i32 to vector<16xi32>
      %add3A_206 = arith.addi %get3A_204, %add3A_205 : vector<16xi32>
      %swap3A_207 = arith.index_cast %scan3A_114 : i32 to index
      %swap3A_208 = arith.constant 128 : index
      %swap3A_209 = tpu.vector_load %arg7[%swap3A_207, %swap3A_208] {strides = array<i32>} : memref<80x256xi32, #tpu.memory_space<vmem>>, vector<1x16xi32>,
      %swap3A_210 = vector.shape_cast %swap3A_209 : vector<1x16xi32> to vector<16xi32>
      %swap3A_211 = vector.shape_cast %add3A_206 : vector<16xi32> to vector<1x16xi32>
      tpu.vector_store %arg7[%swap3A_207, %swap3A_208], %swap3A_211 {strides = array<i32>} : memref<80x256xi32, #tpu.memory_space<vmem>>, vector<1x16xi32>,
      %get3A_212 = arith.index_cast %scan3A_114 : i32 to index
      %get3A_213 = arith.constant 144 : index
      %get3A_214 = tpu.vector_load %arg7[%get3A_212, %get3A_213] {strides = array<i32>} : memref<80x256xi32, #tpu.memory_space<vmem>>, vector<1x16xi32>,
      %get3A_215 = vector.shape_cast %get3A_214 : vector<1x16xi32> to vector<16xi32>
      %add3A_216 = vector.broadcast %mul3A_27 : i32 to vector<16xi32>
      %add3A_217 = arith.addi %get3A_215, %add3A_216 : vector<16xi32>
      %swap3A_218 = arith.index_cast %scan3A_114 : i32 to index
      %swap3A_219 = arith.constant 144 : index
      %swap3A_220 = tpu.vector_load %arg7[%swap3A_218, %swap3A_219] {strides = array<i32>} : memref<80x256xi32, #tpu.memory_space<vmem>>, vector<1x16xi32>,
      %swap3A_221 = vector.shape_cast %swap3A_220 : vector<1x16xi32> to vector<16xi32>
      %swap3A_222 = vector.shape_cast %add3A_217 : vector<16xi32> to vector<1x16xi32>
      tpu.vector_store %arg7[%swap3A_218, %swap3A_219], %swap3A_222 {strides = array<i32>} : memref<80x256xi32, #tpu.memory_space<vmem>>, vector<1x16xi32>,
      %get3A_223 = arith.index_cast %scan3A_114 : i32 to index
      %get3A_224 = arith.constant 160 : index
      %get3A_225 = tpu.vector_load %arg7[%get3A_223, %get3A_224] {strides = array<i32>} : memref<80x256xi32, #tpu.memory_space<vmem>>, vector<1x16xi32>,
      %get3A_226 = vector.shape_cast %get3A_225 : vector<1x16xi32> to vector<16xi32>
      %add3A_227 = vector.broadcast %mul3A_27 : i32 to vector<16xi32>
      %add3A_228 = arith.addi %get3A_226, %add3A_227 : vector<16xi32>
      %swap3A_229 = arith.index_cast %scan3A_114 : i32 to index
      %swap3A_230 = arith.constant 160 : index
      %swap3A_231 = tpu.vector_load %arg7[%swap3A_229, %swap3A_230] {strides = array<i32>} : memref<80x256xi32, #tpu.memory_space<vmem>>, vector<1x16xi32>,
      %swap3A_232 = vector.shape_cast %swap3A_231 : vector<1x16xi32> to vector<16xi32>
      %swap3A_233 = vector.shape_cast %add3A_228 : vector<16xi32> to vector<1x16xi32>
      tpu.vector_store %arg7[%swap3A_229, %swap3A_230], %swap3A_233 {strides = array<i32>} : memref<80x256xi32, #tpu.memory_space<vmem>>, vector<1x16xi32>,
      %get3A_234 = arith.index_cast %scan3A_114 : i32 to index
      %get3A_235 = arith.constant 176 : index
      %get3A_236 = tpu.vector_load %arg7[%get3A_234, %get3A_235] {strides = array<i32>} : memref<80x256xi32, #tpu.memory_space<vmem>>, vector<1x16xi32>,
      %get3A_237 = vector.shape_cast %get3A_236 : vector<1x16xi32> to vector<16xi32>
      %add3A_238 = vector.broadcast %mul3A_27 : i32 to vector<16xi32>
      %add3A_239 = arith.addi %get3A_237, %add3A_238 : vector<16xi32>
      %swap3A_240 = arith.index_cast %scan3A_114 : i32 to index
      %swap3A_241 = arith.constant 176 : index
      %swap3A_242 = tpu.vector_load %arg7[%swap3A_240, %swap3A_241] {strides = array<i32>} : memref<80x256xi32, #tpu.memory_space<vmem>>, vector<1x16xi32>,
      %swap3A_243 = vector.shape_cast %swap3A_242 : vector<1x16xi32> to vector<16xi32>
      %swap3A_244 = vector.shape_cast %add3A_239 : vector<16xi32> to vector<1x16xi32>
      tpu.vector_store %arg7[%swap3A_240, %swap3A_241], %swap3A_244 {strides = array<i32>} : memref<80x256xi32, #tpu.memory_space<vmem>>, vector<1x16xi32>,
      %get3A_245 = arith.index_cast %scan3A_114 : i32 to index
      %get3A_246 = arith.constant 192 : index
      %get3A_247 = tpu.vector_load %arg7[%get3A_245, %get3A_246] {strides = array<i32>} : memref<80x256xi32, #tpu.memory_space<vmem>>, vector<1x16xi32>,
      %get3A_248 = vector.shape_cast %get3A_247 : vector<1x16xi32> to vector<16xi32>
      %add3A_249 = vector.broadcast %mul3A_27 : i32 to vector<16xi32>
      %add3A_250 = arith.addi %get3A_248, %add3A_249 : vector<16xi32>
      %swap3A_251 = arith.index_cast %scan3A_114 : i32 to index
      %swap3A_252 = arith.constant 192 : index
      %swap3A_253 = tpu.vector_load %arg7[%swap3A_251, %swap3A_252] {strides = array<i32>} : memref<80x256xi32, #tpu.memory_space<vmem>>, vector<1x16xi32>,
      %swap3A_254 = vector.shape_cast %swap3A_253 : vector<1x16xi32> to vector<16xi32>
      %swap3A_255 = vector.shape_cast %add3A_250 : vector<16xi32> to vector<1x16xi32>
      tpu.vector_store %arg7[%swap3A_251, %swap3A_252], %swap3A_255 {strides = array<i32>} : memref<80x256xi32, #tpu.memory_space<vmem>>, vector<1x16xi32>,
      %get3A_256 = arith.index_cast %scan3A_114 : i32 to index
      %get3A_257 = arith.constant 208 : index
      %get3A_258 = tpu.vector_load %arg7[%get3A_256, %get3A_257] {strides = array<i32>} : memref<80x256xi32, #tpu.memory_space<vmem>>, vector<1x16xi32>,
      %get3A_259 = vector.shape_cast %get3A_258 : vector<1x16xi32> to vector<16xi32>
      %add3A_260 = vector.broadcast %mul3A_27 : i32 to vector<16xi32>
      %add3A_261 = arith.addi %get3A_259, %add3A_260 : vector<16xi32>
      %swap3A_262 = arith.index_cast %scan3A_114 : i32 to index
      %swap3A_263 = arith.constant 208 : index
      %swap3A_264 = tpu.vector_load %arg7[%swap3A_262, %swap3A_263] {strides = array<i32>} : memref<80x256xi32, #tpu.memory_space<vmem>>, vector<1x16xi32>,
      %swap3A_265 = vector.shape_cast %swap3A_264 : vector<1x16xi32> to vector<16xi32>
      %swap3A_266 = vector.shape_cast %add3A_261 : vector<16xi32> to vector<1x16xi32>
      tpu.vector_store %arg7[%swap3A_262, %swap3A_263], %swap3A_266 {strides = array<i32>} : memref<80x256xi32, #tpu.memory_space<vmem>>, vector<1x16xi32>,
      %get3A_267 = arith.index_cast %scan3A_114 : i32 to index
      %get3A_268 = arith.constant 224 : index
      %get3A_269 = tpu.vector_load %arg7[%get3A_267, %get3A_268] {strides = array<i32>} : memref<80x256xi32, #tpu.memory_space<vmem>>, vector<1x16xi32>,
      %get3A_270 = vector.shape_cast %get3A_269 : vector<1x16xi32> to vector<16xi32>
      %add3A_271 = vector.broadcast %mul3A_27 : i32 to vector<16xi32>
      %add3A_272 = arith.addi %get3A_270, %add3A_271 : vector<16xi32>
      %swap3A_273 = arith.index_cast %scan3A_114 : i32 to index
      %swap3A_274 = arith.constant 224 : index
      %swap3A_275 = tpu.vector_load %arg7[%swap3A_273, %swap3A_274] {strides = array<i32>} : memref<80x256xi32, #tpu.memory_space<vmem>>, vector<1x16xi32>,
      %swap3A_276 = vector.shape_cast %swap3A_275 : vector<1x16xi32> to vector<16xi32>
      %swap3A_277 = vector.shape_cast %add3A_272 : vector<16xi32> to vector<1x16xi32>
      tpu.vector_store %arg7[%swap3A_273, %swap3A_274], %swap3A_277 {strides = array<i32>} : memref<80x256xi32, #tpu.memory_space<vmem>>, vector<1x16xi32>,
      %get3A_278 = arith.index_cast %scan3A_114 : i32 to index
      %get3A_279 = arith.constant 240 : index
      %get3A_280 = tpu.vector_load %arg7[%get3A_278, %get3A_279] {strides = array<i32>} : memref<80x256xi32, #tpu.memory_space<vmem>>, vector<1x16xi32>,
      %get3A_281 = vector.shape_cast %get3A_280 : vector<1x16xi32> to vector<16xi32>
      %add3A_282 = vector.broadcast %mul3A_27 : i32 to vector<16xi32>
      %add3A_283 = arith.addi %get3A_281, %add3A_282 : vector<16xi32>
      %swap3A_284 = arith.index_cast %scan3A_114 : i32 to index
      %swap3A_285 = arith.constant 240 : index
      %swap3A_286 = tpu.vector_load %arg7[%swap3A_284, %swap3A_285] {strides = array<i32>} : memref<80x256xi32, #tpu.memory_space<vmem>>, vector<1x16xi32>,
      %swap3A_287 = vector.shape_cast %swap3A_286 : vector<1x16xi32> to vector<16xi32>
      %swap3A_288 = vector.shape_cast %add3A_283 : vector<16xi32> to vector<1x16xi32>
      tpu.vector_store %arg7[%swap3A_284, %swap3A_285], %swap3A_288 {strides = array<i32>} : memref<80x256xi32, #tpu.memory_space<vmem>>, vector<1x16xi32>,
    }
    %scan3A_33 = arith.constant 80 : i32
    %barrier3A = arith.constant 0 : index
    tpu.barrier barrier_id(%barrier3A)
    %dma_start3A = arith.constant 0 : i32
    %dma_start3A_34 = arith.constant 0 : i32
    %dma_start3A_35 = tpu.memref_slice %arg7[%dma_start3A, %dma_start3A_34] : memref<80x256xi32, #tpu.memory_space<vmem>> -> memref<1x256xi32, #tpu.memory_space<vmem>>
    %dma_start3A_36 = tpu.memref_squeeze %dma_start3A_35 : memref<1x256xi32, #tpu.memory_space<vmem>> -> memref<256xi32, #tpu.memory_space<vmem>>
    %dma_start3A_37 = arith.constant 0 : i32
    %dma_start3A_38 = arith.constant 0 : i32
    %dma_start3A_39 = tpu.memref_slice %arg2[%dma_start3A_37, %dma_start3A_38] : memref<20000x64xf32, #tpu.memory_space<hbm>> -> memref<20000x64xf32, #tpu.memory_space<hbm>>
    tpu.enqueue_indirect_dma source(%dma_start3A_39 : memref<20000x64xf32, #tpu.memory_space<hbm>>) target(%arg9 : memref<256x64xf32, #tpu.memory_space<vmem>>) offsets(%dma_start3A_36 : memref<256xi32, #tpu.memory_space<vmem>>) semaphore(%arg14 : memref<!tpu.dma_semaphore, #tpu.memory_space<semaphore_mem>>)
    %scan3A_40 = arith.constant 0 : i32
    %scan3A_41 = arith.constant 0 : i32
    %scan3A_42 = arith.constant 39 : i32
    %scan3A_43 = arith.addi %scan3A_41, %scan3A_42 : i32
    %scan3A_44 = arith.constant 1 : i32
    scf.for %scan3A_114 = %scan3A_41 to %scan3A_43 step %scan3A_44  : i32 {
      %mul3A_115 = arith.constant 2 : i32
      %mul3A_116 = arith.muli %mul3A_115, %scan3A_114 : i32
      %dma_wait3A_117 = arith.constant 0 : i32
      %dma_wait3A_118 = tpu.memref_slice %arg7[%mul3A_116, %dma_wait3A_117] : memref<80x256xi32, #tpu.memory_space<vmem>> -> memref<1x256xi32, #tpu.memory_space<vmem>>
      %dma_wait3A_119 = tpu.memref_squeeze %dma_wait3A_118 : memref<1x256xi32, #tpu.memory_space<vmem>> -> memref<256xi32, #tpu.memory_space<vmem>>
      %dma_wait3A_120 = arith.constant 0 : i32
      %dma_wait3A_121 = arith.constant 0 : i32
      %dma_wait3A_122 = tpu.memref_slice %arg2[%dma_wait3A_120, %dma_wait3A_121] : memref<20000x64xf32, #tpu.memory_space<hbm>> -> memref<20000x64xf32, #tpu.memory_space<hbm>>
      tpu.wait_indirect_dma semaphore(%arg14 : memref<!tpu.dma_semaphore, #tpu.memory_space<semaphore_mem>>) src(%dma_wait3A_122 : memref<20000x64xf32, #tpu.memory_space<hbm>>) dst(%arg9 : memref<256x64xf32, #tpu.memory_space<vmem>>)
      %add3A_123 = arith.constant 1 : i32
      %add3A_124 = arith.addi %mul3A_116, %add3A_123 : i32
      %dma_start3A_125 = arith.constant 0 : i32
      %dma_start3A_126 = tpu.memref_slice %arg7[%add3A_124, %dma_start3A_125] : memref<80x256xi32, #tpu.memory_space<vmem>> -> memref<1x256xi32, #tpu.memory_space<vmem>>
      %dma_start3A_127 = tpu.memref_squeeze %dma_start3A_126 : memref<1x256xi32, #tpu.memory_space<vmem>> -> memref<256xi32, #tpu.memory_space<vmem>>
      %dma_start3A_128 = arith.constant 0 : i32
      %dma_start3A_129 = arith.constant 0 : i32
      %dma_start3A_130 = tpu.memref_slice %arg2[%dma_start3A_128, %dma_start3A_129] : memref<20000x64xf32, #tpu.memory_space<hbm>> -> memref<20000x64xf32, #tpu.memory_space<hbm>>
      tpu.enqueue_indirect_dma source(%dma_start3A_130 : memref<20000x64xf32, #tpu.memory_space<hbm>>) target(%arg10 : memref<256x64xf32, #tpu.memory_space<vmem>>) offsets(%dma_start3A_127 : memref<256xi32, #tpu.memory_space<vmem>>) semaphore(%arg15 : memref<!tpu.dma_semaphore, #tpu.memory_space<semaphore_mem>>)
      %dma_start3A_131 = arith.constant 0 : i32
      %dma_start3A_132 = tpu.memref_slice %arg8[%mul3A_116, %dma_start3A_131] : memref<80x256xi32, #tpu.memory_space<vmem>> -> memref<1x256xi32, #tpu.memory_space<vmem>>
      %dma_start3A_133 = tpu.memref_squeeze %dma_start3A_132 : memref<1x256xi32, #tpu.memory_space<vmem>> -> memref<256xi32, #tpu.memory_space<vmem>>
      %dma_start3A_134 = arith.constant 0 : i32
      %dma_start3A_135 = arith.constant 0 : i32
      %dma_start3A_136 = tpu.memref_slice %arg12[%dma_start3A_134, %dma_start3A_135] : memref<10240x64xf32, #tpu.memory_space<vmem_shared>> -> memref<10240x64xf32, #tpu.memory_space<vmem_shared>>
      tpu.enqueue_indirect_dma source(%arg9 : memref<256x64xf32, #tpu.memory_space<vmem>>) target(%dma_start3A_136 : memref<10240x64xf32, #tpu.memory_space<vmem_shared>>) offsets(%dma_start3A_133 : memref<256xi32, #tpu.memory_space<vmem>>) semaphore(%arg16 : memref<!tpu.dma_semaphore, #tpu.memory_space<semaphore_mem>>) {add = true}
      %eq3A_137 = arith.constant 1 : i32
      %eq3A_138 = arith.cmpi eq, %arg0, %eq3A_137 : i32
      %convert_element_type3A_139 = arith.extui %eq3A_138 : i1 to i32
      %cond3A_140 = arith.constant 0 : i32
      %cond3A_141 = arith.cmpi ne, %convert_element_type3A_139, %cond3A_140 : i32
      scf.if %cond3A_141 {
        %dma_start3A_185 = arith.constant 0 : i32
        %dma_start3A_186 = tpu.memref_slice %arg8[%mul3A_116, %dma_start3A_185] : memref<80x256xi32, #tpu.memory_space<vmem>> -> memref<1x256xi32, #tpu.memory_space<vmem>>
        %dma_start3A_187 = tpu.memref_squeeze %dma_start3A_186 : memref<1x256xi32, #tpu.memory_space<vmem>> -> memref<256xi32, #tpu.memory_space<vmem>>
        %dma_start3A_188 = arith.constant 0 : i32
        %dma_start3A_189 = arith.constant 0 : i32
        %dma_start3A_190 = tpu.memref_slice %arg13[%dma_start3A_188, %dma_start3A_189] : memref<10240x16xf32, #tpu.memory_space<vmem_shared>> -> memref<10240x16xf32, #tpu.memory_space<vmem_shared>>
        tpu.enqueue_indirect_dma source(%arg11 : memref<256x16xf32, #tpu.memory_space<vmem>>) target(%dma_start3A_190 : memref<10240x16xf32, #tpu.memory_space<vmem_shared>>) offsets(%dma_start3A_187 : memref<256xi32, #tpu.memory_space<vmem>>) semaphore(%arg18 : memref<!tpu.dma_semaphore, #tpu.memory_space<semaphore_mem>>) {add = true}
        %gt3A = arith.constant 0 : i32
        %gt3A_191 = arith.cmpi sgt, %scan3A_114, %gt3A : i32
        %convert_element_type3A_192 = arith.extui %gt3A_191 : i1 to i32
        %cond3A_193 = arith.constant 0 : i32
        %cond3A_194 = arith.cmpi ne, %convert_element_type3A_192, %cond3A_193 : i32
        scf.if %cond3A_194 {
          %sub3A = arith.constant 2 : i32
          %sub3A_195 = arith.subi %mul3A_116, %sub3A : i32
          %dma_wait3A_196 = arith.constant 0 : i32
          %dma_wait3A_197 = tpu.memref_slice %arg8[%sub3A_195, %dma_wait3A_196] : memref<80x256xi32, #tpu.memory_space<vmem>> -> memref<1x256xi32, #tpu.memory_space<vmem>>
          %dma_wait3A_198 = tpu.memref_squeeze %dma_wait3A_197 : memref<1x256xi32, #tpu.memory_space<vmem>> -> memref<256xi32, #tpu.memory_space<vmem>>
          %dma_wait3A_199 = arith.constant 0 : i32
          %dma_wait3A_200 = arith.constant 0 : i32
          %dma_wait3A_201 = tpu.memref_slice %arg13[%dma_wait3A_199, %dma_wait3A_200] : memref<10240x16xf32, #tpu.memory_space<vmem_shared>> -> memref<10240x16xf32, #tpu.memory_space<vmem_shared>>
          tpu.wait_indirect_dma semaphore(%arg18 : memref<!tpu.dma_semaphore, #tpu.memory_space<semaphore_mem>>) src(%arg11 : memref<256x16xf32, #tpu.memory_space<vmem>>) dst(%dma_wait3A_201 : memref<10240x16xf32, #tpu.memory_space<vmem_shared>>)
        } else {
        }
      } else {
      }
      %add3A_142 = arith.constant 1 : i32
      %add3A_143 = arith.addi %mul3A_116, %add3A_142 : i32
      %dma_wait3A_144 = arith.constant 0 : i32
      %dma_wait3A_145 = tpu.memref_slice %arg7[%add3A_143, %dma_wait3A_144] : memref<80x256xi32, #tpu.memory_space<vmem>> -> memref<1x256xi32, #tpu.memory_space<vmem>>
      %dma_wait3A_146 = tpu.memref_squeeze %dma_wait3A_145 : memref<1x256xi32, #tpu.memory_space<vmem>> -> memref<256xi32, #tpu.memory_space<vmem>>
      %dma_wait3A_147 = arith.constant 0 : i32
      %dma_wait3A_148 = arith.constant 0 : i32
      %dma_wait3A_149 = tpu.memref_slice %arg2[%dma_wait3A_147, %dma_wait3A_148] : memref<20000x64xf32, #tpu.memory_space<hbm>> -> memref<20000x64xf32, #tpu.memory_space<hbm>>
      tpu.wait_indirect_dma semaphore(%arg15 : memref<!tpu.dma_semaphore, #tpu.memory_space<semaphore_mem>>) src(%dma_wait3A_149 : memref<20000x64xf32, #tpu.memory_space<hbm>>) dst(%arg10 : memref<256x64xf32, #tpu.memory_space<vmem>>)
      %dma_wait3A_150 = arith.constant 0 : i32
      %dma_wait3A_151 = tpu.memref_slice %arg8[%mul3A_116, %dma_wait3A_150] : memref<80x256xi32, #tpu.memory_space<vmem>> -> memref<1x256xi32, #tpu.memory_space<vmem>>
      %dma_wait3A_152 = tpu.memref_squeeze %dma_wait3A_151 : memref<1x256xi32, #tpu.memory_space<vmem>> -> memref<256xi32, #tpu.memory_space<vmem>>
      %dma_wait3A_153 = arith.constant 0 : i32
      %dma_wait3A_154 = arith.constant 0 : i32
      %dma_wait3A_155 = tpu.memref_slice %arg12[%dma_wait3A_153, %dma_wait3A_154] : memref<10240x64xf32, #tpu.memory_space<vmem_shared>> -> memref<10240x64xf32, #tpu.memory_space<vmem_shared>>
      tpu.wait_indirect_dma semaphore(%arg16 : memref<!tpu.dma_semaphore, #tpu.memory_space<semaphore_mem>>) src(%arg9 : memref<256x64xf32, #tpu.memory_space<vmem>>) dst(%dma_wait3A_155 : memref<10240x64xf32, #tpu.memory_space<vmem_shared>>)
      %add3A_156 = arith.constant 2 : i32
      %add3A_157 = arith.addi %mul3A_116, %add3A_156 : i32
      %dma_start3A_158 = arith.constant 0 : i32
      %dma_start3A_159 = tpu.memref_slice %arg7[%add3A_157, %dma_start3A_158] : memref<80x256xi32, #tpu.memory_space<vmem>> -> memref<1x256xi32, #tpu.memory_space<vmem>>
      %dma_start3A_160 = tpu.memref_squeeze %dma_start3A_159 : memref<1x256xi32, #tpu.memory_space<vmem>> -> memref<256xi32, #tpu.memory_space<vmem>>
      %dma_start3A_161 = arith.constant 0 : i32
      %dma_start3A_162 = arith.constant 0 : i32
      %dma_start3A_163 = tpu.memref_slice %arg2[%dma_start3A_161, %dma_start3A_162] : memref<20000x64xf32, #tpu.memory_space<hbm>> -> memref<20000x64xf32, #tpu.memory_space<hbm>>
      tpu.enqueue_indirect_dma source(%dma_start3A_163 : memref<20000x64xf32, #tpu.memory_space<hbm>>) target(%arg9 : memref<256x64xf32, #tpu.memory_space<vmem>>) offsets(%dma_start3A_160 : memref<256xi32, #tpu.memory_space<vmem>>) semaphore(%arg14 : memref<!tpu.dma_semaphore, #tpu.memory_space<semaphore_mem>>)
      %add3A_164 = arith.constant 1 : i32
      %add3A_165 = arith.addi %mul3A_116, %add3A_164 : i32
      %dma_start3A_166 = arith.constant 0 : i32
      %dma_start3A_167 = tpu.memref_slice %arg8[%add3A_165, %dma_start3A_166] : memref<80x256xi32, #tpu.memory_space<vmem>> -> memref<1x256xi32, #tpu.memory_space<vmem>>
      %dma_start3A_168 = tpu.memref_squeeze %dma_start3A_167 : memref<1x256xi32, #tpu.memory_space<vmem>> -> memref<256xi32, #tpu.memory_space<vmem>>
      %dma_start3A_169 = arith.constant 0 : i32
      %dma_start3A_170 = arith.constant 0 : i32
      %dma_start3A_171 = tpu.memref_slice %arg12[%dma_start3A_169, %dma_start3A_170] : memref<10240x64xf32, #tpu.memory_space<vmem_shared>> -> memref<10240x64xf32, #tpu.memory_space<vmem_shared>>
      tpu.enqueue_indirect_dma source(%arg10 : memref<256x64xf32, #tpu.memory_space<vmem>>) target(%dma_start3A_171 : memref<10240x64xf32, #tpu.memory_space<vmem_shared>>) offsets(%dma_start3A_168 : memref<256xi32, #tpu.memory_space<vmem>>) semaphore(%arg17 : memref<!tpu.dma_semaphore, #tpu.memory_space<semaphore_mem>>) {add = true}
      %eq3A_172 = arith.constant 1 : i32
      %eq3A_173 = arith.cmpi eq, %arg0, %eq3A_172 : i32
      %convert_element_type3A_174 = arith.extui %eq3A_173 : i1 to i32
      %cond3A_175 = arith.constant 0 : i32
      %cond3A_176 = arith.cmpi ne, %convert_element_type3A_174, %cond3A_175 : i32
      scf.if %cond3A_176 {
        %add3A_185 = arith.constant 1 : i32
        %add3A_186 = arith.addi %mul3A_116, %add3A_185 : i32
        %dma_start3A_187 = arith.constant 0 : i32
        %dma_start3A_188 = tpu.memref_slice %arg8[%add3A_186, %dma_start3A_187] : memref<80x256xi32, #tpu.memory_space<vmem>> -> memref<1x256xi32, #tpu.memory_space<vmem>>
        %dma_start3A_189 = tpu.memref_squeeze %dma_start3A_188 : memref<1x256xi32, #tpu.memory_space<vmem>> -> memref<256xi32, #tpu.memory_space<vmem>>
        %dma_start3A_190 = arith.constant 0 : i32
        %dma_start3A_191 = arith.constant 0 : i32
        %dma_start3A_192 = tpu.memref_slice %arg13[%dma_start3A_190, %dma_start3A_191] : memref<10240x16xf32, #tpu.memory_space<vmem_shared>> -> memref<10240x16xf32, #tpu.memory_space<vmem_shared>>
        tpu.enqueue_indirect_dma source(%arg11 : memref<256x16xf32, #tpu.memory_space<vmem>>) target(%dma_start3A_192 : memref<10240x16xf32, #tpu.memory_space<vmem_shared>>) offsets(%dma_start3A_189 : memref<256xi32, #tpu.memory_space<vmem>>) semaphore(%arg18 : memref<!tpu.dma_semaphore, #tpu.memory_space<semaphore_mem>>) {add = true}
        %gt3A = arith.constant 0 : i32
        %gt3A_193 = arith.cmpi sgt, %scan3A_114, %gt3A : i32
        %convert_element_type3A_194 = arith.extui %gt3A_193 : i1 to i32
        %cond3A_195 = arith.constant 0 : i32
        %cond3A_196 = arith.cmpi ne, %convert_element_type3A_194, %cond3A_195 : i32
        scf.if %cond3A_196 {
          %sub3A = arith.constant 1 : i32
          %sub3A_197 = arith.subi %mul3A_116, %sub3A : i32
          %dma_wait3A_198 = arith.constant 0 : i32
          %dma_wait3A_199 = tpu.memref_slice %arg8[%sub3A_197, %dma_wait3A_198] : memref<80x256xi32, #tpu.memory_space<vmem>> -> memref<1x256xi32, #tpu.memory_space<vmem>>
          %dma_wait3A_200 = tpu.memref_squeeze %dma_wait3A_199 : memref<1x256xi32, #tpu.memory_space<vmem>> -> memref<256xi32, #tpu.memory_space<vmem>>
          %dma_wait3A_201 = arith.constant 0 : i32
          %dma_wait3A_202 = arith.constant 0 : i32
          %dma_wait3A_203 = tpu.memref_slice %arg13[%dma_wait3A_201, %dma_wait3A_202] : memref<10240x16xf32, #tpu.memory_space<vmem_shared>> -> memref<10240x16xf32, #tpu.memory_space<vmem_shared>>
          tpu.wait_indirect_dma semaphore(%arg18 : memref<!tpu.dma_semaphore, #tpu.memory_space<semaphore_mem>>) src(%arg11 : memref<256x16xf32, #tpu.memory_space<vmem>>) dst(%dma_wait3A_203 : memref<10240x16xf32, #tpu.memory_space<vmem_shared>>)
        } else {
        }
      } else {
      }
      %add3A_177 = arith.constant 1 : i32
      %add3A_178 = arith.addi %mul3A_116, %add3A_177 : i32
      %dma_wait3A_179 = arith.constant 0 : i32
      %dma_wait3A_180 = tpu.memref_slice %arg8[%add3A_178, %dma_wait3A_179] : memref<80x256xi32, #tpu.memory_space<vmem>> -> memref<1x256xi32, #tpu.memory_space<vmem>>
      %dma_wait3A_181 = tpu.memref_squeeze %dma_wait3A_180 : memref<1x256xi32, #tpu.memory_space<vmem>> -> memref<256xi32, #tpu.memory_space<vmem>>
      %dma_wait3A_182 = arith.constant 0 : i32
      %dma_wait3A_183 = arith.constant 0 : i32
      %dma_wait3A_184 = tpu.memref_slice %arg12[%dma_wait3A_182, %dma_wait3A_183] : memref<10240x64xf32, #tpu.memory_space<vmem_shared>> -> memref<10240x64xf32, #tpu.memory_space<vmem_shared>>
      tpu.wait_indirect_dma semaphore(%arg17 : memref<!tpu.dma_semaphore, #tpu.memory_space<semaphore_mem>>) src(%arg10 : memref<256x64xf32, #tpu.memory_space<vmem>>) dst(%dma_wait3A_184 : memref<10240x64xf32, #tpu.memory_space<vmem_shared>>)
    }
    %scan3A_45 = arith.constant 39 : i32
    %dma_wait3A = arith.constant 78 : i32
    %dma_wait3A_46 = arith.constant 0 : i32
    %dma_wait3A_47 = tpu.memref_slice %arg7[%dma_wait3A, %dma_wait3A_46] : memref<80x256xi32, #tpu.memory_space<vmem>> -> memref<1x256xi32, #tpu.memory_space<vmem>>
    %dma_wait3A_48 = tpu.memref_squeeze %dma_wait3A_47 : memref<1x256xi32, #tpu.memory_space<vmem>> -> memref<256xi32, #tpu.memory_space<vmem>>
    %dma_wait3A_49 = arith.constant 0 : i32
    %dma_wait3A_50 = arith.constant 0 : i32
    %dma_wait3A_51 = tpu.memref_slice %arg2[%dma_wait3A_49, %dma_wait3A_50] : memref<20000x64xf32, #tpu.memory_space<hbm>> -> memref<20000x64xf32, #tpu.memory_space<hbm>>
    tpu.wait_indirect_dma semaphore(%arg14 : memref<!tpu.dma_semaphore, #tpu.memory_space<semaphore_mem>>) src(%dma_wait3A_51 : memref<20000x64xf32, #tpu.memory_space<hbm>>) dst(%arg9 : memref<256x64xf32, #tpu.memory_space<vmem>>)
    %dma_start3A_52 = arith.constant 79 : i32
    %dma_start3A_53 = arith.constant 0 : i32
    %dma_start3A_54 = tpu.memref_slice %arg7[%dma_start3A_52, %dma_start3A_53] : memref<80x256xi32, #tpu.memory_space<vmem>> -> memref<1x256xi32, #tpu.memory_space<vmem>>
    %dma_start3A_55 = tpu.memref_squeeze %dma_start3A_54 : memref<1x256xi32, #tpu.memory_space<vmem>> -> memref<256xi32, #tpu.memory_space<vmem>>
    %dma_start3A_56 = arith.constant 0 : i32
    %dma_start3A_57 = arith.constant 0 : i32
    %dma_start3A_58 = tpu.memref_slice %arg2[%dma_start3A_56, %dma_start3A_57] : memref<20000x64xf32, #tpu.memory_space<hbm>> -> memref<20000x64xf32, #tpu.memory_space<hbm>>
    tpu.enqueue_indirect_dma source(%dma_start3A_58 : memref<20000x64xf32, #tpu.memory_space<hbm>>) target(%arg10 : memref<256x64xf32, #tpu.memory_space<vmem>>) offsets(%dma_start3A_55 : memref<256xi32, #tpu.memory_space<vmem>>) semaphore(%arg15 : memref<!tpu.dma_semaphore, #tpu.memory_space<semaphore_mem>>)
    %dma_start3A_59 = arith.constant 78 : i32
    %dma_start3A_60 = arith.constant 0 : i32
    %dma_start3A_61 = tpu.memref_slice %arg8[%dma_start3A_59, %dma_start3A_60] : memref<80x256xi32, #tpu.memory_space<vmem>> -> memref<1x256xi32, #tpu.memory_space<vmem>>
    %dma_start3A_62 = tpu.memref_squeeze %dma_start3A_61 : memref<1x256xi32, #tpu.memory_space<vmem>> -> memref<256xi32, #tpu.memory_space<vmem>>
    %dma_start3A_63 = arith.constant 0 : i32
    %dma_start3A_64 = arith.constant 0 : i32
    %dma_start3A_65 = tpu.memref_slice %arg12[%dma_start3A_63, %dma_start3A_64] : memref<10240x64xf32, #tpu.memory_space<vmem_shared>> -> memref<10240x64xf32, #tpu.memory_space<vmem_shared>>
    tpu.enqueue_indirect_dma source(%arg9 : memref<256x64xf32, #tpu.memory_space<vmem>>) target(%dma_start3A_65 : memref<10240x64xf32, #tpu.memory_space<vmem_shared>>) offsets(%dma_start3A_62 : memref<256xi32, #tpu.memory_space<vmem>>) semaphore(%arg16 : memref<!tpu.dma_semaphore, #tpu.memory_space<semaphore_mem>>) {add = true}
    %eq3A_66 = arith.constant 1 : i32
    %eq3A_67 = arith.cmpi eq, %arg0, %eq3A_66 : i32
    %convert_element_type3A_68 = arith.extui %eq3A_67 : i1 to i32
    %cond3A_69 = arith.constant 0 : i32
    %cond3A_70 = arith.cmpi ne, %convert_element_type3A_68, %cond3A_69 : i32
    scf.if %cond3A_70 {
      %dma_start3A_114 = arith.constant 78 : i32
      %dma_start3A_115 = arith.constant 0 : i32
      %dma_start3A_116 = tpu.memref_slice %arg8[%dma_start3A_114, %dma_start3A_115] : memref<80x256xi32, #tpu.memory_space<vmem>> -> memref<1x256xi32, #tpu.memory_space<vmem>>
      %dma_start3A_117 = tpu.memref_squeeze %dma_start3A_116 : memref<1x256xi32, #tpu.memory_space<vmem>> -> memref<256xi32, #tpu.memory_space<vmem>>
      %dma_start3A_118 = arith.constant 0 : i32
      %dma_start3A_119 = arith.constant 0 : i32
      %dma_start3A_120 = tpu.memref_slice %arg13[%dma_start3A_118, %dma_start3A_119] : memref<10240x16xf32, #tpu.memory_space<vmem_shared>> -> memref<10240x16xf32, #tpu.memory_space<vmem_shared>>
      tpu.enqueue_indirect_dma source(%arg11 : memref<256x16xf32, #tpu.memory_space<vmem>>) target(%dma_start3A_120 : memref<10240x16xf32, #tpu.memory_space<vmem_shared>>) offsets(%dma_start3A_117 : memref<256xi32, #tpu.memory_space<vmem>>) semaphore(%arg18 : memref<!tpu.dma_semaphore, #tpu.memory_space<semaphore_mem>>) {add = true}
      %dma_wait3A_121 = arith.constant 76 : i32
      %dma_wait3A_122 = arith.constant 0 : i32
      %dma_wait3A_123 = tpu.memref_slice %arg8[%dma_wait3A_121, %dma_wait3A_122] : memref<80x256xi32, #tpu.memory_space<vmem>> -> memref<1x256xi32, #tpu.memory_space<vmem>>
      %dma_wait3A_124 = tpu.memref_squeeze %dma_wait3A_123 : memref<1x256xi32, #tpu.memory_space<vmem>> -> memref<256xi32, #tpu.memory_space<vmem>>
      %dma_wait3A_125 = arith.constant 0 : i32
      %dma_wait3A_126 = arith.constant 0 : i32
      %dma_wait3A_127 = tpu.memref_slice %arg13[%dma_wait3A_125, %dma_wait3A_126] : memref<10240x16xf32, #tpu.memory_space<vmem_shared>> -> memref<10240x16xf32, #tpu.memory_space<vmem_shared>>
      tpu.wait_indirect_dma semaphore(%arg18 : memref<!tpu.dma_semaphore, #tpu.memory_space<semaphore_mem>>) src(%arg11 : memref<256x16xf32, #tpu.memory_space<vmem>>) dst(%dma_wait3A_127 : memref<10240x16xf32, #tpu.memory_space<vmem_shared>>)
      %dma_start3A_128 = arith.constant 79 : i32
      %dma_start3A_129 = arith.constant 0 : i32
      %dma_start3A_130 = tpu.memref_slice %arg8[%dma_start3A_128, %dma_start3A_129] : memref<80x256xi32, #tpu.memory_space<vmem>> -> memref<1x256xi32, #tpu.memory_space<vmem>>
      %dma_start3A_131 = tpu.memref_squeeze %dma_start3A_130 : memref<1x256xi32, #tpu.memory_space<vmem>> -> memref<256xi32, #tpu.memory_space<vmem>>
      %dma_start3A_132 = arith.constant 0 : i32
      %dma_start3A_133 = arith.constant 0 : i32
      %dma_start3A_134 = tpu.memref_slice %arg13[%dma_start3A_132, %dma_start3A_133] : memref<10240x16xf32, #tpu.memory_space<vmem_shared>> -> memref<10240x16xf32, #tpu.memory_space<vmem_shared>>
      tpu.enqueue_indirect_dma source(%arg11 : memref<256x16xf32, #tpu.memory_space<vmem>>) target(%dma_start3A_134 : memref<10240x16xf32, #tpu.memory_space<vmem_shared>>) offsets(%dma_start3A_131 : memref<256xi32, #tpu.memory_space<vmem>>) semaphore(%arg18 : memref<!tpu.dma_semaphore, #tpu.memory_space<semaphore_mem>>) {add = true}
      %dma_wait3A_135 = arith.constant 77 : i32
      %dma_wait3A_136 = arith.constant 0 : i32
      %dma_wait3A_137 = tpu.memref_slice %arg8[%dma_wait3A_135, %dma_wait3A_136] : memref<80x256xi32, #tpu.memory_space<vmem>> -> memref<1x256xi32, #tpu.memory_space<vmem>>
      %dma_wait3A_138 = tpu.memref_squeeze %dma_wait3A_137 : memref<1x256xi32, #tpu.memory_space<vmem>> -> memref<256xi32, #tpu.memory_space<vmem>>
      %dma_wait3A_139 = arith.constant 0 : i32
      %dma_wait3A_140 = arith.constant 0 : i32
      %dma_wait3A_141 = tpu.memref_slice %arg13[%dma_wait3A_139, %dma_wait3A_140] : memref<10240x16xf32, #tpu.memory_space<vmem_shared>> -> memref<10240x16xf32, #tpu.memory_space<vmem_shared>>
      tpu.wait_indirect_dma semaphore(%arg18 : memref<!tpu.dma_semaphore, #tpu.memory_space<semaphore_mem>>) src(%arg11 : memref<256x16xf32, #tpu.memory_space<vmem>>) dst(%dma_wait3A_141 : memref<10240x16xf32, #tpu.memory_space<vmem_shared>>)
    } else {
    }
    %dma_wait3A_71 = arith.constant 79 : i32
    %dma_wait3A_72 = arith.constant 0 : i32
    %dma_wait3A_73 = tpu.memref_slice %arg7[%dma_wait3A_71, %dma_wait3A_72] : memref<80x256xi32, #tpu.memory_space<vmem>> -> memref<1x256xi32, #tpu.memory_space<vmem>>
    %dma_wait3A_74 = tpu.memref_squeeze %dma_wait3A_73 : memref<1x256xi32, #tpu.memory_space<vmem>> -> memref<256xi32, #tpu.memory_space<vmem>>
    %dma_wait3A_75 = arith.constant 0 : i32
    %dma_wait3A_76 = arith.constant 0 : i32
    %dma_wait3A_77 = tpu.memref_slice %arg2[%dma_wait3A_75, %dma_wait3A_76] : memref<20000x64xf32, #tpu.memory_space<hbm>> -> memref<20000x64xf32, #tpu.memory_space<hbm>>
    tpu.wait_indirect_dma semaphore(%arg15 : memref<!tpu.dma_semaphore, #tpu.memory_space<semaphore_mem>>) src(%dma_wait3A_77 : memref<20000x64xf32, #tpu.memory_space<hbm>>) dst(%arg10 : memref<256x64xf32, #tpu.memory_space<vmem>>)
    %dma_wait3A_78 = arith.constant 78 : i32
    %dma_wait3A_79 = arith.constant 0 : i32
    %dma_wait3A_80 = tpu.memref_slice %arg8[%dma_wait3A_78, %dma_wait3A_79] : memref<80x256xi32, #tpu.memory_space<vmem>> -> memref<1x256xi32, #tpu.memory_space<vmem>>
    %dma_wait3A_81 = tpu.memref_squeeze %dma_wait3A_80 : memref<1x256xi32, #tpu.memory_space<vmem>> -> memref<256xi32, #tpu.memory_space<vmem>>
    %dma_wait3A_82 = arith.constant 0 : i32
    %dma_wait3A_83 = arith.constant 0 : i32
    %dma_wait3A_84 = tpu.memref_slice %arg12[%dma_wait3A_82, %dma_wait3A_83] : memref<10240x64xf32, #tpu.memory_space<vmem_shared>> -> memref<10240x64xf32, #tpu.memory_space<vmem_shared>>
    tpu.wait_indirect_dma semaphore(%arg16 : memref<!tpu.dma_semaphore, #tpu.memory_space<semaphore_mem>>) src(%arg9 : memref<256x64xf32, #tpu.memory_space<vmem>>) dst(%dma_wait3A_84 : memref<10240x64xf32, #tpu.memory_space<vmem_shared>>)
    %dma_start3A_85 = arith.constant 79 : i32
    %dma_start3A_86 = arith.constant 0 : i32
    %dma_start3A_87 = tpu.memref_slice %arg8[%dma_start3A_85, %dma_start3A_86] : memref<80x256xi32, #tpu.memory_space<vmem>> -> memref<1x256xi32, #tpu.memory_space<vmem>>
    %dma_start3A_88 = tpu.memref_squeeze %dma_start3A_87 : memref<1x256xi32, #tpu.memory_space<vmem>> -> memref<256xi32, #tpu.memory_space<vmem>>
    %dma_start3A_89 = arith.constant 0 : i32
    %dma_start3A_90 = arith.constant 0 : i32
    %dma_start3A_91 = tpu.memref_slice %arg12[%dma_start3A_89, %dma_start3A_90] : memref<10240x64xf32, #tpu.memory_space<vmem_shared>> -> memref<10240x64xf32, #tpu.memory_space<vmem_shared>>
    tpu.enqueue_indirect_dma source(%arg10 : memref<256x64xf32, #tpu.memory_space<vmem>>) target(%dma_start3A_91 : memref<10240x64xf32, #tpu.memory_space<vmem_shared>>) offsets(%dma_start3A_88 : memref<256xi32, #tpu.memory_space<vmem>>) semaphore(%arg17 : memref<!tpu.dma_semaphore, #tpu.memory_space<semaphore_mem>>) {add = true}
    %eq3A_92 = arith.constant 1 : i32
    %eq3A_93 = arith.cmpi eq, %arg0, %eq3A_92 : i32
    %convert_element_type3A_94 = arith.extui %eq3A_93 : i1 to i32
    %cond3A_95 = arith.constant 0 : i32
    %cond3A_96 = arith.cmpi ne, %convert_element_type3A_94, %cond3A_95 : i32
    scf.if %cond3A_96 {
      %dma_wait3A_114 = arith.constant 78 : i32
      %dma_wait3A_115 = arith.constant 0 : i32
      %dma_wait3A_116 = tpu.memref_slice %arg8[%dma_wait3A_114, %dma_wait3A_115] : memref<80x256xi32, #tpu.memory_space<vmem>> -> memref<1x256xi32, #tpu.memory_space<vmem>>
      %dma_wait3A_117 = tpu.memref_squeeze %dma_wait3A_116 : memref<1x256xi32, #tpu.memory_space<vmem>> -> memref<256xi32, #tpu.memory_space<vmem>>
      %dma_wait3A_118 = arith.constant 0 : i32
      %dma_wait3A_119 = arith.constant 0 : i32
      %dma_wait3A_120 = tpu.memref_slice %arg13[%dma_wait3A_118, %dma_wait3A_119] : memref<10240x16xf32, #tpu.memory_space<vmem_shared>> -> memref<10240x16xf32, #tpu.memory_space<vmem_shared>>
      tpu.wait_indirect_dma semaphore(%arg18 : memref<!tpu.dma_semaphore, #tpu.memory_space<semaphore_mem>>) src(%arg11 : memref<256x16xf32, #tpu.memory_space<vmem>>) dst(%dma_wait3A_120 : memref<10240x16xf32, #tpu.memory_space<vmem_shared>>)
      %dma_wait3A_121 = arith.constant 79 : i32
      %dma_wait3A_122 = arith.constant 0 : i32
      %dma_wait3A_123 = tpu.memref_slice %arg8[%dma_wait3A_121, %dma_wait3A_122] : memref<80x256xi32, #tpu.memory_space<vmem>> -> memref<1x256xi32, #tpu.memory_space<vmem>>
      %dma_wait3A_124 = tpu.memref_squeeze %dma_wait3A_123 : memref<1x256xi32, #tpu.memory_space<vmem>> -> memref<256xi32, #tpu.memory_space<vmem>>
      %dma_wait3A_125 = arith.constant 0 : i32
      %dma_wait3A_126 = arith.constant 0 : i32
      %dma_wait3A_127 = tpu.memref_slice %arg13[%dma_wait3A_125, %dma_wait3A_126] : memref<10240x16xf32, #tpu.memory_space<vmem_shared>> -> memref<10240x16xf32, #tpu.memory_space<vmem_shared>>
      tpu.wait_indirect_dma semaphore(%arg18 : memref<!tpu.dma_semaphore, #tpu.memory_space<semaphore_mem>>) src(%arg11 : memref<256x16xf32, #tpu.memory_space<vmem>>) dst(%dma_wait3A_127 : memref<10240x16xf32, #tpu.memory_space<vmem_shared>>)
    } else {
    }
    %dma_wait3A_97 = arith.constant 79 : i32
    %dma_wait3A_98 = arith.constant 0 : i32
    %dma_wait3A_99 = tpu.memref_slice %arg8[%dma_wait3A_97, %dma_wait3A_98] : memref<80x256xi32, #tpu.memory_space<vmem>> -> memref<1x256xi32, #tpu.memory_space<vmem>>
    %dma_wait3A_100 = tpu.memref_squeeze %dma_wait3A_99 : memref<1x256xi32, #tpu.memory_space<vmem>> -> memref<256xi32, #tpu.memory_space<vmem>>
    %dma_wait3A_101 = arith.constant 0 : i32
    %dma_wait3A_102 = arith.constant 0 : i32
    %dma_wait3A_103 = tpu.memref_slice %arg12[%dma_wait3A_101, %dma_wait3A_102] : memref<10240x64xf32, #tpu.memory_space<vmem_shared>> -> memref<10240x64xf32, #tpu.memory_space<vmem_shared>>
    tpu.wait_indirect_dma semaphore(%arg17 : memref<!tpu.dma_semaphore, #tpu.memory_space<semaphore_mem>>) src(%arg10 : memref<256x64xf32, #tpu.memory_space<vmem>>) dst(%dma_wait3A_103 : memref<10240x64xf32, #tpu.memory_space<vmem_shared>>)
    %barrier3A_104 = arith.constant 0 : index
    tpu.barrier barrier_id(%barrier3A_104)
    %mul3A_105 = arith.constant 632 : i32
    %mul3A_106 = arith.muli %arg1, %mul3A_105 : i32
    %mul3A_107 = arith.constant 632 : i32
    %mul3A_108 = arith.muli %arg1, %mul3A_107 : i32
    "tpu.region"() ({
      %run_scoped3A = tpu.sem_alloc : memref<!tpu.dma_semaphore, #tpu.memory_space<semaphore_mem>>
      %dma_start3A_114 = arith.constant 0 : i32
      %dma_start3A_115 = tpu.memref_slice %arg5[%arg0, %mul3A_108, %dma_start3A_114] : memref<2x10112x64xf32, #tpu.memory_space<hbm>> -> memref<1x632x64xf32, #tpu.memory_space<hbm>>
      %dma_start3A_116 = tpu.memref_squeeze %dma_start3A_115 : memref<1x632x64xf32, #tpu.memory_space<hbm>> -> memref<632x64xf32, #tpu.memory_space<hbm>>
      %dma_start3A_117 = arith.constant 0 : i32
      %dma_start3A_118 = tpu.memref_slice %arg12[%mul3A_106, %dma_start3A_117] : memref<10240x64xf32, #tpu.memory_space<vmem_shared>> -> memref<632x64xf32, #tpu.memory_space<vmem_shared>>
      tpu.enqueue_dma source(%dma_start3A_118 : memref<632x64xf32, #tpu.memory_space<vmem_shared>>) target(%dma_start3A_116 : memref<632x64xf32, #tpu.memory_space<hbm>>) target_semaphore(%run_scoped3A : memref<!tpu.dma_semaphore, #tpu.memory_space<semaphore_mem>>)
      %dma_wait3A_119 = arith.constant 0 : i32
      %dma_wait3A_120 = tpu.memref_slice %arg5[%arg0, %mul3A_108, %dma_wait3A_119] : memref<2x10112x64xf32, #tpu.memory_space<hbm>> -> memref<1x632x64xf32, #tpu.memory_space<hbm>>
      %dma_wait3A_121 = tpu.memref_squeeze %dma_wait3A_120 : memref<1x632x64xf32, #tpu.memory_space<hbm>> -> memref<632x64xf32, #tpu.memory_space<hbm>>
      %dma_wait3A_122 = arith.constant 0 : i32
      %dma_wait3A_123 = tpu.memref_slice %arg12[%mul3A_106, %dma_wait3A_122] : memref<10240x64xf32, #tpu.memory_space<vmem_shared>> -> memref<632x64xf32, #tpu.memory_space<vmem_shared>>
      tpu.wait_dma2 semaphore(%run_scoped3A : memref<!tpu.dma_semaphore, #tpu.memory_space<semaphore_mem>>) src(%dma_wait3A_123 : memref<632x64xf32, #tpu.memory_space<vmem_shared>>) dst(%dma_wait3A_121 : memref<632x64xf32, #tpu.memory_space<hbm>>)
      tpu.yield
    }) : () -> ()
    %eq3A_109 = arith.constant 1 : i32
    %eq3A_110 = arith.cmpi eq, %arg0, %eq3A_109 : i32
    %convert_element_type3A_111 = arith.extui %eq3A_110 : i1 to i32
    %cond3A_112 = arith.constant 0 : i32
    %cond3A_113 = arith.cmpi ne, %convert_element_type3A_111, %cond3A_112 : i32
    scf.if %cond3A_113 {
      %mul3A_114 = arith.constant 632 : i32
      %mul3A_115 = arith.muli %arg1, %mul3A_114 : i32
      %mul3A_116 = arith.constant 632 : i32
      %mul3A_117 = arith.muli %arg1, %mul3A_116 : i32
      "tpu.region"() ({
        %run_scoped3A = tpu.sem_alloc : memref<!tpu.dma_semaphore, #tpu.memory_space<semaphore_mem>>
        %dma_start3A_118 = arith.constant 0 : i32
        %dma_start3A_119 = tpu.memref_slice %arg6[%mul3A_117, %dma_start3A_118] : memref<10112x16xf32, #tpu.memory_space<hbm>> -> memref<632x16xf32, #tpu.memory_space<hbm>>
        %dma_start3A_120 = arith.constant 0 : i32
        %dma_start3A_121 = tpu.memref_slice %arg13[%mul3A_115, %dma_start3A_120] : memref<10240x16xf32, #tpu.memory_space<vmem_shared>> -> memref<632x16xf32, #tpu.memory_space<vmem_shared>>
        tpu.enqueue_dma source(%dma_start3A_121 : memref<632x16xf32, #tpu.memory_space<vmem_shared>>) target(%dma_start3A_119 : memref<632x16xf32, #tpu.memory_space<hbm>>) target_semaphore(%run_scoped3A : memref<!tpu.dma_semaphore, #tpu.memory_space<semaphore_mem>>)
        %dma_wait3A_122 = arith.constant 0 : i32
        %dma_wait3A_123 = tpu.memref_slice %arg6[%mul3A_117, %dma_wait3A_122] : memref<10112x16xf32, #tpu.memory_space<hbm>> -> memref<632x16xf32, #tpu.memory_space<hbm>>
        %dma_wait3A_124 = arith.constant 0 : i32
        %dma_wait3A_125 = tpu.memref_slice %arg13[%mul3A_115, %dma_wait3A_124] : memref<10240x16xf32, #tpu.memory_space<vmem_shared>> -> memref<632x16xf32, #tpu.memory_space<vmem_shared>>
        tpu.wait_dma2 semaphore(%run_scoped3A : memref<!tpu.dma_semaphore, #tpu.memory_space<semaphore_mem>>) src(%dma_wait3A_125 : memref<632x16xf32, #tpu.memory_space<vmem_shared>>) dst(%dma_wait3A_123 : memref<632x16xf32, #tpu.memory_space<hbm>>)
        tpu.yield
      }) : () -> ()
    } else {
    }
    return
  }
}

#map = affine_map<(d0, d1) -> (0, 0)>
#map1 = affine_map<(d0, d1) -> (0, 0, 0)>
module attributes {stable_mosaic.version = 14 : i64} {
  func.func @_sc_agg_h_body(%arg0: i32, %arg1: i32, %arg2: memref<10112x16xf32, #tpu.memory_space<hbm>>, %arg3: memref<32x10x1024xi32, #tpu.memory_space<hbm>>, %arg4: memref<32x10x1024xi32, #tpu.memory_space<hbm>>, %arg5: memref<2x10112x16xf32, #tpu.memory_space<hbm>>, %arg6: memref<10x1024xi32, #tpu.memory_space<vmem>>, %arg7: memref<10x1024xi32, #tpu.memory_space<vmem>>, %arg8: memref<1024x16xf32, #tpu.memory_space<vmem>>, %arg9: memref<1024x16xf32, #tpu.memory_space<vmem>>, %arg10: memref<10240x16xf32, #tpu.memory_space<vmem_shared>>, %arg11: memref<!tpu.dma_semaphore, #tpu.memory_space<semaphore_mem>>, %arg12: memref<!tpu.dma_semaphore, #tpu.memory_space<semaphore_mem>>, %arg13: memref<!tpu.dma_semaphore, #tpu.memory_space<semaphore_mem>>, %arg14: memref<!tpu.dma_semaphore, #tpu.memory_space<semaphore_mem>>) attributes {dimension_semantics = [#tpu.dimension_semantics<core_parallel>, #tpu.dimension_semantics<subcore_parallel>], iteration_bounds = array<i64: 2, 16>, scalar_prefetch = 0 : i64, scratch_operands = 9 : i64, tpu.core_type = #tpu.core_type<sc_vector_subcore>, window_params = [{transform_indices = #map}, {transform_indices = #map1}, {transform_indices = #map1}, {transform_indices = #map1}]} {
    %mul3A = arith.constant 16 : i32
    %mul3A_0 = arith.muli %arg0, %mul3A : i32
    %add3A = arith.addi %mul3A_0, %arg1 : i32
    %broadcast_in_dim3A = arith.constant 0.000000e+00 : f32
    %broadcast_in_dim3A_1 = vector.broadcast %broadcast_in_dim3A : f32 to vector<16xf32>
    %scan3A = arith.constant 0 : i32
    %scan3A_2 = arith.constant 0 : i32
    %scan3A_3 = arith.constant 128 : i32
    %scan3A_4 = arith.addi %scan3A_2, %scan3A_3 : i32
    %scan3A_5 = arith.constant 1 : i32
    scf.for %scan3A_92 = %scan3A_2 to %scan3A_4 step %scan3A_5  : i32 {
      %swap3A = arith.index_cast %scan3A_92 : i32 to index
      %swap3A_93 = arith.constant 0 : index
      %swap3A_94 = tpu.vector_load %arg8[%swap3A, %swap3A_93] {strides = array<i32>} : memref<1024x16xf32, #tpu.memory_space<vmem>>, vector<1x16xf32>,
      %swap3A_95 = vector.shape_cast %swap3A_94 : vector<1x16xf32> to vector<16xf32>
      %swap3A_96 = vector.shape_cast %broadcast_in_dim3A_1 : vector<16xf32> to vector<1x16xf32>
      tpu.vector_store %arg8[%swap3A, %swap3A_93], %swap3A_96 {strides = array<i32>} : memref<1024x16xf32, #tpu.memory_space<vmem>>, vector<1x16xf32>,
    }
    %scan3A_6 = arith.constant 128 : i32
    %mul3A_7 = arith.constant 640 : i32
    %mul3A_8 = arith.muli %arg1, %mul3A_7 : i32
    %add3A_9 = arith.constant 0 : i32
    %add3A_10 = arith.addi %mul3A_8, %add3A_9 : i32
    "tpu.region"() ({
      %run_scoped3A = tpu.sem_alloc : memref<!tpu.dma_semaphore, #tpu.memory_space<semaphore_mem>>
      %dma_start3A_92 = arith.constant 0 : i32
      %dma_start3A_93 = arith.constant 0 : i32
      %dma_start3A_94 = tpu.memref_slice %arg8[%dma_start3A_92, %dma_start3A_93] : memref<1024x16xf32, #tpu.memory_space<vmem>> -> memref<128x16xf32, #tpu.memory_space<vmem>>
      %dma_start3A_95 = arith.constant 0 : i32
      %dma_start3A_96 = tpu.memref_slice %arg10[%add3A_10, %dma_start3A_95] : memref<10240x16xf32, #tpu.memory_space<vmem_shared>> -> memref<128x16xf32, #tpu.memory_space<vmem_shared>>
      %dma_start3A_97 = arith.constant 0 : i32
      %dma_start3A_98 = tpu.memref_slice %arg10[%add3A_10, %dma_start3A_97] : memref<10240x16xf32, #tpu.memory_space<vmem_shared>> -> memref<128x16xf32, #tpu.memory_space<vmem_shared>>
      %dma_start3A_99 = arith.constant 0 : i32
      %dma_start3A_100 = arith.constant 0 : i32
      %dma_start3A_101 = tpu.memref_slice %arg8[%dma_start3A_99, %dma_start3A_100] : memref<1024x16xf32, #tpu.memory_space<vmem>> -> memref<128x16xf32, #tpu.memory_space<vmem>>
      tpu.enqueue_dma source(%dma_start3A_101 : memref<128x16xf32, #tpu.memory_space<vmem>>) target(%dma_start3A_98 : memref<128x16xf32, #tpu.memory_space<vmem_shared>>) target_semaphore(%run_scoped3A : memref<!tpu.dma_semaphore, #tpu.memory_space<semaphore_mem>>)
      %dma_wait3A_102 = arith.constant 0 : i32
      %dma_wait3A_103 = arith.constant 0 : i32
      %dma_wait3A_104 = tpu.memref_slice %arg8[%dma_wait3A_102, %dma_wait3A_103] : memref<1024x16xf32, #tpu.memory_space<vmem>> -> memref<128x16xf32, #tpu.memory_space<vmem>>
      %dma_wait3A_105 = arith.constant 0 : i32
      %dma_wait3A_106 = tpu.memref_slice %arg10[%add3A_10, %dma_wait3A_105] : memref<10240x16xf32, #tpu.memory_space<vmem_shared>> -> memref<128x16xf32, #tpu.memory_space<vmem_shared>>
      %dma_wait3A_107 = arith.constant 0 : i32
      %dma_wait3A_108 = tpu.memref_slice %arg10[%add3A_10, %dma_wait3A_107] : memref<10240x16xf32, #tpu.memory_space<vmem_shared>> -> memref<128x16xf32, #tpu.memory_space<vmem_shared>>
      %dma_wait3A_109 = arith.constant 0 : i32
      %dma_wait3A_110 = arith.constant 0 : i32
      %dma_wait3A_111 = tpu.memref_slice %arg8[%dma_wait3A_109, %dma_wait3A_110] : memref<1024x16xf32, #tpu.memory_space<vmem>> -> memref<128x16xf32, #tpu.memory_space<vmem>>
      tpu.wait_dma2 semaphore(%run_scoped3A : memref<!tpu.dma_semaphore, #tpu.memory_space<semaphore_mem>>) src(%dma_wait3A_111 : memref<128x16xf32, #tpu.memory_space<vmem>>) dst(%dma_wait3A_108 : memref<128x16xf32, #tpu.memory_space<vmem_shared>>)
      tpu.yield
    }) : () -> ()
    %mul3A_11 = arith.constant 640 : i32
    %mul3A_12 = arith.muli %arg1, %mul3A_11 : i32
    %add3A_13 = arith.constant 128 : i32
    %add3A_14 = arith.addi %mul3A_12, %add3A_13 : i32
    "tpu.region"() ({
      %run_scoped3A = tpu.sem_alloc : memref<!tpu.dma_semaphore, #tpu.memory_space<semaphore_mem>>
      %dma_start3A_92 = arith.constant 0 : i32
      %dma_start3A_93 = arith.constant 0 : i32
      %dma_start3A_94 = tpu.memref_slice %arg8[%dma_start3A_92, %dma_start3A_93] : memref<1024x16xf32, #tpu.memory_space<vmem>> -> memref<128x16xf32, #tpu.memory_space<vmem>>
      %dma_start3A_95 = arith.constant 0 : i32
      %dma_start3A_96 = tpu.memref_slice %arg10[%add3A_14, %dma_start3A_95] : memref<10240x16xf32, #tpu.memory_space<vmem_shared>> -> memref<128x16xf32, #tpu.memory_space<vmem_shared>>
      %dma_start3A_97 = arith.constant 0 : i32
      %dma_start3A_98 = tpu.memref_slice %arg10[%add3A_14, %dma_start3A_97] : memref<10240x16xf32, #tpu.memory_space<vmem_shared>> -> memref<128x16xf32, #tpu.memory_space<vmem_shared>>
      %dma_start3A_99 = arith.constant 0 : i32
      %dma_start3A_100 = arith.constant 0 : i32
      %dma_start3A_101 = tpu.memref_slice %arg8[%dma_start3A_99, %dma_start3A_100] : memref<1024x16xf32, #tpu.memory_space<vmem>> -> memref<128x16xf32, #tpu.memory_space<vmem>>
      tpu.enqueue_dma source(%dma_start3A_101 : memref<128x16xf32, #tpu.memory_space<vmem>>) target(%dma_start3A_98 : memref<128x16xf32, #tpu.memory_space<vmem_shared>>) target_semaphore(%run_scoped3A : memref<!tpu.dma_semaphore, #tpu.memory_space<semaphore_mem>>)
      %dma_wait3A_102 = arith.constant 0 : i32
      %dma_wait3A_103 = arith.constant 0 : i32
      %dma_wait3A_104 = tpu.memref_slice %arg8[%dma_wait3A_102, %dma_wait3A_103] : memref<1024x16xf32, #tpu.memory_space<vmem>> -> memref<128x16xf32, #tpu.memory_space<vmem>>
      %dma_wait3A_105 = arith.constant 0 : i32
      %dma_wait3A_106 = tpu.memref_slice %arg10[%add3A_14, %dma_wait3A_105] : memref<10240x16xf32, #tpu.memory_space<vmem_shared>> -> memref<128x16xf32, #tpu.memory_space<vmem_shared>>
      %dma_wait3A_107 = arith.constant 0 : i32
      %dma_wait3A_108 = tpu.memref_slice %arg10[%add3A_14, %dma_wait3A_107] : memref<10240x16xf32, #tpu.memory_space<vmem_shared>> -> memref<128x16xf32, #tpu.memory_space<vmem_shared>>
      %dma_wait3A_109 = arith.constant 0 : i32
      %dma_wait3A_110 = arith.constant 0 : i32
      %dma_wait3A_111 = tpu.memref_slice %arg8[%dma_wait3A_109, %dma_wait3A_110] : memref<1024x16xf32, #tpu.memory_space<vmem>> -> memref<128x16xf32, #tpu.memory_space<vmem>>
      tpu.wait_dma2 semaphore(%run_scoped3A : memref<!tpu.dma_semaphore, #tpu.memory_space<semaphore_mem>>) src(%dma_wait3A_111 : memref<128x16xf32, #tpu.memory_space<vmem>>) dst(%dma_wait3A_108 : memref<128x16xf32, #tpu.memory_space<vmem_shared>>)
      tpu.yield
    }) : () -> ()
    %mul3A_15 = arith.constant 640 : i32
    %mul3A_16 = arith.muli %arg1, %mul3A_15 : i32
    %add3A_17 = arith.constant 256 : i32
    %add3A_18 = arith.addi %mul3A_16, %add3A_17 : i32
    "tpu.region"() ({
      %run_scoped3A = tpu.sem_alloc : memref<!tpu.dma_semaphore, #tpu.memory_space<semaphore_mem>>
      %dma_start3A_92 = arith.constant 0 : i32
      %dma_start3A_93 = arith.constant 0 : i32
      %dma_start3A_94 = tpu.memref_slice %arg8[%dma_start3A_92, %dma_start3A_93] : memref<1024x16xf32, #tpu.memory_space<vmem>> -> memref<128x16xf32, #tpu.memory_space<vmem>>
      %dma_start3A_95 = arith.constant 0 : i32
      %dma_start3A_96 = tpu.memref_slice %arg10[%add3A_18, %dma_start3A_95] : memref<10240x16xf32, #tpu.memory_space<vmem_shared>> -> memref<128x16xf32, #tpu.memory_space<vmem_shared>>
      %dma_start3A_97 = arith.constant 0 : i32
      %dma_start3A_98 = tpu.memref_slice %arg10[%add3A_18, %dma_start3A_97] : memref<10240x16xf32, #tpu.memory_space<vmem_shared>> -> memref<128x16xf32, #tpu.memory_space<vmem_shared>>
      %dma_start3A_99 = arith.constant 0 : i32
      %dma_start3A_100 = arith.constant 0 : i32
      %dma_start3A_101 = tpu.memref_slice %arg8[%dma_start3A_99, %dma_start3A_100] : memref<1024x16xf32, #tpu.memory_space<vmem>> -> memref<128x16xf32, #tpu.memory_space<vmem>>
      tpu.enqueue_dma source(%dma_start3A_101 : memref<128x16xf32, #tpu.memory_space<vmem>>) target(%dma_start3A_98 : memref<128x16xf32, #tpu.memory_space<vmem_shared>>) target_semaphore(%run_scoped3A : memref<!tpu.dma_semaphore, #tpu.memory_space<semaphore_mem>>)
      %dma_wait3A_102 = arith.constant 0 : i32
      %dma_wait3A_103 = arith.constant 0 : i32
      %dma_wait3A_104 = tpu.memref_slice %arg8[%dma_wait3A_102, %dma_wait3A_103] : memref<1024x16xf32, #tpu.memory_space<vmem>> -> memref<128x16xf32, #tpu.memory_space<vmem>>
      %dma_wait3A_105 = arith.constant 0 : i32
      %dma_wait3A_106 = tpu.memref_slice %arg10[%add3A_18, %dma_wait3A_105] : memref<10240x16xf32, #tpu.memory_space<vmem_shared>> -> memref<128x16xf32, #tpu.memory_space<vmem_shared>>
      %dma_wait3A_107 = arith.constant 0 : i32
      %dma_wait3A_108 = tpu.memref_slice %arg10[%add3A_18, %dma_wait3A_107] : memref<10240x16xf32, #tpu.memory_space<vmem_shared>> -> memref<128x16xf32, #tpu.memory_space<vmem_shared>>
      %dma_wait3A_109 = arith.constant 0 : i32
      %dma_wait3A_110 = arith.constant 0 : i32
      %dma_wait3A_111 = tpu.memref_slice %arg8[%dma_wait3A_109, %dma_wait3A_110] : memref<1024x16xf32, #tpu.memory_space<vmem>> -> memref<128x16xf32, #tpu.memory_space<vmem>>
      tpu.wait_dma2 semaphore(%run_scoped3A : memref<!tpu.dma_semaphore, #tpu.memory_space<semaphore_mem>>) src(%dma_wait3A_111 : memref<128x16xf32, #tpu.memory_space<vmem>>) dst(%dma_wait3A_108 : memref<128x16xf32, #tpu.memory_space<vmem_shared>>)
      tpu.yield
    }) : () -> ()
    %mul3A_19 = arith.constant 640 : i32
    %mul3A_20 = arith.muli %arg1, %mul3A_19 : i32
    %add3A_21 = arith.constant 384 : i32
    %add3A_22 = arith.addi %mul3A_20, %add3A_21 : i32
    "tpu.region"() ({
      %run_scoped3A = tpu.sem_alloc : memref<!tpu.dma_semaphore, #tpu.memory_space<semaphore_mem>>
      %dma_start3A_92 = arith.constant 0 : i32
      %dma_start3A_93 = arith.constant 0 : i32
      %dma_start3A_94 = tpu.memref_slice %arg8[%dma_start3A_92, %dma_start3A_93] : memref<1024x16xf32, #tpu.memory_space<vmem>> -> memref<128x16xf32, #tpu.memory_space<vmem>>
      %dma_start3A_95 = arith.constant 0 : i32
      %dma_start3A_96 = tpu.memref_slice %arg10[%add3A_22, %dma_start3A_95] : memref<10240x16xf32, #tpu.memory_space<vmem_shared>> -> memref<128x16xf32, #tpu.memory_space<vmem_shared>>
      %dma_start3A_97 = arith.constant 0 : i32
      %dma_start3A_98 = tpu.memref_slice %arg10[%add3A_22, %dma_start3A_97] : memref<10240x16xf32, #tpu.memory_space<vmem_shared>> -> memref<128x16xf32, #tpu.memory_space<vmem_shared>>
      %dma_start3A_99 = arith.constant 0 : i32
      %dma_start3A_100 = arith.constant 0 : i32
      %dma_start3A_101 = tpu.memref_slice %arg8[%dma_start3A_99, %dma_start3A_100] : memref<1024x16xf32, #tpu.memory_space<vmem>> -> memref<128x16xf32, #tpu.memory_space<vmem>>
      tpu.enqueue_dma source(%dma_start3A_101 : memref<128x16xf32, #tpu.memory_space<vmem>>) target(%dma_start3A_98 : memref<128x16xf32, #tpu.memory_space<vmem_shared>>) target_semaphore(%run_scoped3A : memref<!tpu.dma_semaphore, #tpu.memory_space<semaphore_mem>>)
      %dma_wait3A_102 = arith.constant 0 : i32
      %dma_wait3A_103 = arith.constant 0 : i32
      %dma_wait3A_104 = tpu.memref_slice %arg8[%dma_wait3A_102, %dma_wait3A_103] : memref<1024x16xf32, #tpu.memory_space<vmem>> -> memref<128x16xf32, #tpu.memory_space<vmem>>
      %dma_wait3A_105 = arith.constant 0 : i32
      %dma_wait3A_106 = tpu.memref_slice %arg10[%add3A_22, %dma_wait3A_105] : memref<10240x16xf32, #tpu.memory_space<vmem_shared>> -> memref<128x16xf32, #tpu.memory_space<vmem_shared>>
      %dma_wait3A_107 = arith.constant 0 : i32
      %dma_wait3A_108 = tpu.memref_slice %arg10[%add3A_22, %dma_wait3A_107] : memref<10240x16xf32, #tpu.memory_space<vmem_shared>> -> memref<128x16xf32, #tpu.memory_space<vmem_shared>>
      %dma_wait3A_109 = arith.constant 0 : i32
      %dma_wait3A_110 = arith.constant 0 : i32
      %dma_wait3A_111 = tpu.memref_slice %arg8[%dma_wait3A_109, %dma_wait3A_110] : memref<1024x16xf32, #tpu.memory_space<vmem>> -> memref<128x16xf32, #tpu.memory_space<vmem>>
      tpu.wait_dma2 semaphore(%run_scoped3A : memref<!tpu.dma_semaphore, #tpu.memory_space<semaphore_mem>>) src(%dma_wait3A_111 : memref<128x16xf32, #tpu.memory_space<vmem>>) dst(%dma_wait3A_108 : memref<128x16xf32, #tpu.memory_space<vmem_shared>>)
      tpu.yield
    }) : () -> ()
    %mul3A_23 = arith.constant 640 : i32
    %mul3A_24 = arith.muli %arg1, %mul3A_23 : i32
    %add3A_25 = arith.constant 512 : i32
    %add3A_26 = arith.addi %mul3A_24, %add3A_25 : i32
    "tpu.region"() ({
      %run_scoped3A = tpu.sem_alloc : memref<!tpu.dma_semaphore, #tpu.memory_space<semaphore_mem>>
      %dma_start3A_92 = arith.constant 0 : i32
      %dma_start3A_93 = arith.constant 0 : i32
      %dma_start3A_94 = tpu.memref_slice %arg8[%dma_start3A_92, %dma_start3A_93] : memref<1024x16xf32, #tpu.memory_space<vmem>> -> memref<128x16xf32, #tpu.memory_space<vmem>>
      %dma_start3A_95 = arith.constant 0 : i32
      %dma_start3A_96 = tpu.memref_slice %arg10[%add3A_26, %dma_start3A_95] : memref<10240x16xf32, #tpu.memory_space<vmem_shared>> -> memref<128x16xf32, #tpu.memory_space<vmem_shared>>
      %dma_start3A_97 = arith.constant 0 : i32
      %dma_start3A_98 = tpu.memref_slice %arg10[%add3A_26, %dma_start3A_97] : memref<10240x16xf32, #tpu.memory_space<vmem_shared>> -> memref<128x16xf32, #tpu.memory_space<vmem_shared>>
      %dma_start3A_99 = arith.constant 0 : i32
      %dma_start3A_100 = arith.constant 0 : i32
      %dma_start3A_101 = tpu.memref_slice %arg8[%dma_start3A_99, %dma_start3A_100] : memref<1024x16xf32, #tpu.memory_space<vmem>> -> memref<128x16xf32, #tpu.memory_space<vmem>>
      tpu.enqueue_dma source(%dma_start3A_101 : memref<128x16xf32, #tpu.memory_space<vmem>>) target(%dma_start3A_98 : memref<128x16xf32, #tpu.memory_space<vmem_shared>>) target_semaphore(%run_scoped3A : memref<!tpu.dma_semaphore, #tpu.memory_space<semaphore_mem>>)
      %dma_wait3A_102 = arith.constant 0 : i32
      %dma_wait3A_103 = arith.constant 0 : i32
      %dma_wait3A_104 = tpu.memref_slice %arg8[%dma_wait3A_102, %dma_wait3A_103] : memref<1024x16xf32, #tpu.memory_space<vmem>> -> memref<128x16xf32, #tpu.memory_space<vmem>>
      %dma_wait3A_105 = arith.constant 0 : i32
      %dma_wait3A_106 = tpu.memref_slice %arg10[%add3A_26, %dma_wait3A_105] : memref<10240x16xf32, #tpu.memory_space<vmem_shared>> -> memref<128x16xf32, #tpu.memory_space<vmem_shared>>
      %dma_wait3A_107 = arith.constant 0 : i32
      %dma_wait3A_108 = tpu.memref_slice %arg10[%add3A_26, %dma_wait3A_107] : memref<10240x16xf32, #tpu.memory_space<vmem_shared>> -> memref<128x16xf32, #tpu.memory_space<vmem_shared>>
      %dma_wait3A_109 = arith.constant 0 : i32
      %dma_wait3A_110 = arith.constant 0 : i32
      %dma_wait3A_111 = tpu.memref_slice %arg8[%dma_wait3A_109, %dma_wait3A_110] : memref<1024x16xf32, #tpu.memory_space<vmem>> -> memref<128x16xf32, #tpu.memory_space<vmem>>
      tpu.wait_dma2 semaphore(%run_scoped3A : memref<!tpu.dma_semaphore, #tpu.memory_space<semaphore_mem>>) src(%dma_wait3A_111 : memref<128x16xf32, #tpu.memory_space<vmem>>) dst(%dma_wait3A_108 : memref<128x16xf32, #tpu.memory_space<vmem_shared>>)
      tpu.yield
    }) : () -> ()
    "tpu.region"() ({
      %run_scoped3A = tpu.sem_alloc : memref<!tpu.dma_semaphore, #tpu.memory_space<semaphore_mem>>
      %dma_start3A_92 = arith.constant 0 : i32
      %dma_start3A_93 = arith.constant 0 : i32
      %dma_start3A_94 = tpu.memref_slice %arg3[%add3A, %dma_start3A_92, %dma_start3A_93] : memref<32x10x1024xi32, #tpu.memory_space<hbm>> -> memref<1x10x1024xi32, #tpu.memory_space<hbm>>
      %dma_start3A_95 = tpu.memref_squeeze %dma_start3A_94 : memref<1x10x1024xi32, #tpu.memory_space<hbm>> -> memref<10x1024xi32, #tpu.memory_space<hbm>>
      %dma_start3A_96 = arith.constant 0 : i32
      %dma_start3A_97 = arith.constant 0 : i32
      %dma_start3A_98 = tpu.memref_slice %arg3[%add3A, %dma_start3A_96, %dma_start3A_97] : memref<32x10x1024xi32, #tpu.memory_space<hbm>> -> memref<1x10x1024xi32, #tpu.memory_space<hbm>>
      %dma_start3A_99 = tpu.memref_squeeze %dma_start3A_98 : memref<1x10x1024xi32, #tpu.memory_space<hbm>> -> memref<10x1024xi32, #tpu.memory_space<hbm>>
      tpu.enqueue_dma source(%dma_start3A_99 : memref<10x1024xi32, #tpu.memory_space<hbm>>) target(%arg6 : memref<10x1024xi32, #tpu.memory_space<vmem>>) target_semaphore(%run_scoped3A : memref<!tpu.dma_semaphore, #tpu.memory_space<semaphore_mem>>)
      %dma_wait3A_100 = arith.constant 0 : i32
      %dma_wait3A_101 = arith.constant 0 : i32
      %dma_wait3A_102 = tpu.memref_slice %arg3[%add3A, %dma_wait3A_100, %dma_wait3A_101] : memref<32x10x1024xi32, #tpu.memory_space<hbm>> -> memref<1x10x1024xi32, #tpu.memory_space<hbm>>
      %dma_wait3A_103 = tpu.memref_squeeze %dma_wait3A_102 : memref<1x10x1024xi32, #tpu.memory_space<hbm>> -> memref<10x1024xi32, #tpu.memory_space<hbm>>
      %dma_wait3A_104 = arith.constant 0 : i32
      %dma_wait3A_105 = arith.constant 0 : i32
      %dma_wait3A_106 = tpu.memref_slice %arg3[%add3A, %dma_wait3A_104, %dma_wait3A_105] : memref<32x10x1024xi32, #tpu.memory_space<hbm>> -> memref<1x10x1024xi32, #tpu.memory_space<hbm>>
      %dma_wait3A_107 = tpu.memref_squeeze %dma_wait3A_106 : memref<1x10x1024xi32, #tpu.memory_space<hbm>> -> memref<10x1024xi32, #tpu.memory_space<hbm>>
      tpu.wait_dma2 semaphore(%run_scoped3A : memref<!tpu.dma_semaphore, #tpu.memory_space<semaphore_mem>>) src(%dma_wait3A_107 : memref<10x1024xi32, #tpu.memory_space<hbm>>) dst(%arg6 : memref<10x1024xi32, #tpu.memory_space<vmem>>)
      tpu.yield
    }) : () -> ()
    "tpu.region"() ({
      %run_scoped3A = tpu.sem_alloc : memref<!tpu.dma_semaphore, #tpu.memory_space<semaphore_mem>>
      %dma_start3A_92 = arith.constant 0 : i32
      %dma_start3A_93 = arith.constant 0 : i32
      %dma_start3A_94 = tpu.memref_slice %arg4[%add3A, %dma_start3A_92, %dma_start3A_93] : memref<32x10x1024xi32, #tpu.memory_space<hbm>> -> memref<1x10x1024xi32, #tpu.memory_space<hbm>>
      %dma_start3A_95 = tpu.memref_squeeze %dma_start3A_94 : memref<1x10x1024xi32, #tpu.memory_space<hbm>> -> memref<10x1024xi32, #tpu.memory_space<hbm>>
      %dma_start3A_96 = arith.constant 0 : i32
      %dma_start3A_97 = arith.constant 0 : i32
      %dma_start3A_98 = tpu.memref_slice %arg4[%add3A, %dma_start3A_96, %dma_start3A_97] : memref<32x10x1024xi32, #tpu.memory_space<hbm>> -> memref<1x10x1024xi32, #tpu.memory_space<hbm>>
      %dma_start3A_99 = tpu.memref_squeeze %dma_start3A_98 : memref<1x10x1024xi32, #tpu.memory_space<hbm>> -> memref<10x1024xi32, #tpu.memory_space<hbm>>
      tpu.enqueue_dma source(%dma_start3A_99 : memref<10x1024xi32, #tpu.memory_space<hbm>>) target(%arg7 : memref<10x1024xi32, #tpu.memory_space<vmem>>) target_semaphore(%run_scoped3A : memref<!tpu.dma_semaphore, #tpu.memory_space<semaphore_mem>>)
      %dma_wait3A_100 = arith.constant 0 : i32
      %dma_wait3A_101 = arith.constant 0 : i32
      %dma_wait3A_102 = tpu.memref_slice %arg4[%add3A, %dma_wait3A_100, %dma_wait3A_101] : memref<32x10x1024xi32, #tpu.memory_space<hbm>> -> memref<1x10x1024xi32, #tpu.memory_space<hbm>>
      %dma_wait3A_103 = tpu.memref_squeeze %dma_wait3A_102 : memref<1x10x1024xi32, #tpu.memory_space<hbm>> -> memref<10x1024xi32, #tpu.memory_space<hbm>>
      %dma_wait3A_104 = arith.constant 0 : i32
      %dma_wait3A_105 = arith.constant 0 : i32
      %dma_wait3A_106 = tpu.memref_slice %arg4[%add3A, %dma_wait3A_104, %dma_wait3A_105] : memref<32x10x1024xi32, #tpu.memory_space<hbm>> -> memref<1x10x1024xi32, #tpu.memory_space<hbm>>
      %dma_wait3A_107 = tpu.memref_squeeze %dma_wait3A_106 : memref<1x10x1024xi32, #tpu.memory_space<hbm>> -> memref<10x1024xi32, #tpu.memory_space<hbm>>
      tpu.wait_dma2 semaphore(%run_scoped3A : memref<!tpu.dma_semaphore, #tpu.memory_space<semaphore_mem>>) src(%dma_wait3A_107 : memref<10x1024xi32, #tpu.memory_space<hbm>>) dst(%arg7 : memref<10x1024xi32, #tpu.memory_space<vmem>>)
      tpu.yield
    }) : () -> ()
    %barrier3A = arith.constant 0 : index
    tpu.barrier barrier_id(%barrier3A)
    %dma_start3A = arith.constant 0 : i32
    %dma_start3A_27 = arith.constant 0 : i32
    %dma_start3A_28 = tpu.memref_slice %arg6[%dma_start3A, %dma_start3A_27] : memref<10x1024xi32, #tpu.memory_space<vmem>> -> memref<1x1024xi32, #tpu.memory_space<vmem>>
    %dma_start3A_29 = tpu.memref_squeeze %dma_start3A_28 : memref<1x1024xi32, #tpu.memory_space<vmem>> -> memref<1024xi32, #tpu.memory_space<vmem>>
    %dma_start3A_30 = arith.constant 0 : i32
    %dma_start3A_31 = arith.constant 0 : i32
    %dma_start3A_32 = tpu.memref_slice %arg2[%dma_start3A_30, %dma_start3A_31] : memref<10112x16xf32, #tpu.memory_space<hbm>> -> memref<10112x16xf32, #tpu.memory_space<hbm>>
    tpu.enqueue_indirect_dma source(%dma_start3A_32 : memref<10112x16xf32, #tpu.memory_space<hbm>>) target(%arg8 : memref<1024x16xf32, #tpu.memory_space<vmem>>) offsets(%dma_start3A_29 : memref<1024xi32, #tpu.memory_space<vmem>>) semaphore(%arg11 : memref<!tpu.dma_semaphore, #tpu.memory_space<semaphore_mem>>)
    %scan3A_33 = arith.constant 0 : i32
    %scan3A_34 = arith.constant 0 : i32
    %scan3A_35 = arith.constant 4 : i32
    %scan3A_36 = arith.addi %scan3A_34, %scan3A_35 : i32
    %scan3A_37 = arith.constant 1 : i32
    scf.for %scan3A_92 = %scan3A_34 to %scan3A_36 step %scan3A_37  : i32 {
      %mul3A_93 = arith.constant 2 : i32
      %mul3A_94 = arith.muli %mul3A_93, %scan3A_92 : i32
      %dma_wait3A_95 = arith.constant 0 : i32
      %dma_wait3A_96 = tpu.memref_slice %arg6[%mul3A_94, %dma_wait3A_95] : memref<10x1024xi32, #tpu.memory_space<vmem>> -> memref<1x1024xi32, #tpu.memory_space<vmem>>
      %dma_wait3A_97 = tpu.memref_squeeze %dma_wait3A_96 : memref<1x1024xi32, #tpu.memory_space<vmem>> -> memref<1024xi32, #tpu.memory_space<vmem>>
      %dma_wait3A_98 = arith.constant 0 : i32
      %dma_wait3A_99 = arith.constant 0 : i32
      %dma_wait3A_100 = tpu.memref_slice %arg2[%dma_wait3A_98, %dma_wait3A_99] : memref<10112x16xf32, #tpu.memory_space<hbm>> -> memref<10112x16xf32, #tpu.memory_space<hbm>>
      tpu.wait_indirect_dma semaphore(%arg11 : memref<!tpu.dma_semaphore, #tpu.memory_space<semaphore_mem>>) src(%dma_wait3A_100 : memref<10112x16xf32, #tpu.memory_space<hbm>>) dst(%arg8 : memref<1024x16xf32, #tpu.memory_space<vmem>>)
      %add3A_101 = arith.constant 1 : i32
      %add3A_102 = arith.addi %mul3A_94, %add3A_101 : i32
      %dma_start3A_103 = arith.constant 0 : i32
      %dma_start3A_104 = tpu.memref_slice %arg6[%add3A_102, %dma_start3A_103] : memref<10x1024xi32, #tpu.memory_space<vmem>> -> memref<1x1024xi32, #tpu.memory_space<vmem>>
      %dma_start3A_105 = tpu.memref_squeeze %dma_start3A_104 : memref<1x1024xi32, #tpu.memory_space<vmem>> -> memref<1024xi32, #tpu.memory_space<vmem>>
      %dma_start3A_106 = arith.constant 0 : i32
      %dma_start3A_107 = arith.constant 0 : i32
      %dma_start3A_108 = tpu.memref_slice %arg2[%dma_start3A_106, %dma_start3A_107] : memref<10112x16xf32, #tpu.memory_space<hbm>> -> memref<10112x16xf32, #tpu.memory_space<hbm>>
      tpu.enqueue_indirect_dma source(%dma_start3A_108 : memref<10112x16xf32, #tpu.memory_space<hbm>>) target(%arg9 : memref<1024x16xf32, #tpu.memory_space<vmem>>) offsets(%dma_start3A_105 : memref<1024xi32, #tpu.memory_space<vmem>>) semaphore(%arg12 : memref<!tpu.dma_semaphore, #tpu.memory_space<semaphore_mem>>)
      %dma_start3A_109 = arith.constant 0 : i32
      %dma_start3A_110 = tpu.memref_slice %arg7[%mul3A_94, %dma_start3A_109] : memref<10x1024xi32, #tpu.memory_space<vmem>> -> memref<1x1024xi32, #tpu.memory_space<vmem>>
      %dma_start3A_111 = tpu.memref_squeeze %dma_start3A_110 : memref<1x1024xi32, #tpu.memory_space<vmem>> -> memref<1024xi32, #tpu.memory_space<vmem>>
      %dma_start3A_112 = arith.constant 0 : i32
      %dma_start3A_113 = arith.constant 0 : i32
      %dma_start3A_114 = tpu.memref_slice %arg10[%dma_start3A_112, %dma_start3A_113] : memref<10240x16xf32, #tpu.memory_space<vmem_shared>> -> memref<10240x16xf32, #tpu.memory_space<vmem_shared>>
      tpu.enqueue_indirect_dma source(%arg8 : memref<1024x16xf32, #tpu.memory_space<vmem>>) target(%dma_start3A_114 : memref<10240x16xf32, #tpu.memory_space<vmem_shared>>) offsets(%dma_start3A_111 : memref<1024xi32, #tpu.memory_space<vmem>>) semaphore(%arg13 : memref<!tpu.dma_semaphore, #tpu.memory_space<semaphore_mem>>) {add = true}
      %add3A_115 = arith.constant 1 : i32
      %add3A_116 = arith.addi %mul3A_94, %add3A_115 : i32
      %dma_wait3A_117 = arith.constant 0 : i32
      %dma_wait3A_118 = tpu.memref_slice %arg6[%add3A_116, %dma_wait3A_117] : memref<10x1024xi32, #tpu.memory_space<vmem>> -> memref<1x1024xi32, #tpu.memory_space<vmem>>
      %dma_wait3A_119 = tpu.memref_squeeze %dma_wait3A_118 : memref<1x1024xi32, #tpu.memory_space<vmem>> -> memref<1024xi32, #tpu.memory_space<vmem>>
      %dma_wait3A_120 = arith.constant 0 : i32
      %dma_wait3A_121 = arith.constant 0 : i32
      %dma_wait3A_122 = tpu.memref_slice %arg2[%dma_wait3A_120, %dma_wait3A_121] : memref<10112x16xf32, #tpu.memory_space<hbm>> -> memref<10112x16xf32, #tpu.memory_space<hbm>>
      tpu.wait_indirect_dma semaphore(%arg12 : memref<!tpu.dma_semaphore, #tpu.memory_space<semaphore_mem>>) src(%dma_wait3A_122 : memref<10112x16xf32, #tpu.memory_space<hbm>>) dst(%arg9 : memref<1024x16xf32, #tpu.memory_space<vmem>>)
      %dma_wait3A_123 = arith.constant 0 : i32
      %dma_wait3A_124 = tpu.memref_slice %arg7[%mul3A_94, %dma_wait3A_123] : memref<10x1024xi32, #tpu.memory_space<vmem>> -> memref<1x1024xi32, #tpu.memory_space<vmem>>
      %dma_wait3A_125 = tpu.memref_squeeze %dma_wait3A_124 : memref<1x1024xi32, #tpu.memory_space<vmem>> -> memref<1024xi32, #tpu.memory_space<vmem>>
      %dma_wait3A_126 = arith.constant 0 : i32
      %dma_wait3A_127 = arith.constant 0 : i32
      %dma_wait3A_128 = tpu.memref_slice %arg10[%dma_wait3A_126, %dma_wait3A_127] : memref<10240x16xf32, #tpu.memory_space<vmem_shared>> -> memref<10240x16xf32, #tpu.memory_space<vmem_shared>>
      tpu.wait_indirect_dma semaphore(%arg13 : memref<!tpu.dma_semaphore, #tpu.memory_space<semaphore_mem>>) src(%arg8 : memref<1024x16xf32, #tpu.memory_space<vmem>>) dst(%dma_wait3A_128 : memref<10240x16xf32, #tpu.memory_space<vmem_shared>>)
      %add3A_129 = arith.constant 2 : i32
      %add3A_130 = arith.addi %mul3A_94, %add3A_129 : i32
      %dma_start3A_131 = arith.constant 0 : i32
      %dma_start3A_132 = tpu.memref_slice %arg6[%add3A_130, %dma_start3A_131] : memref<10x1024xi32, #tpu.memory_space<vmem>> -> memref<1x1024xi32, #tpu.memory_space<vmem>>
      %dma_start3A_133 = tpu.memref_squeeze %dma_start3A_132 : memref<1x1024xi32, #tpu.memory_space<vmem>> -> memref<1024xi32, #tpu.memory_space<vmem>>
      %dma_start3A_134 = arith.constant 0 : i32
      %dma_start3A_135 = arith.constant 0 : i32
      %dma_start3A_136 = tpu.memref_slice %arg2[%dma_start3A_134, %dma_start3A_135] : memref<10112x16xf32, #tpu.memory_space<hbm>> -> memref<10112x16xf32, #tpu.memory_space<hbm>>
      tpu.enqueue_indirect_dma source(%dma_start3A_136 : memref<10112x16xf32, #tpu.memory_space<hbm>>) target(%arg8 : memref<1024x16xf32, #tpu.memory_space<vmem>>) offsets(%dma_start3A_133 : memref<1024xi32, #tpu.memory_space<vmem>>) semaphore(%arg11 : memref<!tpu.dma_semaphore, #tpu.memory_space<semaphore_mem>>)
      %add3A_137 = arith.constant 1 : i32
      %add3A_138 = arith.addi %mul3A_94, %add3A_137 : i32
      %dma_start3A_139 = arith.constant 0 : i32
      %dma_start3A_140 = tpu.memref_slice %arg7[%add3A_138, %dma_start3A_139] : memref<10x1024xi32, #tpu.memory_space<vmem>> -> memref<1x1024xi32, #tpu.memory_space<vmem>>
      %dma_start3A_141 = tpu.memref_squeeze %dma_start3A_140 : memref<1x1024xi32, #tpu.memory_space<vmem>> -> memref<1024xi32, #tpu.memory_space<vmem>>
      %dma_start3A_142 = arith.constant 0 : i32
      %dma_start3A_143 = arith.constant 0 : i32
      %dma_start3A_144 = tpu.memref_slice %arg10[%dma_start3A_142, %dma_start3A_143] : memref<10240x16xf32, #tpu.memory_space<vmem_shared>> -> memref<10240x16xf32, #tpu.memory_space<vmem_shared>>
      tpu.enqueue_indirect_dma source(%arg9 : memref<1024x16xf32, #tpu.memory_space<vmem>>) target(%dma_start3A_144 : memref<10240x16xf32, #tpu.memory_space<vmem_shared>>) offsets(%dma_start3A_141 : memref<1024xi32, #tpu.memory_space<vmem>>) semaphore(%arg14 : memref<!tpu.dma_semaphore, #tpu.memory_space<semaphore_mem>>) {add = true}
      %add3A_145 = arith.constant 1 : i32
      %add3A_146 = arith.addi %mul3A_94, %add3A_145 : i32
      %dma_wait3A_147 = arith.constant 0 : i32
      %dma_wait3A_148 = tpu.memref_slice %arg7[%add3A_146, %dma_wait3A_147] : memref<10x1024xi32, #tpu.memory_space<vmem>> -> memref<1x1024xi32, #tpu.memory_space<vmem>>
      %dma_wait3A_149 = tpu.memref_squeeze %dma_wait3A_148 : memref<1x1024xi32, #tpu.memory_space<vmem>> -> memref<1024xi32, #tpu.memory_space<vmem>>
      %dma_wait3A_150 = arith.constant 0 : i32
      %dma_wait3A_151 = arith.constant 0 : i32
      %dma_wait3A_152 = tpu.memref_slice %arg10[%dma_wait3A_150, %dma_wait3A_151] : memref<10240x16xf32, #tpu.memory_space<vmem_shared>> -> memref<10240x16xf32, #tpu.memory_space<vmem_shared>>
      tpu.wait_indirect_dma semaphore(%arg14 : memref<!tpu.dma_semaphore, #tpu.memory_space<semaphore_mem>>) src(%arg9 : memref<1024x16xf32, #tpu.memory_space<vmem>>) dst(%dma_wait3A_152 : memref<10240x16xf32, #tpu.memory_space<vmem_shared>>)
    }
    %scan3A_38 = arith.constant 4 : i32
    %dma_wait3A = arith.constant 8 : i32
    %dma_wait3A_39 = arith.constant 0 : i32
    %dma_wait3A_40 = tpu.memref_slice %arg6[%dma_wait3A, %dma_wait3A_39] : memref<10x1024xi32, #tpu.memory_space<vmem>> -> memref<1x1024xi32, #tpu.memory_space<vmem>>
    %dma_wait3A_41 = tpu.memref_squeeze %dma_wait3A_40 : memref<1x1024xi32, #tpu.memory_space<vmem>> -> memref<1024xi32, #tpu.memory_space<vmem>>
    %dma_wait3A_42 = arith.constant 0 : i32
    %dma_wait3A_43 = arith.constant 0 : i32
    %dma_wait3A_44 = tpu.memref_slice %arg2[%dma_wait3A_42, %dma_wait3A_43] : memref<10112x16xf32, #tpu.memory_space<hbm>> -> memref<10112x16xf32, #tpu.memory_space<hbm>>
    tpu.wait_indirect_dma semaphore(%arg11 : memref<!tpu.dma_semaphore, #tpu.memory_space<semaphore_mem>>) src(%dma_wait3A_44 : memref<10112x16xf32, #tpu.memory_space<hbm>>) dst(%arg8 : memref<1024x16xf32, #tpu.memory_space<vmem>>)
    %dma_start3A_45 = arith.constant 9 : i32
    %dma_start3A_46 = arith.constant 0 : i32
    %dma_start3A_47 = tpu.memref_slice %arg6[%dma_start3A_45, %dma_start3A_46] : memref<10x1024xi32, #tpu.memory_space<vmem>> -> memref<1x1024xi32, #tpu.memory_space<vmem>>
    %dma_start3A_48 = tpu.memref_squeeze %dma_start3A_47 : memref<1x1024xi32, #tpu.memory_space<vmem>> -> memref<1024xi32, #tpu.memory_space<vmem>>
    %dma_start3A_49 = arith.constant 0 : i32
    %dma_start3A_50 = arith.constant 0 : i32
    %dma_start3A_51 = tpu.memref_slice %arg2[%dma_start3A_49, %dma_start3A_50] : memref<10112x16xf32, #tpu.memory_space<hbm>> -> memref<10112x16xf32, #tpu.memory_space<hbm>>
    tpu.enqueue_indirect_dma source(%dma_start3A_51 : memref<10112x16xf32, #tpu.memory_space<hbm>>) target(%arg9 : memref<1024x16xf32, #tpu.memory_space<vmem>>) offsets(%dma_start3A_48 : memref<1024xi32, #tpu.memory_space<vmem>>) semaphore(%arg12 : memref<!tpu.dma_semaphore, #tpu.memory_space<semaphore_mem>>)
    %dma_start3A_52 = arith.constant 8 : i32
    %dma_start3A_53 = arith.constant 0 : i32
    %dma_start3A_54 = tpu.memref_slice %arg7[%dma_start3A_52, %dma_start3A_53] : memref<10x1024xi32, #tpu.memory_space<vmem>> -> memref<1x1024xi32, #tpu.memory_space<vmem>>
    %dma_start3A_55 = tpu.memref_squeeze %dma_start3A_54 : memref<1x1024xi32, #tpu.memory_space<vmem>> -> memref<1024xi32, #tpu.memory_space<vmem>>
    %dma_start3A_56 = arith.constant 0 : i32
    %dma_start3A_57 = arith.constant 0 : i32
    %dma_start3A_58 = tpu.memref_slice %arg10[%dma_start3A_56, %dma_start3A_57] : memref<10240x16xf32, #tpu.memory_space<vmem_shared>> -> memref<10240x16xf32, #tpu.memory_space<vmem_shared>>
    tpu.enqueue_indirect_dma source(%arg8 : memref<1024x16xf32, #tpu.memory_space<vmem>>) target(%dma_start3A_58 : memref<10240x16xf32, #tpu.memory_space<vmem_shared>>) offsets(%dma_start3A_55 : memref<1024xi32, #tpu.memory_space<vmem>>) semaphore(%arg13 : memref<!tpu.dma_semaphore, #tpu.memory_space<semaphore_mem>>) {add = true}
    %dma_wait3A_59 = arith.constant 9 : i32
    %dma_wait3A_60 = arith.constant 0 : i32
    %dma_wait3A_61 = tpu.memref_slice %arg6[%dma_wait3A_59, %dma_wait3A_60] : memref<10x1024xi32, #tpu.memory_space<vmem>> -> memref<1x1024xi32, #tpu.memory_space<vmem>>
    %dma_wait3A_62 = tpu.memref_squeeze %dma_wait3A_61 : memref<1x1024xi32, #tpu.memory_space<vmem>> -> memref<1024xi32, #tpu.memory_space<vmem>>
    %dma_wait3A_63 = arith.constant 0 : i32
    %dma_wait3A_64 = arith.constant 0 : i32
    %dma_wait3A_65 = tpu.memref_slice %arg2[%dma_wait3A_63, %dma_wait3A_64] : memref<10112x16xf32, #tpu.memory_space<hbm>> -> memref<10112x16xf32, #tpu.memory_space<hbm>>
    tpu.wait_indirect_dma semaphore(%arg12 : memref<!tpu.dma_semaphore, #tpu.memory_space<semaphore_mem>>) src(%dma_wait3A_65 : memref<10112x16xf32, #tpu.memory_space<hbm>>) dst(%arg9 : memref<1024x16xf32, #tpu.memory_space<vmem>>)
    %dma_wait3A_66 = arith.constant 8 : i32
    %dma_wait3A_67 = arith.constant 0 : i32
    %dma_wait3A_68 = tpu.memref_slice %arg7[%dma_wait3A_66, %dma_wait3A_67] : memref<10x1024xi32, #tpu.memory_space<vmem>> -> memref<1x1024xi32, #tpu.memory_space<vmem>>
    %dma_wait3A_69 = tpu.memref_squeeze %dma_wait3A_68 : memref<1x1024xi32, #tpu.memory_space<vmem>> -> memref<1024xi32, #tpu.memory_space<vmem>>
    %dma_wait3A_70 = arith.constant 0 : i32
    %dma_wait3A_71 = arith.constant 0 : i32
    %dma_wait3A_72 = tpu.memref_slice %arg10[%dma_wait3A_70, %dma_wait3A_71] : memref<10240x16xf32, #tpu.memory_space<vmem_shared>> -> memref<10240x16xf32, #tpu.memory_space<vmem_shared>>
    tpu.wait_indirect_dma semaphore(%arg13 : memref<!tpu.dma_semaphore, #tpu.memory_space<semaphore_mem>>) src(%arg8 : memref<1024x16xf32, #tpu.memory_space<vmem>>) dst(%dma_wait3A_72 : memref<10240x16xf32, #tpu.memory_space<vmem_shared>>)
    %dma_start3A_73 = arith.constant 9 : i32
    %dma_start3A_74 = arith.constant 0 : i32
    %dma_start3A_75 = tpu.memref_slice %arg7[%dma_start3A_73, %dma_start3A_74] : memref<10x1024xi32, #tpu.memory_space<vmem>> -> memref<1x1024xi32, #tpu.memory_space<vmem>>
    %dma_start3A_76 = tpu.memref_squeeze %dma_start3A_75 : memref<1x1024xi32, #tpu.memory_space<vmem>> -> memref<1024xi32, #tpu.memory_space<vmem>>
    %dma_start3A_77 = arith.constant 0 : i32
    %dma_start3A_78 = arith.constant 0 : i32
    %dma_start3A_79 = tpu.memref_slice %arg10[%dma_start3A_77, %dma_start3A_78] : memref<10240x16xf32, #tpu.memory_space<vmem_shared>> -> memref<10240x16xf32, #tpu.memory_space<vmem_shared>>
    tpu.enqueue_indirect_dma source(%arg9 : memref<1024x16xf32, #tpu.memory_space<vmem>>) target(%dma_start3A_79 : memref<10240x16xf32, #tpu.memory_space<vmem_shared>>) offsets(%dma_start3A_76 : memref<1024xi32, #tpu.memory_space<vmem>>) semaphore(%arg14 : memref<!tpu.dma_semaphore, #tpu.memory_space<semaphore_mem>>) {add = true}
    %dma_wait3A_80 = arith.constant 9 : i32
    %dma_wait3A_81 = arith.constant 0 : i32
    %dma_wait3A_82 = tpu.memref_slice %arg7[%dma_wait3A_80, %dma_wait3A_81] : memref<10x1024xi32, #tpu.memory_space<vmem>> -> memref<1x1024xi32, #tpu.memory_space<vmem>>
    %dma_wait3A_83 = tpu.memref_squeeze %dma_wait3A_82 : memref<1x1024xi32, #tpu.memory_space<vmem>> -> memref<1024xi32, #tpu.memory_space<vmem>>
    %dma_wait3A_84 = arith.constant 0 : i32
    %dma_wait3A_85 = arith.constant 0 : i32
    %dma_wait3A_86 = tpu.memref_slice %arg10[%dma_wait3A_84, %dma_wait3A_85] : memref<10240x16xf32, #tpu.memory_space<vmem_shared>> -> memref<10240x16xf32, #tpu.memory_space<vmem_shared>>
    tpu.wait_indirect_dma semaphore(%arg14 : memref<!tpu.dma_semaphore, #tpu.memory_space<semaphore_mem>>) src(%arg9 : memref<1024x16xf32, #tpu.memory_space<vmem>>) dst(%dma_wait3A_86 : memref<10240x16xf32, #tpu.memory_space<vmem_shared>>)
    %barrier3A_87 = arith.constant 0 : index
    tpu.barrier barrier_id(%barrier3A_87)
    %mul3A_88 = arith.constant 632 : i32
    %mul3A_89 = arith.muli %arg1, %mul3A_88 : i32
    %mul3A_90 = arith.constant 632 : i32
    %mul3A_91 = arith.muli %arg1, %mul3A_90 : i32
    "tpu.region"() ({
      %run_scoped3A = tpu.sem_alloc : memref<!tpu.dma_semaphore, #tpu.memory_space<semaphore_mem>>
      %dma_start3A_92 = arith.constant 0 : i32
      %dma_start3A_93 = tpu.memref_slice %arg5[%arg0, %mul3A_91, %dma_start3A_92] : memref<2x10112x16xf32, #tpu.memory_space<hbm>> -> memref<1x632x16xf32, #tpu.memory_space<hbm>>
      %dma_start3A_94 = tpu.memref_squeeze %dma_start3A_93 : memref<1x632x16xf32, #tpu.memory_space<hbm>> -> memref<632x16xf32, #tpu.memory_space<hbm>>
      %dma_start3A_95 = arith.constant 0 : i32
      %dma_start3A_96 = tpu.memref_slice %arg10[%mul3A_89, %dma_start3A_95] : memref<10240x16xf32, #tpu.memory_space<vmem_shared>> -> memref<632x16xf32, #tpu.memory_space<vmem_shared>>
      tpu.enqueue_dma source(%dma_start3A_96 : memref<632x16xf32, #tpu.memory_space<vmem_shared>>) target(%dma_start3A_94 : memref<632x16xf32, #tpu.memory_space<hbm>>) target_semaphore(%run_scoped3A : memref<!tpu.dma_semaphore, #tpu.memory_space<semaphore_mem>>)
      %dma_wait3A_97 = arith.constant 0 : i32
      %dma_wait3A_98 = tpu.memref_slice %arg5[%arg0, %mul3A_91, %dma_wait3A_97] : memref<2x10112x16xf32, #tpu.memory_space<hbm>> -> memref<1x632x16xf32, #tpu.memory_space<hbm>>
      %dma_wait3A_99 = tpu.memref_squeeze %dma_wait3A_98 : memref<1x632x16xf32, #tpu.memory_space<hbm>> -> memref<632x16xf32, #tpu.memory_space<hbm>>
      %dma_wait3A_100 = arith.constant 0 : i32
      %dma_wait3A_101 = tpu.memref_slice %arg10[%mul3A_89, %dma_wait3A_100] : memref<10240x16xf32, #tpu.memory_space<vmem_shared>> -> memref<632x16xf32, #tpu.memory_space<vmem_shared>>
      tpu.wait_dma2 semaphore(%run_scoped3A : memref<!tpu.dma_semaphore, #tpu.memory_space<semaphore_mem>>) src(%dma_wait3A_101 : memref<632x16xf32, #tpu.memory_space<vmem_shared>>) dst(%dma_wait3A_99 : memref<632x16xf32, #tpu.memory_space<hbm>>)
      tpu.yield
    }) : () -> ()
    return
  }
}

module attributes {stable_mosaic.version = 14 : i64} {
  func.func @_lay1_body(%arg0: memref<2x10112x64xf32, #tpu.memory_space<vmem>>, %arg1: memref<10112x16xf32, #tpu.memory_space<vmem>>, %arg2: memref<128x16xf32, #tpu.memory_space<vmem>>, %arg3: memref<1x16xf32, #tpu.memory_space<vmem>>, %arg4: memref<10112x16xf32, #tpu.memory_space<vmem>>) attributes {dimension_semantics = [], scalar_prefetch = 0 : i64, scratch_operands = 0 : i64, tpu.core_type = #tpu.core_type<tc>} {
    %get3A = arith.constant 0 : index
    %get3A_0 = arith.constant 0 : index
    %get3A_1 = arith.constant 0 : index
    %get3A_2 = vector.load %arg0[%get3A, %get3A_0, %get3A_1] : memref<2x10112x64xf32, #tpu.memory_space<vmem>>, vector<1x10112x64xf32>
    %get3A_3 = vector.shape_cast %get3A_2 : vector<1x10112x64xf32> to vector<10112x64xf32>
    %get3A_4 = arith.constant 1 : index
    %get3A_5 = arith.constant 0 : index
    %get3A_6 = arith.constant 0 : index
    %get3A_7 = vector.load %arg0[%get3A_4, %get3A_5, %get3A_6] : memref<2x10112x64xf32, #tpu.memory_space<vmem>>, vector<1x10112x64xf32>
    %get3A_8 = vector.shape_cast %get3A_7 : vector<1x10112x64xf32> to vector<10112x64xf32>
    %concatenate3A = tpu.concatenate %get3A_3, %get3A_8 in 1 : vector<10112x64xf32>, vector<10112x64xf32> -> vector<10112x128xf32>
    %get3A_9 = arith.constant 0 : index
    %get3A_10 = arith.constant 0 : index
    %get3A_11 = vector.load %arg1[%get3A_9, %get3A_10] : memref<10112x16xf32, #tpu.memory_space<vmem>>, vector<10112x1xf32>
    %max3A = arith.constant 1.000000e+00 : f32
    %max3A_12 = vector.broadcast %max3A : f32 to vector<10112x1xf32>
    %max3A_13 = arith.maximumf %get3A_11, %max3A_12 : vector<10112x1xf32>
    %div3A = vector.broadcast %max3A_13 : vector<10112x1xf32> to vector<10112x128xf32>
    %div3A_14 = arith.divf %concatenate3A, %div3A : vector<10112x128xf32>
    %get3A_15 = arith.constant 0 : index
    %get3A_16 = arith.constant 0 : index
    %get3A_17 = vector.load %arg2[%get3A_15, %get3A_16] : memref<128x16xf32, #tpu.memory_space<vmem>>, vector<128x16xf32>
    %dot_general3A = arith.constant dense<0.000000e+00> : vector<10112x16xf32>
    %dot_general3A_18 = tpu.matmul %div3A_14, %get3A_17, %dot_general3A {dimension_numbers = #tpu.dot_dimension_numbers<[1], [0], [0], [1], [0, 0, 1, 1], [], []>, transpose_lhs_hint = false} : vector<10112x128xf32>, vector<128x16xf32>, vector<10112x16xf32> -> vector<10112x16xf32>
    %get3A_19 = arith.constant 0 : index
    %get3A_20 = arith.constant 0 : index
    %get3A_21 = vector.load %arg3[%get3A_19, %get3A_20] : memref<1x16xf32, #tpu.memory_space<vmem>>, vector<1x16xf32>
    %add3A = vector.broadcast %get3A_21 : vector<1x16xf32> to vector<10112x16xf32>
    %add3A_22 = arith.addf %dot_general3A_18, %add3A : vector<10112x16xf32>
    %max3A_23 = arith.constant 0.000000e+00 : f32
    %max3A_24 = vector.broadcast %max3A_23 : f32 to vector<10112x16xf32>
    %max3A_25 = arith.maximumf %add3A_22, %max3A_24 : vector<10112x16xf32>
    %swap3A = arith.constant 0 : index
    %swap3A_26 = arith.constant 0 : index
    %swap3A_27 = vector.load %arg4[%swap3A, %swap3A_26] : memref<10112x16xf32, #tpu.memory_space<vmem>>, vector<10112x16xf32>
    tpu.vector_store %arg4[%swap3A, %swap3A_26], %max3A_25 {strides = array<i32>} : memref<10112x16xf32, #tpu.memory_space<vmem>>, vector<10112x16xf32>,
    return
  }
}

module attributes {stable_mosaic.version = 14 : i64} {
  func.func @_fin_body(%arg0: memref<2x10112x16xf32, #tpu.memory_space<vmem>>, %arg1: memref<10112x16xf32, #tpu.memory_space<vmem>>, %arg2: memref<16x16xf32, #tpu.memory_space<vmem>>, %arg3: memref<1x16xf32, #tpu.memory_space<vmem>>, %arg4: memref<1x10112xi32, #tpu.memory_space<vmem>>, %arg5: memref<16x1xf32, #tpu.memory_space<vmem>>, %arg6: memref<1x1xf32, #tpu.memory_space<vmem>>, %arg7: memref<64x1xf32, #tpu.memory_space<vmem>>) attributes {dimension_semantics = [], scalar_prefetch = 0 : i64, scratch_operands = 0 : i64, tpu.core_type = #tpu.core_type<tc>} {
    %get3A = arith.constant 0 : index
    %get3A_0 = arith.constant 0 : index
    %get3A_1 = arith.constant 0 : index
    %get3A_2 = vector.load %arg0[%get3A, %get3A_0, %get3A_1] : memref<2x10112x16xf32, #tpu.memory_space<vmem>>, vector<1x10112x16xf32>
    %get3A_3 = vector.shape_cast %get3A_2 : vector<1x10112x16xf32> to vector<10112x16xf32>
    %get3A_4 = arith.constant 1 : index
    %get3A_5 = arith.constant 0 : index
    %get3A_6 = arith.constant 0 : index
    %get3A_7 = vector.load %arg0[%get3A_4, %get3A_5, %get3A_6] : memref<2x10112x16xf32, #tpu.memory_space<vmem>>, vector<1x10112x16xf32>
    %get3A_8 = vector.shape_cast %get3A_7 : vector<1x10112x16xf32> to vector<10112x16xf32>
    %add3A = arith.addf %get3A_3, %get3A_8 : vector<10112x16xf32>
    %get3A_9 = arith.constant 0 : index
    %get3A_10 = arith.constant 0 : index
    %get3A_11 = vector.load %arg1[%get3A_9, %get3A_10] : memref<10112x16xf32, #tpu.memory_space<vmem>>, vector<10112x1xf32>
    %max3A = arith.constant 1.000000e+00 : f32
    %max3A_12 = vector.broadcast %max3A : f32 to vector<10112x1xf32>
    %max3A_13 = arith.maximumf %get3A_11, %max3A_12 : vector<10112x1xf32>
    %div3A = vector.broadcast %max3A_13 : vector<10112x1xf32> to vector<10112x16xf32>
    %div3A_14 = arith.divf %add3A, %div3A : vector<10112x16xf32>
    %get3A_15 = arith.constant 0 : index
    %get3A_16 = arith.constant 0 : index
    %get3A_17 = vector.load %arg2[%get3A_15, %get3A_16] : memref<16x16xf32, #tpu.memory_space<vmem>>, vector<16x16xf32>
    %dot_general3A = arith.constant dense<0.000000e+00> : vector<10112x16xf32>
    %dot_general3A_18 = tpu.matmul %div3A_14, %get3A_17, %dot_general3A {dimension_numbers = #tpu.dot_dimension_numbers<[1], [0], [0], [1], [0, 0, 1, 1], [], []>, transpose_lhs_hint = false} : vector<10112x16xf32>, vector<16x16xf32>, vector<10112x16xf32> -> vector<10112x16xf32>
    %get3A_19 = arith.constant 0 : index
    %get3A_20 = arith.constant 0 : index
    %get3A_21 = vector.load %arg3[%get3A_19, %get3A_20] : memref<1x16xf32, #tpu.memory_space<vmem>>, vector<1x16xf32>
    %add3A_22 = vector.broadcast %get3A_21 : vector<1x16xf32> to vector<10112x16xf32>
    %add3A_23 = arith.addf %dot_general3A_18, %add3A_22 : vector<10112x16xf32>
    %max3A_24 = arith.constant 0.000000e+00 : f32
    %max3A_25 = vector.broadcast %max3A_24 : f32 to vector<10112x16xf32>
    %max3A_26 = arith.maximumf %add3A_23, %max3A_25 : vector<10112x16xf32>
    %get3A_27 = arith.constant 0 : index
    %get3A_28 = arith.constant 0 : index
    %get3A_29 = vector.load %arg4[%get3A_27, %get3A_28] : memref<1x10112xi32, #tpu.memory_space<vmem>>, vector<1x10112xi32>
    %iota3A = tpu.iota {dimensions = array<i32: 0>} : vector<64x10112xi32>
    %eq3A = vector.broadcast %get3A_29 : vector<1x10112xi32> to vector<64x10112xi32>
    %eq3A_30 = arith.cmpi eq, %eq3A, %iota3A : vector<64x10112xi32>
    %convert_element_type3A = arith.extui %eq3A_30 : vector<64x10112xi1> to vector<64x10112xi32>
    %convert_element_type3A_31 = arith.sitofp %convert_element_type3A : vector<64x10112xi32> to vector<64x10112xf32>
    %dot_general3A_32 = arith.constant dense<0.000000e+00> : vector<64x16xf32>
    %dot_general3A_33 = tpu.matmul %convert_element_type3A_31, %max3A_26, %dot_general3A_32 {dimension_numbers = #tpu.dot_dimension_numbers<[1], [0], [0], [1], [0, 0, 1, 1], [], []>, precision = #tpu.contract_precision<fp32>, transpose_lhs_hint = false} : vector<64x10112xf32>, vector<10112x16xf32>, vector<64x16xf32> -> vector<64x16xf32>
    %reduce_sum3A = arith.constant dense<0.000000e+00> : vector<64xf32>
    %reduce_sum3A_34 = vector.multi_reduction <add>, %convert_element_type3A_31, %reduce_sum3A [1] : vector<64x10112xf32> to vector<64xf32>
    %broadcast_in_dim3A = vector.shape_cast %reduce_sum3A_34 : vector<64xf32> to vector<64x1xf32>
    %max3A_35 = arith.constant 1.000000e+00 : f32
    %max3A_36 = vector.broadcast %max3A_35 : f32 to vector<64x1xf32>
    %max3A_37 = arith.maximumf %broadcast_in_dim3A, %max3A_36 : vector<64x1xf32>
    %div3A_38 = vector.broadcast %max3A_37 : vector<64x1xf32> to vector<64x16xf32>
    %div3A_39 = arith.divf %dot_general3A_33, %div3A_38 : vector<64x16xf32>
    %get3A_40 = arith.constant 0 : index
    %get3A_41 = arith.constant 0 : index
    %get3A_42 = vector.load %arg5[%get3A_40, %get3A_41] : memref<16x1xf32, #tpu.memory_space<vmem>>, vector<16x1xf32>
    %dot_general3A_43 = arith.constant dense<0.000000e+00> : vector<64x1xf32>
    %dot_general3A_44 = tpu.matmul %div3A_39, %get3A_42, %dot_general3A_43 {dimension_numbers = #tpu.dot_dimension_numbers<[1], [0], [0], [1], [0, 0, 1, 1], [], []>, transpose_lhs_hint = false} : vector<64x16xf32>, vector<16x1xf32>, vector<64x1xf32> -> vector<64x1xf32>
    %get3A_45 = arith.constant 0 : index
    %get3A_46 = arith.constant 0 : index
    %get3A_47 = vector.load %arg6[%get3A_45, %get3A_46] : memref<1x1xf32, #tpu.memory_space<vmem>>, vector<1x1xf32>
    %add3A_48 = vector.broadcast %get3A_47 : vector<1x1xf32> to vector<64x1xf32>
    %add3A_49 = arith.addf %dot_general3A_44, %add3A_48 : vector<64x1xf32>
    %swap3A = arith.constant 0 : index
    %swap3A_50 = arith.constant 0 : index
    %swap3A_51 = vector.load %arg7[%swap3A, %swap3A_50] : memref<64x1xf32, #tpu.memory_space<vmem>>, vector<64x1xf32>
    tpu.vector_store %arg7[%swap3A, %swap3A_50], %add3A_49 {strides = array<i32>} : memref<64x1xf32, #tpu.memory_space<vmem>>, vector<64x1xf32>,
    return
  }
}

</mosaic_0001>

<sc_bundles>
// kernel: kernel.6.cloned.1.call-start
scs
__scs_entry_jumppad:
0x0: {  	(pc) =	sbr.rel $0x88, $3  }
0x1: {  	(tag) =	ssettag $0x0;
	lr =	simm.s32 $0x1  }
0x2: {  	[smem:$0x3F98] =	sst lr;
	_ =	strace $0xD0000000  }
0x3: {  	_ = 	snop  }
0x4: {  	_ = 	snop  }
0x5: {  	_ = 	snop  }
0x6: {  	_ = 	snop  }
0x7: {  	_ = 	snop  }
__scs_overlays_trampoline_lowered:
0x8: {  	[smem:$0x3FA7] =	sst s0  }
0x9: {  	[smem:$0x3FA8] =	sst s1  }
0xa: {  	[smem:$0x3FA9] =	sst s2  }
0xb: {  	[smem:$0x3FAA] =	sst s3  }
0xc: {  	[smem:$0x3FAB] =	sst s4  }
0xd: {  	[smem:$0x3FAC] =	sst s5  }
0xe: {  	[smem:$0x3FAD] =	sst s6  }
0xf: {  	[smem:$0x3FAE] =	sst s7  }
0x10: {  	[smem:$0x3FAF] =	sst s8  }
0x11: {  	[smem:$0x3FB0] =	sst s9;
	s0 =	simm.s32 @!p0 $0x0  }
0x12: {  	s1 =	sld [smem:$0x3F96];
	s0 =	simm.s32 @p0 $0x1  }
0x13: {  	[smem:$0x3FB1] =	sst s0;
	s0 =	simm.s32 @!p1 $0x0  }
0x14: {  	s2 =	sld [smem:$0x3F95];
	s0 =	simm.s32 @p1 $0x1  }
0x15: {  	[smem:$0x3FB2] =	sst s0;
	s0 =	simm.s32 @!p2 $0x0  }
0x16: {  	s3 =	sld [smem:$0x3FDB];
	s0 =	simm.s32 @p2 $0x1  }
0x17: {  	s4 =	simm.s32 $0x1BF5;
	[smem:$0x3FB4] =	sst s0  }
0x18: {  	s0 =	sld [smem:$0x3F97];
	_ =	swait.ge [sflag:s4], $0x0  }
0x19: {  	s7 =	sld [smem:$0x3F98]  }
0x1a: {  	s8 =	sadd.s32 $0xFFFFE003, lr  }
0x1b: {  	s9 =	sadd.s32 $0xFFFFFEF7, lr;
	s5 =	simm.s32 $0xFFFFFFFF;
	p2 =	slt.u32 s8, $0xFFFFF086  }
0x1c: {  	p1 =	slt.u32 s9, $0xF7A;
	s5 =	simm.s32 @!p2 $0x0  }
0x1d: {  	s5 =	simm.s32 @p1 $0x1;
	p0 =	seq.s32 s7, s2  }
0x1e: {  	s7 =	smul.u32 @!p0 $0xF7A, s2;
	p2 =	seq.s32 @!p0 s5, $0x0  }
0x1f: {  	s9 =	smul.u32 $0xF7A, s1;
	s8 =	simm.s32 @!p0 $0x1BF5;
	p2 =	por !p2, p0  }
0x20: {  	[sflag:s8] =	ssyncset.s32 @!p0 $0xFFFFF086;
	s6 =	sadd.s32 @!p0 s3, s7;
	s7 =	simm.s32 @!p0 $0x108  }
0x21: {  	s3 =	sadd.s32 s3, s9;
	s6 =	sadd.s32 @!p0 $0x88, s6;
	s7 =	simm.s32 @p2 $0x1082  }
0x22: {  	[simem:s7], [sflag:s8] =	dma.local @!p0 [hbm:s6], $0xF7A  }
0x23: {  	s9 =	sor.u32 $0xD0000000, s2;
	s6 =	simm.s32 $0x108;
	_ =	swait.ge @!p0 [sflag:s8], $0x0  }
0x24: {  	s3 =	sadd.s32 $0x88, s3;
	s6 =	simm.s32 @!p1 $0x1082;
	[sflag:s4] =	ssyncset.s32 $0xFFFFF086  }
0x25: {  	[simem:s6], [sflag:s4] =	dma.local [hbm:s3], $0xF7A  }
0x26: {  	[smem:$0x3F98] =	sst s1;
	(tag) =	ssettag s2;
	_ =	strace s9  }
0x27: {  	s1 =	sld [smem:$0x3FA8]  }
0x28: {  	s2 =	sld [smem:$0x3FA9]  }
0x29: {  	s4 =	sld [smem:$0x3FAB]  }
0x2a: {  	p0 =	seq.s32 s5, $0x0;
	s5 =	sld [smem:$0x3FAC]  }
0x2b: {  	s6 =	sld [smem:$0x3FAD]  }
0x2c: {  	s7 =	sld [smem:$0x3FAE]  }
0x2d: {  	s3 =	simm.s32 $0x108;
	s8 =	sld [smem:$0x3FAF]  }
0x2e: {  	s3 =	simm.s32 @!p0 $0x1082;
	s9 =	sld [smem:$0x3FB0]  }
0x2f: {  	lr =	sadd.s32 s0, s3;
	s0 =	sld [smem:$0x3FA7]  }
0x30: {  	s3 =	sld [smem:$0x3FAA]  }
0x31: {  	[smem:$0x3FB3] =	sst s10  }
0x32: {  	s10 =	sld [smem:$0x3FB1];
	_ =	sdelay $0x3  }
0x33: {  	p0 =	seq.s32 s10, $0x1;
	s10 =	sld [smem:$0x3FB3];
	_ =	sdelay $0x3  }
0x34: {  	[smem:$0x3FB3] =	sst s10  }
0x35: {  	s10 =	sld [smem:$0x3FB2];
	_ =	sdelay $0x3  }
0x36: {  	p1 =	seq.s32 s10, $0x1;
	s10 =	sld [smem:$0x3FB3];
	_ =	sdelay $0x3  }
0x37: {  	[smem:$0x3FB3] =	sst s10  }
0x38: {  	s10 =	sld [smem:$0x3FB4]  }
0x39: {  	_ = 	snop;
	(pc) =	sbr.ind lr, $3  }
0x3a: {  	_ = 	snop  }
0x3b: {  	_ = 	snop  }
0x3c: {  	p2 =	seq.s32 s10, $0x1;
	s10 =	sld [smem:$0x3FB3]  }
0x3d: {  	_ =	shalt  }
0x3e: {  	_ =	shalt  }
0x3f: {  	_ =	shalt  }
0x40: {  	_ =	shalt  }
0x41: {  	_ =	shalt  }
0x42: {  	_ =	shalt  }
0x43: {  	_ =	shalt  }
0x44: {  	_ =	shalt  }
0x45: {  	_ =	shalt  }
0x46: {  	_ =	shalt  }
0x47: {  	_ =	shalt  }
0x48: {  	_ =	shalt  }
0x49: {  	_ =	shalt  }
0x4a: {  	_ =	shalt  }
0x4b: {  	_ =	shalt  }
0x4c: {  	_ =	shalt  }
0x4d: {  	_ =	shalt  }
0x4e: {  	_ =	shalt  }
0x4f: {  	_ =	shalt  }
0x50: {  	_ =	shalt  }
0x51: {  	_ =	shalt  }
0x52: {  	_ =	shalt  }
0x53: {  	_ =	shalt  }
0x54: {  	_ =	shalt  }
0x55: {  	_ =	shalt  }
0x56: {  	_ =	shalt  }
0x57: {  	_ =	shalt  }
0x58: {  	_ =	shalt  }
0x59: {  	_ =	shalt  }
0x5a: {  	_ =	shalt  }
0x5b: {  	_ =	shalt  }
0x5c: {  	_ =	shalt  }
0x5d: {  	_ =	shalt  }
0x5e: {  	_ =	shalt  }
0x5f: {  	_ =	shalt  }
0x60: {  	_ =	shalt  }
0x61: {  	_ =	shalt  }
0x62: {  	_ =	shalt  }
0x63: {  	_ =	shalt  }
0x64: {  	_ =	shalt  }
0x65: {  	_ =	shalt  }
0x66: {  	_ =	shalt  }
0x67: {  	_ =	shalt  }
0x68: {  	_ =	shalt  }
0x69: {  	_ =	shalt  }
0x6a: {  	_ =	shalt  }
0x6b: {  	_ =	shalt  }
0x6c: {  	_ =	shalt  }
0x6d: {  	_ =	shalt  }
0x6e: {  	_ =	shalt  }
0x6f: {  	_ =	shalt  }
0x70: {  	_ =	shalt  }
0x71: {  	_ =	shalt  }
0x72: {  	_ =	shalt  }
0x73: {  	_ =	shalt  }
0x74: {  	_ =	shalt  }
0x75: {  	_ =	shalt  }
0x76: {  	_ =	shalt  }
0x77: {  	_ =	shalt  }
0x78: {  	_ =	shalt  }
0x79: {  	_ =	shalt  }
0x7a: {  	_ =	shalt  }
0x7b: {  	_ =	shalt  }
0x7c: {  	_ =	shalt  }
0x7d: {  	_ =	shalt  }
0x7e: {  	_ =	shalt  }
0x7f: {  	_ =	shalt  }
0x80: {  	_ =	shalt  }
0x81: {  	_ =	shalt  }
0x82: {  	_ =	shalt  }
0x83: {  	_ =	shalt  }
0x84: {  	_ =	shalt  }
0x85: {  	_ =	shalt  }
0x86: {  	_ =	shalt  }
0x87: {  	_ =	shalt  }
.Lfunc_end0:
.L_simem_size_0:
called_computation_lowered:
.L_overlay_start_0:
0x88: {  	s2 =	sld [smem:$0x3FD9]  }
0x89: {  	s3 =	sld [smem:$0x3FFE];
	_ =	sdelay $0x1  }
0x8a: {  	s1 =	srdreg.scid  }
0x8b: {  	s0 =	sand.u32 $0x1, s1  }
0x8c: {  	s16 =	sshll.u32 s0, $0xA;
	s2 =	sadd.s32 s3, s2  }
0x8d: {  	s2 =	sadd.s32 s2, s16  }
0x8e: {  	[smem:$0x3FBF] =	sst s2  }
0x8f: {  	_ = 	snop  }
0x90: {  	(tm) =	ssettm $0x1  }
0x91: {  	s17 =	sld [smem:$0x3FFB];
	_ =	sdelay $0x3  }
0x92: {  	_ =	strace s17  }
0x93: {  	s2 =	sld [smem:$0x3FFC];
	_ =	sdelay $0x3  }
0x94: {  	_ =	strace s2  }
0x95: {  	s2 =	sld [smem:$0x3FFD];
	_ =	sdelay $0x3  }
0x96: {  	_ =	strace s2  }
0x97: {  	_ =	strace $0x8FFFFFFF  }
0x98: {  	s18 =	sld [smem:$0x3FDB];
	_ =	sdelay $0x1  }
0x99: {  	s19 =	simm.s32 $_scs_section_size  }
0x9a: {  	s4 =	simm.s32 $_size__tile_overlayer_lowered;
	s5 =	simm.s32 $_tile_overlayer_lowered  }
0x9b: {  	s22 =	simm.s32 $0x1BFF;
	s21 =	sshll.u32 s5, $0x1;
	s2 =	sadd.s32 s19, s18  }
0x9c: {  	s6 =	simm.s32 $0x0;
	s20 =	sshll.u32 s4, $0x1;
	s4 =	sadd.s32 s21, s2  }
0x9d: {  	[timem:s6], [sflag:s22] =	dma.local [hbm:s4], s20  }
0x9e: {  	_ =	swait.ge [sflag:s22], s20  }
0x9f: {  	s3 =	ssub.s32 $0x0, s20;
	[sflag:s22] =	ssyncset.done $0x0  }
0xa0: {  	[sflag:s22] =	ssyncadd.s32 s3;
	_ =	sdelay $0x1  }
0xa1: {  	s23 =	simm.s32 $0x1B8B  }
0xa2: {  	_ =	swait.ge [sflag:s23], $0x1  }
0xa3: {  	[sflag:s23] =	ssyncset.done $0x0  }
0xa4: {  	s25 =	simm.s32 $0x1B8E;
	s24 =	sld [smem:$0x3FFE];
	[sflag:s23] =	ssyncadd.s32 $0xFFFFFFFF  }
0xa5: {  	s26 =	simm.s32 $execute0_lowered;
	[smem:$0x3FD2] =	sst s25  }
0xa6: {  	s4 =	sshll.u32 s26, $0x1;
	_ =	strace $0x80000046;
	[dreg:$0x1] =	wrdreg $0xFFFFFFFF  }
0xa7: {  	s28 =	simm.s32 $_size_execute0_lowered;
	s2 =	sadd.s32 s2, s4;
	[dreg:$0x0] =	wrdreg $0x0  }
0xa8: {  	s4 =	sshll.u32 s28, $0x1;
	[dreg:$0x2] =	wrdreg s2  }
0xa9: {  	[dreg:$0x3] =	wrdreg s4  }
0xaa: {  	[dreg:$0x4] =	wrdreg $0xC0  }
0xab: {  	_ =	task [dreg:s6], $0x5FFFF  }
0xac: {  	[dreg:$0x1] =	wrdreg $0xFFFFFFFF  }
0xad: {  	[dreg:$0x0] =	wrdreg $0x60  }
0xae: {  	[dreg:$0x2] =	wrdreg s24  }
0xaf: {  	[dreg:$0x3] =	wrdreg $0x130000  }
0xb0: {  	[dreg:$0x4] =	wrdreg $0x1D0000  }
0xb1: {  	[dreg:$0x5] =	wrdreg $0x9  }
0xb2: {  	_ =	task.clear_ibuf [dreg:s6], $0x6FFFF;
	_ =	strace $0x90000046  }
0xb3: {  	s29 =	simm.s32 $0x9;
	_ =	strace $0x80000048  }
0xb4: {  	_ =	swait.ge [sflag:s29], $0x1  }
0xb5: {  	[sflag:s29] =	ssyncadd.s32 $0xFFFFFFFF  }
0xb6: {  	_ =	strace $0x90000048  }
0xb7: {  	_ =	sfence  }
0xb8: {  	s30 =	sld [smem:$0x0];
	_ =	sdelay $0x2  }
0xb9: {  	s31 =	sshll.u32 s1, $0xD;
	s1 =	sshrl.u32 s1, $0x2  }
0xba: {  	s3 =	sand.u32 $0x4000, s31;
	s1 =	sadd.s32 s1, s30  }
0xbb: {  	s0 =	sor.u32 s3, s0;
	s1 =	sshll.u32 s1, $0x11  }
0xbc: {  	s0 =	sor.u32 s1, s0  }
0xbd: {  	s0 =	sadd.s32 $0x8F2B, s0  }
0xbe: {  	[sflag:s0] =	ssyncadd.remote.s32 $0x1  }
0xbf: {  	_ =	sfence.sel $0xFFFF  }
0xc0: {  	[dreg:$0x0] =	wrdreg $0xFFFFFFFF;
	(pc) =	sbr.abs _section_cstart, $3  }
0xc1: {  	[dreg:$0x1] =	wrdreg $0xFFFFFFFF  }
0xc2: {  	_ =	task.clear_ibuf [dreg:s6], $0x2FFFF;
	_ =	strace $0x9FFFFFFF  }
0xc3: {  	(tm) =	ssettm $0x7FFFFFFF  }
tec
execute0_lowered:
.L_overlay_start_1:
0x0: {  	(tag) =	ssettag $0x1  }
0x1: {  	s1 =	rddreg [dreg:$0x0];
	s0 =	stileid.u32  }
0x2: {  	s2 =	rddreg [dreg:$0x1];
	s6 =	smul.u32 $0xA00, s0  }
0x3: {  	s4 =	srdreg.scid;
	s11 =	smul.u32 $0x9E00, s0  }
0x4: {  	s3 =	rddreg [dreg:$0x2];
	s5 =	simm.s32 $0x0;
	s12 =	smul.u32 $0x2780, s0  }
0x5: {  	s28 =	simm.s32 $0x1;
	s29 =	simm.s32 $0xE000;
	s10 =	smul.u32 $0x280, s0  }
0x6: {  	s30 =	simm.s32 $0x4;
	s31 =	simm.s32 $0x2;
	s8 =	smul.u32 $0x28000, s0  }
0x7: {  	s4 =	sand.u32 $0x1, s4;
	[smem:$0x7FF] =	sst s5;
	s18 =	smul.u32 $0xA000, s0  }
0x8: {  	s5 =	sadd.s32 $0x1600, s1;
	s7 =	smul.u32 $0x9E000, s4;
	_ =	strace $0x80000047  }
0x9: {  	s23 =	ssub.s32 $0x2, s4;
	p0 =	seq.s32 s4, $0x0;
	s13 =	sadd.s32 s6, s1  }
0xa: {  	s22 =	sshrl.u32 s12, $0x3;
	s24 =	sshrl.u32 s23, $0x1;
	s8 =	sshrl.u32 s8, $0x2  }
0xb: {  	s15 =	sadd.s32 $0x80, s10;
	s16 =	sadd.s32 $0x100, s10;
	s17 =	sadd.s32 $0x180, s10  }
0xc: {  	s19 =	sadd.s32 $0x200, s10;
	s18 =	sshrl.u32 s18, $0x2;
	s21 =	sadd.s32 s11, s7  }
0xd: {  	s20 =	ssub.s32 s23, s24;
	s25 =	sadd.s32 s8, s2;
	s26 =	sshll.u32 s15, $0x6  }
0xe: {  	s9 =	sshll.u32 s17, $0x6;
	s10 =	sshll.u32 s19, $0x6;
	s15 =	sshll.u32 s15, $0x4  }
0xf: {  	s18 =	sadd.s32 s18, s3;
	s23 =	sshll.u32 s17, $0x4;
	s24 =	sshll.u32 s19, $0x4  }
0x10: {  	s17 =	sadd.s32 $0x28800, s13;
	s11 =	sadd.s32 s11, s2;
	s6 =	sshrl.u32 s21, $0x3  }
0x11: {  	[dreg:$0x4] =	wrdreg s25;
	s7 =	sadd.s32 s26, s2;
	s9 =	sadd.s32 s9, s2  }
0x12: {  	s10 =	sadd.s32 s10, s2;
	[dreg:$0x5] =	wrdreg s18;
	s21 =	sadd.s32 s15, s3  }
0x13: {  	s26 =	sadd.s32 s23, s3;
	s15 =	smul.u32 $0x2710, s4;
	s20 =	smax.u32 s20, $0x1  }
0x14: {  	s23 =	sshrl.u32 s11, $0x3;
	s14 =	sadd.s32 s6, s1;
	s1 =	sadd.s32 s22, s1  }
0x15: {  	s6 =	sshll.u32 s16, $0x6;
	[dreg:$0x6] =	wrdreg s21;
	s22 =	sshll.u32 s16, $0x4  }
0x16: {  	[dreg:$0x8] =	wrdreg s26;
	s16 =	sadd.s32 $0x32800, s13;
	s21 =	simm.s32 $0xA000  }
0x17: {  	s26 =	simm.s32 $0x100;
	s13 =	simm.s32 $0x0;
	s8 =	sadd.s32 s6, s2  }
0x18: {  	s25 =	sadd.s32 s22, s3;
	s6 =	sadd.s32 s24, s3;
	s18 =	sadd.s32 $0x41800, s14  }
0x19: {  	s19 =	sadd.s32 $0x3C800, s1;
	s1 =	sadd.s32 s12, s3;
	[dreg:$0x7] =	wrdreg s25  }
0x1a: {  	s22 =	simm.s32 $0x6;
	s12 =	simm.s32 $0x12000;
	[dreg:$0x9] =	wrdreg s6  }
0x1b: {  	v1 =	vimm.f32 $0.0e+00;
	v2 =	vimm.f32 $1.000000000e+00;
	v0 =	vmov s15;
	s24 =	sshrl.u32 @!p0 s1, $0x3;
	s25 =	simm.s32 $0x5000;
	s1 =	simm.s32 $0x3  }
.LBB2_1:
0x1c: {  	s11 =	simm.s32 $0x100;
	s4 =	simm.s32 $0x0  }
.LBB2_2:
0x1d: {  	p1 =	sne.s32 s11, $0x7F00;
	[tilespmem:s4+$0xA030] =	vst v1;
	s14 =	smov.u32 s11;
	s11 =	sadd.s32 $0x100, s11  }
.Ltmp0:
0x1e: {  	[tilespmem:s4+$0xA020] =	vst v1;
	(pc) =	sbr.rel @p1 .LBB2_2-.Ltmp0, $3  }
0x1f: {  	[tilespmem:s4+$0xA000] =	vst v1  }
0x20: {  	[tilespmem:s4+$0xA010] =	vst v1;
	_ =	sdelay $0x1  }
0x21: {  	s4 =	sshra.s32 s14, $0x2  }
0x22: {  	[tilespmem:s4+$0xA030] =	vst v1  }
0x23: {  	[tilespmem:s4+$0xA020] =	vst v1  }
0x24: {  	[tilespmem:s4+$0xA000] =	vst v1  }
0x25: {  	[tilespmem:s4+$0xA010] =	vst v1;
	s0 =	rddreg [dreg:$0x4]  }
0x26: {  	[spmem:s0] =	stream.linear.scatter [tilespmem:s21], [sflag:$0x6], $0x2000, $0x38;
	[tilespmem:$0x1F800] =	vst v63  }
0x27: {  	_ =	swait.ge [sflag:s22], $0x2000  }
0x28: {  	[sflag:s22] =	ssyncset.done $0x0  }
0x29: {  	[sflag:s22] =	ssyncadd.s32 $0xFFFFE000  }
0x2a: {  	[spmem:s7] =	stream.linear.scatter [tilespmem:s21], [sflag:$0x6], $0x2000, $0x38;
	[tilespmem:$0x1F800] =	vst v63  }
0x2b: {  	_ =	swait.ge [sflag:s22], $0x2000  }
0x2c: {  	[sflag:s22] =	ssyncset.done $0x0  }
0x2d: {  	[sflag:s22] =	ssyncadd.s32 $0xFFFFE000  }
0x2e: {  	[spmem:s8] =	stream.linear.scatter [tilespmem:s21], [sflag:$0x6], $0x2000, $0x38;
	[tilespmem:$0x1F800] =	vst v63  }
0x2f: {  	_ =	swait.ge [sflag:s22], $0x2000  }
0x30: {  	[sflag:s22] =	ssyncset.done $0x0  }
0x31: {  	[sflag:s22] =	ssyncadd.s32 $0xFFFFE000  }
0x32: {  	[spmem:s9] =	stream.linear.scatter [tilespmem:s21], [sflag:$0x6], $0x2000, $0x38;
	[tilespmem:$0x1F800] =	vst v63  }
0x33: {  	_ =	swait.ge [sflag:s22], $0x2000  }
0x34: {  	[sflag:s22] =	ssyncset.done $0x0  }
.Ltmp1:
0x35: {  	[sflag:s22] =	ssyncadd.s32 $0xFFFFE000;
	(pc) =	sbr.rel @p0 .LBB2_9-.Ltmp1, $4  }
0x36: {  	[spmem:s10] =	stream.linear.scatter [tilespmem:s21], [sflag:$0x6], $0x2000, $0x38;
	[tilespmem:$0x1F800] =	vst v63  }
0x37: {  	_ =	swait.ge [sflag:s22], $0x2000  }
0x38: {  	[sflag:s22] =	ssyncset.done $0x0  }
0x39: {  	s4 =	simm.s32 $0x0;
	[sflag:s22] =	ssyncadd.s32 $0xFFFFE000  }
0x3a: {  	s11 =	simm.s32 $0x40;
	s14 =	simm.s32 $0x0  }
.LBB2_5:
0x3b: {  	p1 =	sne.s32 s11, $0x1FC0;
	[tilespmem:s14+$0x12000] =	vst v1;
	s14 =	smov.u32 s11;
	s11 =	sadd.s32 $0x40, s11  }
.Ltmp2:
0x3c: {  	(pc) =	sbr.rel @p1 .LBB2_5-.Ltmp2, $2  }
0x3d: {  	_ =	sdelay $0x2  }
0x3e: {  	s14 =	sshra.s32 s14, $0x2  }
0x3f: {  	[tilespmem:s14+$0x12000] =	vst v1;
	s0 =	rddreg [dreg:$0x5]  }
0x40: {  	[spmem:s0] =	stream.linear.scatter [tilespmem:s12], [sflag:$0x6], $0x800, $0x38;
	[tilespmem:$0x1F800] =	vst v63  }
0x41: {  	_ =	swait.ge [sflag:s22], $0x800  }
0x42: {  	[sflag:s22] =	ssyncset.done $0x0  }
0x43: {  	s6 =	rddreg [dreg:$0x6];
	[sflag:s22] =	ssyncadd.s32 $0xFFFFF800  }
0x44: {  	[spmem:s6] =	stream.linear.scatter [tilespmem:s12], [sflag:$0x6], $0x800, $0x38;
	[tilespmem:$0x1F800] =	vst v63  }
0x45: {  	_ =	swait.ge [sflag:s22], $0x800  }
0x46: {  	[sflag:s22] =	ssyncset.done $0x0  }
0x47: {  	s11 =	rddreg [dreg:$0x7];
	[sflag:s22] =	ssyncadd.s32 $0xFFFFF800  }
0x48: {  	[spmem:s11] =	stream.linear.scatter [tilespmem:s12], [sflag:$0x6], $0x800, $0x38;
	[tilespmem:$0x1F800] =	vst v63  }
0x49: {  	_ =	swait.ge [sflag:s22], $0x800  }
0x4a: {  	[sflag:s22] =	ssyncset.done $0x0  }
0x4b: {  	s14 =	rddreg [dreg:$0x8];
	[sflag:s22] =	ssyncadd.s32 $0xFFFFF800  }
0x4c: {  	[spmem:s14] =	stream.linear.scatter [tilespmem:s12], [sflag:$0x6], $0x800, $0x38;
	[tilespmem:$0x1F800] =	vst v63  }
0x4d: {  	_ =	swait.ge [sflag:s22], $0x800  }
0x4e: {  	[sflag:s22] =	ssyncset.done $0x0  }
0x4f: {  	s15 =	rddreg [dreg:$0x9];
	[sflag:s22] =	ssyncadd.s32 $0xFFFFF800  }
0x50: {  	[spmem:s15] =	stream.linear.scatter [tilespmem:s12], [sflag:$0x6], $0x800, $0x38;
	[tilespmem:$0x1F800] =	vst v63  }
0x51: {  	_ =	swait.ge [sflag:s22], $0x800  }
0x52: {  	[sflag:s22] =	ssyncset.done $0x0  }
0x53: {  	s11 =	simm.s32 $0x40;
	s14 =	simm.s32 $0x0;
	[sflag:s22] =	ssyncadd.s32 $0xFFFFF800  }
.LBB2_7:
0x54: {  	p1 =	sne.s32 s11, $0x3FC0;
	[tilespmem:s14+$0x12000] =	vst v2;
	s14 =	smov.u32 s11;
	s11 =	sadd.s32 $0x40, s11  }
.Ltmp3:
0x55: {  	(pc) =	sbr.rel @p1 .LBB2_7-.Ltmp3, $2  }
0x56: {  	_ =	sdelay $0x2  }
0x57: {  	s14 =	sshra.s32 s14, $0x2  }
0x58: {  	[tilespmem:s14+$0x12000] =	vst v2  }
.LBB2_9:
0x59: {  	[tilespmem:s4], [sflag:$0x6] =	stream.linear.gather [hbm4b:s16+s4], $0x5000, $0x38;
	[tilespmem:$0x1F800] =	vst v63  }
0x5a: {  	_ =	swait.ge [sflag:s22], $0x5000  }
0x5b: {  	[sflag:s22] =	ssyncset.done $0x0  }
0x5c: {  	[sflag:s22] =	ssyncadd.s32 $0xFFFFB000  }
0x5d: {  	[tilespmem:s25], [sflag:$0x6] =	stream.linear.gather [hbm4b:s17+s4], $0x5000, $0x38;
	[tilespmem:$0x1F800] =	vst v63  }
0x5e: {  	_ =	swait.ge [sflag:s22], $0x5000  }
0x5f: {  	[sflag:s22] =	ssyncset.done $0x0  }
0x60: {  	s14 =	simm.s32 $0x0;
	[sflag:s22] =	ssyncadd.s32 $0xFFFFB000  }
0x61: {  	v3 =	vld [tilespmem:s14+$0x0]  }
0x62: {  	v4 =	vld [tilespmem:s14+$0x10]  }
0x63: {  	v5 =	vld [tilespmem:s14+$0x20]  }
0x64: {  	v6 =	vld [tilespmem:s14+$0x30]  }
0x65: {  	v7 =	vld [tilespmem:s14+$0x40]  }
0x66: {  	v8 =	vld [tilespmem:s14+$0x50];
	v3 =	vadd.s32 v0, v3  }
0x67: {  	v9 =	vld [tilespmem:s14+$0x60];
	[tilespmem:s14+$0x0] =	vst v3;
	v3 =	vadd.s32 v0, v4  }
0x68: {  	[tilespmem:s14+$0x10] =	vst v3;
	v3 =	vadd.s32 v0, v5;
	v5 =	vld [tilespmem:s14+$0x70]  }
0x69: {  	[tilespmem:s14+$0x20] =	vst v3;
	v3 =	vadd.s32 v0, v6;
	v6 =	vld [tilespmem:s14+$0x80]  }
0x6a: {  	[tilespmem:s14+$0x30] =	vst v3;
	v3 =	vadd.s32 v0, v7;
	v7 =	vld [tilespmem:s14+$0x90]  }
0x6b: {  	v4 =	vld [tilespmem:s14+$0xA0];
	[tilespmem:s14+$0x40] =	vst v3;
	v3 =	vadd.s32 v0, v8  }
0x6c: {  	v8 =	vadd.s32 v0, v9;
	[tilespmem:s14+$0x50] =	vst v3;
	v3 =	vld [tilespmem:s14+$0xB0]  }
0x6d: {  	[tilespmem:s14+$0x60] =	vst v8;
	v8 =	vadd.s32 v0, v5;
	v5 =	vld [tilespmem:s14+$0xC0]  }
0x6e: {  	[tilespmem:s14+$0x70] =	vst v8;
	v8 =	vadd.s32 v0, v6;
	v6 =	vld [tilespmem:s14+$0xD0]  }
0x6f: {  	s4 =	simm.s32 $0x400;
	[tilespmem:s14+$0x80] =	vst v8;
	v8 =	vadd.s32 v0, v7;
	v7 =	vld [tilespmem:s14+$0xE0]  }
.LBB2_10:
0x70: {  	s11 =	sshra.s32 s4, $0x2;
	p1 =	sne.s32 s4, $0x13C00;
	[tilespmem:s14+$0x90] =	vst v8;
	v4 =	vadd.s32 v0, v4;
	v8 =	vld [tilespmem:s14+$0xF0]  }
0x71: {  	v9 =	vld [tilespmem:s11+$0x0];
	[tilespmem:s14+$0xA0] =	vst v4;
	v3 =	vadd.s32 v0, v3  }
0x72: {  	v4 =	vld [tilespmem:s11+$0x10];
	[tilespmem:s14+$0xB0] =	vst v3;
	v3 =	vadd.s32 v0, v5  }
0x73: {  	v5 =	vld [tilespmem:s11+$0x20];
	[tilespmem:s14+$0xC0] =	vst v3;
	v3 =	vadd.s32 v0, v6  }
0x74: {  	v6 =	vld [tilespmem:s11+$0x30];
	[tilespmem:s14+$0xD0] =	vst v3;
	v3 =	vadd.s32 v0, v7  }
0x75: {  	v7 =	vld [tilespmem:s11+$0x40];
	[tilespmem:s14+$0xE0] =	vst v3;
	v3 =	vadd.s32 v0, v8  }
0x76: {  	v8 =	vadd.s32 v0, v9;
	v9 =	vld [tilespmem:s11+$0x50];
	[tilespmem:s14+$0xF0] =	vst v3;
	s14 =	smov.u32 s11  }
0x77: {  	[tilespmem:s14+$0x0] =	vst v8;
	v3 =	vadd.s32 v0, v4;
	v8 =	vld [tilespmem:s14+$0x60]  }
0x78: {  	[tilespmem:s14+$0x10] =	vst v3;
	v3 =	vadd.s32 v0, v5;
	v5 =	vld [tilespmem:s14+$0x70]  }
0x79: {  	[tilespmem:s14+$0x20] =	vst v3;
	v3 =	vadd.s32 v0, v6;
	v6 =	vld [tilespmem:s14+$0x80]  }
0x7a: {  	[tilespmem:s14+$0x30] =	vst v3;
	v3 =	vadd.s32 v0, v7;
	v7 =	vld [tilespmem:s14+$0x90]  }
.Ltmp4:
0x7b: {  	[tilespmem:s14+$0x40] =	vst v3;
	v3 =	vadd.s32 v0, v9;
	v4 =	vld [tilespmem:s14+$0xA0];
	(pc) =	sbr.rel @p1 .LBB2_10-.Ltmp4, $4  }
0x7c: {  	[tilespmem:s14+$0x50] =	vst v3;
	v8 =	vadd.s32 v0, v8;
	v3 =	vld [tilespmem:s14+$0xB0]  }
0x7d: {  	[tilespmem:s14+$0x60] =	vst v8;
	v8 =	vadd.s32 v0, v5;
	v5 =	vld [tilespmem:s14+$0xC0]  }
0x7e: {  	[tilespmem:s14+$0x70] =	vst v8;
	v8 =	vadd.s32 v0, v6;
	v6 =	vld [tilespmem:s14+$0xD0]  }
0x7f: {  	s4 =	sadd.s32 $0x400, s4;
	[tilespmem:s14+$0x80] =	vst v8;
	v8 =	vadd.s32 v0, v7;
	v7 =	vld [tilespmem:s14+$0xE0]  }
0x80: {  	[tilespmem:s14+$0x90] =	vst v8;
	v4 =	vadd.s32 v0, v4;
	v63 =	vld [tilespmem:s14+$0xF0]  }
0x81: {  	[tilespmem:s14+$0xA0] =	vst v4;
	v3 =	vadd.s32 v0, v3  }
0x82: {  	[tilespmem:s14+$0xB0] =	vst v3;
	v3 =	vadd.s32 v0, v5  }
0x83: {  	[tilespmem:s14+$0xC0] =	vst v3;
	v3 =	vadd.s32 v0, v6  }
0x84: {  	[tilespmem:s14+$0xD0] =	vst v3;
	v3 =	vadd.s32 v0, v7  }
0x85: {  	[tilespmem:s14+$0xE0] =	vst v3;
	v3 =	vadd.s32 v0, v63  }
0x86: {  	[tilespmem:s14+$0xF0] =	vst v3  }
0x87: {  	s0 =	simm.s32 $0x0;
	[bflag:$0x0] =	sbarrier.arrive $0xFFFF  }
0x88: {  	[tilespmem:s21], [sflag:$0x1] =	stream.indirect.gather [hbm4b:s5+s26], $0x40, s0, s26, $0xb8;
	[tilespmem:$0x1F800] =	vst v63  }
0x89: {  	_ =	swait.ge [sflag:s28], $0x4000  }
0x8a: {  	[sflag:s28] =	ssyncset.done $0x0  }
0x8b: {  	[sflag:s28] =	ssyncadd.s32 $0xFFFFC000  }
0x8c: {  	[tilespmem:s29], [sflag:$0x2] =	stream.indirect.gather [hbm4b:s5+s26], $0x40, s26, s26, $0xb8;
	[tilespmem:$0x1F800] =	vst v63  }
0x8d: {  	s4 =	simm.s32 @p0 $0x2  }
0x8e: {  	[spmem:s2] =	stream.indirect.scatter.add.f32 [tilespmem:s21], [sflag:$0x3], $0x40, s25, s26, $0xb8;
	[tilespmem:$0x1F800] =	vst v63  }
0x8f: {  	_ =	swait.ge @p0 [sflag:s4], $0x4000  }
0x90: {  	[sflag:s4] =	ssyncset.done @p0 $0x0  }
0x91: {  	[sflag:s4] =	ssyncadd.s32 @p0 $0xFFFFC000;
	s4 =	simm.s32 @p0 $0x3  }
0x92: {  	_ =	swait.ge @p0 [sflag:s4], $0x4000  }
0x93: {  	s11 =	simm.s32 @p0 $0x200;
	[sflag:s4] =	ssyncset.done @p0 $0x0  }
0x94: {  	s14 =	simm.s32 @p0 $0xA000;
	[sflag:s4] =	ssyncadd.s32 @p0 $0xFFFFC000;
	s4 =	simm.s32 @p0 $0x100  }
0x95: {  	[tilespmem:s14], [sflag:$0x1] =	stream.indirect.gather @p0 [hbm4b:s5+s4], $0x40, s11, s4, $0xb8;
	[tilespmem:$0x1F800] =	vst v63  }
0x96: {  	s11 =	simm.s32 @p0 $0x5100;
	s14 =	simm.s32 @p0 $0xE000  }
0x97: {  	[spmem:s2] =	stream.indirect.scatter.add.f32 @p0 [tilespmem:s14], [sflag:$0x4], $0x40, s11, s4, $0xb8;
	[tilespmem:$0x1F800] =	vst v63  }
0x98: {  	s15 =	simm.s32 @!p0 $0x100;
	s11 =	simm.s32 @!p0 $0x5000;
	s4 =	simm.s32 @!p0 $0x12000  }
0x99: {  	[spmem:s3] =	stream.indirect.scatter.add.f32 @!p0 [tilespmem:s4], [sflag:$0x5], $0x10, s11, s15, $0xb8;
	[tilespmem:$0x1F800] =	vst v63  }
0x9a: {  	s11 =	simm.s32 @!p0 $0x2  }
0x9b: {  	_ =	swait.ge @!p0 [sflag:s11], $0x4000  }
0x9c: {  	[sflag:s11] =	ssyncset.done @!p0 $0x0  }
0x9d: {  	[sflag:s11] =	ssyncadd.s32 @!p0 $0xFFFFC000;
	s11 =	simm.s32 @!p0 $0x3  }
0x9e: {  	_ =	swait.ge @!p0 [sflag:s11], $0x4000  }
0x9f: {  	[sflag:s11] =	ssyncset.done @!p0 $0x0  }
0xa0: {  	s14 =	simm.s32 @!p0 $0xA000;
	[sflag:s11] =	ssyncadd.s32 @!p0 $0xFFFFC000;
	s11 =	simm.s32 @!p0 $0x200  }
0xa1: {  	[tilespmem:s14], [sflag:$0x1] =	stream.indirect.gather @!p0 [hbm4b:s5+s15], $0x40, s11, s15, $0xb8;
	[tilespmem:$0x1F800] =	vst v63  }
0xa2: {  	s11 =	simm.s32 @!p0 $0x5100;
	s14 =	simm.s32 @!p0 $0xE000  }
0xa3: {  	[spmem:s2] =	stream.indirect.scatter.add.f32 @!p0 [tilespmem:s14], [sflag:$0x4], $0x40, s11, s15, $0xb8;
	[tilespmem:$0x1F800] =	vst v63  }
0xa4: {  	_ = 	snop  }
0xa5: {  	[spmem:s3] =	stream.indirect.scatter.add.f32 @!p0 [tilespmem:s4], [sflag:$0x5], $0x10, s11, s15, $0xb8;
	[tilespmem:$0x1F800] =	vst v63  }
0xa6: {  	_ =	swait.ge [sflag:s30], $0x4000  }
0xa7: {  	[sflag:s30] =	ssyncset.done $0x0  }
0xa8: {  	[sflag:s30] =	ssyncadd.s32 $0xFFFFC000  }
0xa9: {  	_ =	swait.ge [sflag:s28], $0x4000  }
0xaa: {  	[sflag:s28] =	ssyncset.done $0x0  }
0xab: {  	s0 =	simm.s32 $0x300;
	[sflag:s28] =	ssyncadd.s32 $0xFFFFC000  }
0xac: {  	[tilespmem:s29], [sflag:$0x2] =	stream.indirect.gather [hbm4b:s5+s26], $0x40, s0, s26, $0xb8;
	[tilespmem:$0x1F800] =	vst v63  }
0xad: {  	s11 =	simm.s32 $0x5200  }
0xae: {  	[spmem:s2] =	stream.indirect.scatter.add.f32 [tilespmem:s21], [sflag:$0x3], $0x40, s11, s26, $0xb8;
	[tilespmem:$0x1F800] =	vst v63  }
0xaf: {  	s14 =	simm.s32 @!p0 $0x5  }
0xb0: {  	[spmem:s3] =	stream.indirect.scatter.add.f32 @!p0 [tilespmem:s4], [sflag:$0x5], $0x10, s11, s15, $0xb8;
	[tilespmem:$0x1F800] =	vst v63  }
0xb1: {  	_ =	swait.ge @!p0 [sflag:s14], $0x1000  }
0xb2: {  	[sflag:s14] =	ssyncset.done @!p0 $0x0  }
0xb3: {  	[sflag:s14] =	ssyncadd.s32 @!p0 $0xFFFFF000  }
0xb4: {  	_ =	swait.ge [sflag:s31], $0x4000  }
0xb5: {  	[sflag:s31] =	ssyncset.done $0x0  }
0xb6: {  	[sflag:s31] =	ssyncadd.s32 $0xFFFFC000  }
0xb7: {  	_ =	swait.ge [sflag:s1], $0x4000  }
0xb8: {  	[sflag:s1] =	ssyncset.done $0x0  }
0xb9: {  	s6 =	simm.s32 $0x400;
	[sflag:s1] =	ssyncadd.s32 $0xFFFFC000  }
0xba: {  	[tilespmem:s21], [sflag:$0x1] =	stream.indirect.gather [hbm4b:s5+s26], $0x40, s6, s26, $0xb8;
	[tilespmem:$0x1F800] =	vst v63  }
0xbb: {  	s11 =	simm.s32 $0x5300  }
0xbc: {  	[spmem:s2] =	stream.indirect.scatter.add.f32 [tilespmem:s29], [sflag:$0x4], $0x40, s11, s26, $0xb8;
	[tilespmem:$0x1F800] =	vst v63  }
0xbd: {  	_ = 	snop  }
0xbe: {  	[spmem:s3] =	stream.indirect.scatter.add.f32 @!p0 [tilespmem:s4], [sflag:$0x5], $0x10, s11, s15, $0xb8;
	[tilespmem:$0x1F800] =	vst v63  }
0xbf: {  	_ =	swait.ge @!p0 [sflag:s14], $0x1000  }
0xc0: {  	[sflag:s14] =	ssyncset.done @!p0 $0x0  }
0xc1: {  	[sflag:s14] =	ssyncadd.s32 @!p0 $0xFFFFF000  }
0xc2: {  	_ =	swait.ge [sflag:s30], $0x4000  }
0xc3: {  	s11 =	simm.s32 $0xFFFED800;
	[sflag:s30] =	ssyncset.done $0x0  }
.LBB2_12:
0xc4: {  	[sflag:s30] =	ssyncadd.s32 $0xFFFFC000;
	s0 =	smov.u32 s11;
	s11 =	sadd.s32 $0x800, s11  }
0xc5: {  	_ =	swait.ge [sflag:s28], $0x4000;
	p1 =	sne.s32 s11, $0x0  }
0xc6: {  	s0 =	sshra.s32 s0, $0x2;
	[sflag:s28] =	ssyncset.done $0x0  }
0xc7: {  	s6 =	sadd.s32 $0x4F00, s0;
	[sflag:s28] =	ssyncadd.s32 $0xFFFFC000  }
0xc8: {  	[tilespmem:s29], [sflag:$0x2] =	stream.indirect.gather [hbm4b:s5+s26], $0x40, s6, s26, $0xb8;
	[tilespmem:$0x1F800] =	vst v63  }
0xc9: {  	s6 =	sadd.s32 $0x9E00, s0  }
0xca: {  	[spmem:s2] =	stream.indirect.scatter.add.f32 [tilespmem:s21], [sflag:$0x3], $0x40, s6, s26, $0xb8;
	[tilespmem:$0x1F800] =	vst v63  }
0xcb: {  	_ = 	snop  }
0xcc: {  	[spmem:s3] =	stream.indirect.scatter.add.f32 @!p0 [tilespmem:s4], [sflag:$0x5], $0x10, s6, s15, $0xb8;
	[tilespmem:$0x1F800] =	vst v63  }
0xcd: {  	_ =	swait.ge @!p0 [sflag:s14], $0x1000  }
0xce: {  	[sflag:s14] =	ssyncset.done @!p0 $0x0  }
0xcf: {  	[sflag:s14] =	ssyncadd.s32 @!p0 $0xFFFFF000  }
0xd0: {  	_ =	swait.ge [sflag:s31], $0x4000  }
0xd1: {  	[sflag:s31] =	ssyncset.done $0x0  }
0xd2: {  	[sflag:s31] =	ssyncadd.s32 $0xFFFFC000  }
0xd3: {  	_ =	swait.ge [sflag:s1], $0x4000  }
0xd4: {  	[sflag:s1] =	ssyncset.done $0x0  }
0xd5: {  	s6 =	sadd.s32 $0x5000, s0;
	[sflag:s1] =	ssyncadd.s32 $0xFFFFC000  }
0xd6: {  	[tilespmem:s21], [sflag:$0x1] =	stream.indirect.gather [hbm4b:s5+s26], $0x40, s6, s26, $0xb8;
	[tilespmem:$0x1F800] =	vst v63  }
0xd7: {  	s0 =	sadd.s32 $0x9F00, s0  }
0xd8: {  	[spmem:s2] =	stream.indirect.scatter.add.f32 [tilespmem:s29], [sflag:$0x4], $0x40, s0, s26, $0xb8;
	[tilespmem:$0x1F800] =	vst v63  }
0xd9: {  	_ = 	snop  }
0xda: {  	[spmem:s3] =	stream.indirect.scatter.add.f32 @!p0 [tilespmem:s4], [sflag:$0x5], $0x10, s0, s15, $0xb8;
	[tilespmem:$0x1F800] =	vst v63  }
.Ltmp5:
0xdb: {  	_ =	swait.ge @!p0 [sflag:s14], $0x1000;
	(pc) =	sbr.rel @p1 .LBB2_12-.Ltmp5, $4  }
0xdc: {  	[sflag:s14] =	ssyncset.done @!p0 $0x0  }
0xdd: {  	[sflag:s14] =	ssyncadd.s32 @!p0 $0xFFFFF000  }
0xde: {  	_ =	swait.ge [sflag:s30], $0x4000  }
0xdf: {  	[sflag:s30] =	ssyncset.done $0x0  }
0xe0: {  	[sflag:s30] =	ssyncadd.s32 $0xFFFFC000  }
0xe1: {  	_ =	swait.ge [sflag:s28], $0x4000  }
0xe2: {  	[sflag:s28] =	ssyncset.done $0x0  }
0xe3: {  	s0 =	simm.s32 $0x4F00;
	[sflag:s28] =	ssyncadd.s32 $0xFFFFC000  }
0xe4: {  	[tilespmem:s29], [sflag:$0x2] =	stream.indirect.gather [hbm4b:s5+s26], $0x40, s0, s26, $0xb8;
	[tilespmem:$0x1F800] =	vst v63  }
0xe5: {  	s11 =	simm.s32 $0x9E00;
	s0 =	simm.s32 @p0 $0x2  }
0xe6: {  	[spmem:s2] =	stream.indirect.scatter.add.f32 [tilespmem:s21], [sflag:$0x3], $0x40, s11, s26, $0xb8;
	[tilespmem:$0x1F800] =	vst v63  }
0xe7: {  	_ =	swait.ge @p0 [sflag:s0], $0x4000  }
0xe8: {  	[sflag:s0] =	ssyncset.done @p0 $0x0  }
0xe9: {  	[sflag:s0] =	ssyncadd.s32 @p0 $0xFFFFC000;
	s0 =	simm.s32 @p0 $0x3  }
0xea: {  	_ =	swait.ge @p0 [sflag:s0], $0x4000  }
0xeb: {  	s4 =	simm.s32 @p0 $0x9F00;
	[sflag:s0] =	ssyncset.done @p0 $0x0  }
0xec: {  	s6 =	simm.s32 @p0 $0xE000;
	[sflag:s0] =	ssyncadd.s32 @p0 $0xFFFFC000;
	s0 =	simm.s32 @p0 $0x100  }
0xed: {  	[spmem:s2] =	stream.indirect.scatter.add.f32 @p0 [tilespmem:s6], [sflag:$0x4], $0x40, s4, s0, $0xb8;
	[tilespmem:$0x1F800] =	vst v63  }
0xee: {  	s0 =	simm.s32 @!p0 $0x100;
	s4 =	simm.s32 @!p0 $0x9E00;
	s6 =	simm.s32 @!p0 $0x12000  }
0xef: {  	[spmem:s3] =	stream.indirect.scatter.add.f32 @!p0 [tilespmem:s6], [sflag:$0x5], $0x10, s4, s0, $0xb8;
	[tilespmem:$0x1F800] =	vst v63  }
0xf0: {  	_ =	swait.ge @!p0 [sflag:s14], $0x1000  }
0xf1: {  	[sflag:s14] =	ssyncset.done @!p0 $0x0  }
0xf2: {  	s4 =	simm.s32 @!p0 $0x9F00;
	[sflag:s14] =	ssyncadd.s32 @!p0 $0xFFFFF000  }
0xf3: {  	[spmem:s3] =	stream.indirect.scatter.add.f32 @!p0 [tilespmem:s6], [sflag:$0x5], $0x10, s4, s0, $0xb8;
	[tilespmem:$0x1F800] =	vst v63  }
0xf4: {  	_ =	swait.ge @!p0 [sflag:s14], $0x1000  }
0xf5: {  	[sflag:s14] =	ssyncset.done @!p0 $0x0  }
0xf6: {  	s6 =	simm.s32 @!p0 $0x2;
	[sflag:s14] =	ssyncadd.s32 @!p0 $0xFFFFF000  }
0xf7: {  	_ =	swait.ge @!p0 [sflag:s6], $0x4000  }
0xf8: {  	[sflag:s6] =	ssyncset.done @!p0 $0x0  }
0xf9: {  	[sflag:s6] =	ssyncadd.s32 @!p0 $0xFFFFC000;
	s6 =	simm.s32 @!p0 $0x3  }
0xfa: {  	_ =	swait.ge @!p0 [sflag:s6], $0x4000  }
0xfb: {  	[sflag:s6] =	ssyncset.done @!p0 $0x0  }
0xfc: {  	[sflag:s6] =	ssyncadd.s32 @!p0 $0xFFFFC000;
	s6 =	simm.s32 @!p0 $0xE000  }
0xfd: {  	[spmem:s2] =	stream.indirect.scatter.add.f32 @!p0 [tilespmem:s6], [sflag:$0x4], $0x40, s4, s0, $0xb8;
	[tilespmem:$0x1F800] =	vst v63  }
0xfe: {  	_ =	swait.ge @!p0 [sflag:s14], $0x1000  }
0xff: {  	[sflag:s14] =	ssyncset.done @!p0 $0x0  }
0x100: {  	[sflag:s14] =	ssyncadd.s32 @!p0 $0xFFFFF000  }
0x101: {  	_ =	swait.ge @!p0 [sflag:s14], $0x1000  }
0x102: {  	[sflag:s14] =	ssyncset.done @!p0 $0x0  }
0x103: {  	[sflag:s14] =	ssyncadd.s32 @!p0 $0xFFFFF000  }
0x104: {  	_ =	swait.ge [sflag:s30], $0x4000  }
0x105: {  	s15 =	stileid.u32;
	[sflag:s30] =	ssyncset.done $0x0  }
0x106: {  	s0 =	sshll.u32 s15, $0x6;
	[sflag:s30] =	ssyncadd.s32 $0xFFFFC000  }
0x107: {  	s0 =	sor.u32 $0x1C06, s0;
	[bflag:$0x0] =	sbarrier.arrive $0xFFFF  }
0x108: {  	[hbm:s18], [sflag:s0] =	dma.local [spmem:s23], $0x13C0  }
0x109: {  	_ =	swait.ge [sflag:s22], $0x13C0  }
0x10a: {  	s13 =	sadd.s32 $0x1, s13;
	[sflag:s22] =	ssyncset.done $0x0  }
0x10b: {  	p1 =	sne.s32 s13, s20;
	[sflag:s22] =	ssyncadd.s32 $0xFFFFEC40  }
0x10c: {  	[hbm:s19], [sflag:s0] =	dma.local @!p0 [spmem:s24], $0x4F0  }
.Ltmp6:
0x10d: {  	_ = 	snop;
	(pc) =	sbr.rel @p1 .LBB2_1-.Ltmp6, $4  }
0x10e: {  	s0 =	simm.s32 @!p0 $0x6  }
0x10f: {  	_ =	swait.ge @!p0 [sflag:s0], $0x4F0  }
0x110: {  	[sflag:s0] =	ssyncset.done @!p0 $0x0  }
0x111: {  	[sflag:s0] =	ssyncadd.s32 @!p0 $0xFFFFFB10  }
0x112: {  	_ =	sfence.sel $0x180000  }
0x113: {  	[bflag:$0x0] =	sbarrier.arrive $0xFFFF  }
0x114: {  	_ =	strace $0x90000047  }
0x115: {  	s0 =	stileid.u32;
	[bflag:$0x2] =	sbarrier.arrive $0xFFFF  }
0x116: {  	p0 =	sne.s32 s0, $0x0;
	s0 =	rddreg [dreg:$0x3]  }
0x117: {  	s0 =	sadd.s32 @!p0 $0x100000, s0  }
0x118: {  	[sflag:s0] =	ssyncadd.tile.s32 @!p0 $0x1;
	_ =	shalt  }
.Lfunc_end2:
_tile_overlayer_lowered:
.L_overlay_start_2:
0x119: {  	(tag) =	ssettag $0x2  }
0x11a: {  	s0 =	rddreg [dreg:$0x0];
	s2 =	stileid.u32  }
0x11b: {  	s1 =	rddreg [dreg:$0x1];
	p0 =	sne.s32 s2, $0x0  }
0x11c: {  	s3 =	rddreg [dreg:$0x2];
	[bflag:$0x3] =	sbarrier.arrive $0xFFFF;
	s2 =	simm.s32 @!p0 $0x1C06  }
0x11d: {  	[timem:s3], [sflag:s2] =	dma.local @!p0 [hbm:s0], s1  }
0x11e: {  	s0 =	simm.s32 @!p0 $0x6  }
0x11f: {  	_ =	swait.ge @!p0 [sflag:s0], s1  }
0x120: {  	s1 =	ssub.s32 @!p0 $0x0, s1;
	[sflag:s0] =	ssyncset.done @!p0 $0x0  }
0x121: {  	[sflag:s0] =	ssyncadd.s32 @!p0 s1  }
0x122: {  	[bflag:$0x3] =	sbarrier.arrive $0xFFFF  }
0x123: {  	_ =	shalt  }

// kernel: kernel.9.cloned.1.call-start
scs
__scs_entry_jumppad:
0x0: {  	(pc) =	sbr.rel $0x88, $3  }
0x1: {  	(tag) =	ssettag $0x0;
	lr =	simm.s32 $0x1  }
0x2: {  	[smem:$0x3F98] =	sst lr;
	_ =	strace $0xD0000000  }
0x3: {  	_ = 	snop  }
0x4: {  	_ = 	snop  }
0x5: {  	_ = 	snop  }
0x6: {  	_ = 	snop  }
0x7: {  	_ = 	snop  }
__scs_overlays_trampoline_lowered:
0x8: {  	[smem:$0x3FA7] =	sst s0  }
0x9: {  	[smem:$0x3FA8] =	sst s1  }
0xa: {  	[smem:$0x3FA9] =	sst s2  }
0xb: {  	[smem:$0x3FAA] =	sst s3  }
0xc: {  	[smem:$0x3FAB] =	sst s4  }
0xd: {  	[smem:$0x3FAC] =	sst s5  }
0xe: {  	[smem:$0x3FAD] =	sst s6  }
0xf: {  	[smem:$0x3FAE] =	sst s7  }
0x10: {  	[smem:$0x3FAF] =	sst s8  }
0x11: {  	[smem:$0x3FB0] =	sst s9;
	s0 =	simm.s32 @!p0 $0x0  }
0x12: {  	s1 =	sld [smem:$0x3F96];
	s0 =	simm.s32 @p0 $0x1  }
0x13: {  	[smem:$0x3FB1] =	sst s0;
	s0 =	simm.s32 @!p1 $0x0  }
0x14: {  	s2 =	sld [smem:$0x3F95];
	s0 =	simm.s32 @p1 $0x1  }
0x15: {  	[smem:$0x3FB2] =	sst s0;
	s0 =	simm.s32 @!p2 $0x0  }
0x16: {  	s3 =	sld [smem:$0x3FDB];
	s0 =	simm.s32 @p2 $0x1  }
0x17: {  	s4 =	simm.s32 $0x1BF5;
	[smem:$0x3FB4] =	sst s0  }
0x18: {  	s0 =	sld [smem:$0x3F97];
	_ =	swait.ge [sflag:s4], $0x0  }
0x19: {  	s7 =	sld [smem:$0x3F98]  }
0x1a: {  	s8 =	sadd.s32 $0xFFFFE003, lr  }
0x1b: {  	s9 =	sadd.s32 $0xFFFFFEF7, lr;
	s5 =	simm.s32 $0xFFFFFFFF;
	p2 =	slt.u32 s8, $0xFFFFF086  }
0x1c: {  	p1 =	slt.u32 s9, $0xF7A;
	s5 =	simm.s32 @!p2 $0x0  }
0x1d: {  	s5 =	simm.s32 @p1 $0x1;
	p0 =	seq.s32 s7, s2  }
0x1e: {  	s7 =	smul.u32 @!p0 $0xF7A, s2;
	p2 =	seq.s32 @!p0 s5, $0x0  }
0x1f: {  	s9 =	smul.u32 $0xF7A, s1;
	s8 =	simm.s32 @!p0 $0x1BF5;
	p2 =	por !p2, p0  }
0x20: {  	[sflag:s8] =	ssyncset.s32 @!p0 $0xFFFFF086;
	s6 =	sadd.s32 @!p0 s3, s7;
	s7 =	simm.s32 @!p0 $0x108  }
0x21: {  	s3 =	sadd.s32 s3, s9;
	s6 =	sadd.s32 @!p0 $0x88, s6;
	s7 =	simm.s32 @p2 $0x1082  }
0x22: {  	[simem:s7], [sflag:s8] =	dma.local @!p0 [hbm:s6], $0xF7A  }
0x23: {  	s9 =	sor.u32 $0xD0000000, s2;
	s6 =	simm.s32 $0x108;
	_ =	swait.ge @!p0 [sflag:s8], $0x0  }
0x24: {  	s3 =	sadd.s32 $0x88, s3;
	s6 =	simm.s32 @!p1 $0x1082;
	[sflag:s4] =	ssyncset.s32 $0xFFFFF086  }
0x25: {  	[simem:s6], [sflag:s4] =	dma.local [hbm:s3], $0xF7A  }
0x26: {  	[smem:$0x3F98] =	sst s1;
	(tag) =	ssettag s2;
	_ =	strace s9  }
0x27: {  	s1 =	sld [smem:$0x3FA8]  }
0x28: {  	s2 =	sld [smem:$0x3FA9]  }
0x29: {  	s4 =	sld [smem:$0x3FAB]  }
0x2a: {  	p0 =	seq.s32 s5, $0x0;
	s5 =	sld [smem:$0x3FAC]  }
0x2b: {  	s6 =	sld [smem:$0x3FAD]  }
0x2c: {  	s7 =	sld [smem:$0x3FAE]  }
0x2d: {  	s3 =	simm.s32 $0x108;
	s8 =	sld [smem:$0x3FAF]  }
0x2e: {  	s3 =	simm.s32 @!p0 $0x1082;
	s9 =	sld [smem:$0x3FB0]  }
0x2f: {  	lr =	sadd.s32 s0, s3;
	s0 =	sld [smem:$0x3FA7]  }
0x30: {  	s3 =	sld [smem:$0x3FAA]  }
0x31: {  	[smem:$0x3FB3] =	sst s10  }
0x32: {  	s10 =	sld [smem:$0x3FB1];
	_ =	sdelay $0x3  }
0x33: {  	p0 =	seq.s32 s10, $0x1;
	s10 =	sld [smem:$0x3FB3];
	_ =	sdelay $0x3  }
0x34: {  	[smem:$0x3FB3] =	sst s10  }
0x35: {  	s10 =	sld [smem:$0x3FB2];
	_ =	sdelay $0x3  }
0x36: {  	p1 =	seq.s32 s10, $0x1;
	s10 =	sld [smem:$0x3FB3];
	_ =	sdelay $0x3  }
0x37: {  	[smem:$0x3FB3] =	sst s10  }
0x38: {  	s10 =	sld [smem:$0x3FB4]  }
0x39: {  	_ = 	snop;
	(pc) =	sbr.ind lr, $3  }
0x3a: {  	_ = 	snop  }
0x3b: {  	_ = 	snop  }
0x3c: {  	p2 =	seq.s32 s10, $0x1;
	s10 =	sld [smem:$0x3FB3]  }
0x3d: {  	_ =	shalt  }
0x3e: {  	_ =	shalt  }
0x3f: {  	_ =	shalt  }
0x40: {  	_ =	shalt  }
0x41: {  	_ =	shalt  }
0x42: {  	_ =	shalt  }
0x43: {  	_ =	shalt  }
0x44: {  	_ =	shalt  }
0x45: {  	_ =	shalt  }
0x46: {  	_ =	shalt  }
0x47: {  	_ =	shalt  }
0x48: {  	_ =	shalt  }
0x49: {  	_ =	shalt  }
0x4a: {  	_ =	shalt  }
0x4b: {  	_ =	shalt  }
0x4c: {  	_ =	shalt  }
0x4d: {  	_ =	shalt  }
0x4e: {  	_ =	shalt  }
0x4f: {  	_ =	shalt  }
0x50: {  	_ =	shalt  }
0x51: {  	_ =	shalt  }
0x52: {  	_ =	shalt  }
0x53: {  	_ =	shalt  }
0x54: {  	_ =	shalt  }
0x55: {  	_ =	shalt  }
0x56: {  	_ =	shalt  }
0x57: {  	_ =	shalt  }
0x58: {  	_ =	shalt  }
0x59: {  	_ =	shalt  }
0x5a: {  	_ =	shalt  }
0x5b: {  	_ =	shalt  }
0x5c: {  	_ =	shalt  }
0x5d: {  	_ =	shalt  }
0x5e: {  	_ =	shalt  }
0x5f: {  	_ =	shalt  }
0x60: {  	_ =	shalt  }
0x61: {  	_ =	shalt  }
0x62: {  	_ =	shalt  }
0x63: {  	_ =	shalt  }
0x64: {  	_ =	shalt  }
0x65: {  	_ =	shalt  }
0x66: {  	_ =	shalt  }
0x67: {  	_ =	shalt  }
0x68: {  	_ =	shalt  }
0x69: {  	_ =	shalt  }
0x6a: {  	_ =	shalt  }
0x6b: {  	_ =	shalt  }
0x6c: {  	_ =	shalt  }
0x6d: {  	_ =	shalt  }
0x6e: {  	_ =	shalt  }
0x6f: {  	_ =	shalt  }
0x70: {  	_ =	shalt  }
0x71: {  	_ =	shalt  }
0x72: {  	_ =	shalt  }
0x73: {  	_ =	shalt  }
0x74: {  	_ =	shalt  }
0x75: {  	_ =	shalt  }
0x76: {  	_ =	shalt  }
0x77: {  	_ =	shalt  }
0x78: {  	_ =	shalt  }
0x79: {  	_ =	shalt  }
0x7a: {  	_ =	shalt  }
0x7b: {  	_ =	shalt  }
0x7c: {  	_ =	shalt  }
0x7d: {  	_ =	shalt  }
0x7e: {  	_ =	shalt  }
0x7f: {  	_ =	shalt  }
0x80: {  	_ =	shalt  }
0x81: {  	_ =	shalt  }
0x82: {  	_ =	shalt  }
0x83: {  	_ =	shalt  }
0x84: {  	_ =	shalt  }
0x85: {  	_ =	shalt  }
0x86: {  	_ =	shalt  }
0x87: {  	_ =	shalt  }
.Lfunc_end0:
.L_simem_size_0:
called_computation.1_lowered:
.L_overlay_start_0:
0x88: {  	s2 =	sld [smem:$0x3FD9]  }
0x89: {  	s3 =	sld [smem:$0x3FFE];
	_ =	sdelay $0x1  }
0x8a: {  	s1 =	srdreg.scid  }
0x8b: {  	s0 =	sand.u32 $0x1, s1  }
0x8c: {  	s16 =	sshll.u32 s0, $0xA;
	s2 =	sadd.s32 s3, s2  }
0x8d: {  	s2 =	sadd.s32 s2, s16  }
0x8e: {  	[smem:$0x3FBF] =	sst s2  }
0x8f: {  	_ = 	snop  }
0x90: {  	(tm) =	ssettm $0x1  }
0x91: {  	s17 =	sld [smem:$0x3FFB];
	_ =	sdelay $0x3  }
0x92: {  	_ =	strace s17  }
0x93: {  	s2 =	sld [smem:$0x3FFC];
	_ =	sdelay $0x3  }
0x94: {  	_ =	strace s2  }
0x95: {  	s2 =	sld [smem:$0x3FFD];
	_ =	sdelay $0x3  }
0x96: {  	_ =	strace s2  }
0x97: {  	_ =	strace $0x8FFFFFFF  }
0x98: {  	s18 =	sld [smem:$0x3FDB];
	_ =	sdelay $0x1  }
0x99: {  	s19 =	simm.s32 $_scs_section_size  }
0x9a: {  	s4 =	simm.s32 $_size__tile_overlayer_lowered;
	s5 =	simm.s32 $_tile_overlayer_lowered  }
0x9b: {  	s22 =	simm.s32 $0x1BFF;
	s21 =	sshll.u32 s5, $0x1;
	s2 =	sadd.s32 s19, s18  }
0x9c: {  	s6 =	simm.s32 $0x0;
	s20 =	sshll.u32 s4, $0x1;
	s4 =	sadd.s32 s21, s2  }
0x9d: {  	[timem:s6], [sflag:s22] =	dma.local [hbm:s4], s20  }
0x9e: {  	_ =	swait.ge [sflag:s22], s20  }
0x9f: {  	s3 =	ssub.s32 $0x0, s20;
	[sflag:s22] =	ssyncset.done $0x0  }
0xa0: {  	[sflag:s22] =	ssyncadd.s32 s3;
	_ =	sdelay $0x1  }
0xa1: {  	s23 =	simm.s32 $0x1B8B  }
0xa2: {  	_ =	swait.ge [sflag:s23], $0x1  }
0xa3: {  	[sflag:s23] =	ssyncset.done $0x0  }
0xa4: {  	s25 =	simm.s32 $0x1B8E;
	s24 =	sld [smem:$0x3FFE];
	[sflag:s23] =	ssyncadd.s32 $0xFFFFFFFF  }
0xa5: {  	s26 =	simm.s32 $execute0_lowered;
	[smem:$0x3FD2] =	sst s25  }
0xa6: {  	s4 =	sshll.u32 s26, $0x1;
	_ =	strace $0x80000049;
	[dreg:$0x1] =	wrdreg $0xFFFFFFFF  }
0xa7: {  	s28 =	simm.s32 $_size_execute0_lowered;
	s2 =	sadd.s32 s2, s4;
	[dreg:$0x0] =	wrdreg $0x0  }
0xa8: {  	s4 =	sshll.u32 s28, $0x1;
	[dreg:$0x2] =	wrdreg s2  }
0xa9: {  	[dreg:$0x3] =	wrdreg s4  }
0xaa: {  	[dreg:$0x4] =	wrdreg $0xC0  }
0xab: {  	_ =	task [dreg:s6], $0x5FFFF  }
0xac: {  	[dreg:$0x1] =	wrdreg $0xFFFFFFFF  }
0xad: {  	[dreg:$0x0] =	wrdreg $0x60  }
0xae: {  	[dreg:$0x2] =	wrdreg s24  }
0xaf: {  	[dreg:$0x3] =	wrdreg $0xD0000  }
0xb0: {  	[dreg:$0x4] =	wrdreg $0x9  }
0xb1: {  	_ =	task.clear_ibuf [dreg:s6], $0x5FFFF;
	_ =	strace $0x90000049  }
0xb2: {  	s29 =	simm.s32 $0x9;
	_ =	strace $0x8000004B  }
0xb3: {  	_ =	swait.ge [sflag:s29], $0x1  }
0xb4: {  	[sflag:s29] =	ssyncadd.s32 $0xFFFFFFFF  }
0xb5: {  	_ =	strace $0x9000004B  }
0xb6: {  	_ =	sfence  }
0xb7: {  	s30 =	sld [smem:$0x0];
	_ =	sdelay $0x2  }
0xb8: {  	s31 =	sshll.u32 s1, $0xD;
	s1 =	sshrl.u32 s1, $0x2  }
0xb9: {  	s3 =	sand.u32 $0x4000, s31;
	s1 =	sadd.s32 s1, s30  }
0xba: {  	s0 =	sor.u32 s3, s0;
	s1 =	sshll.u32 s1, $0x11  }
0xbb: {  	s0 =	sor.u32 s1, s0  }
0xbc: {  	s0 =	sadd.s32 $0x8F2B, s0  }
0xbd: {  	[sflag:s0] =	ssyncadd.remote.s32 $0x1  }
0xbe: {  	_ =	sfence.sel $0xFFFF  }
0xbf: {  	[dreg:$0x0] =	wrdreg $0xFFFFFFFF;
	(pc) =	sbr.abs _section_cstart, $3  }
0xc0: {  	[dreg:$0x1] =	wrdreg $0xFFFFFFFF  }
0xc1: {  	_ =	task.clear_ibuf [dreg:s6], $0x2FFFF;
	_ =	strace $0x9FFFFFFF  }
0xc2: {  	(tm) =	ssettm $0x7FFFFFFF  }
0xc3: {  	_ =	shalt  }
tec
execute0_lowered:
.L_overlay_start_1:
0x0: {  	(tag) =	ssettag $0x1  }
0x1: {  	s0 =	srdreg.scid;
	s6 =	rddreg [dreg:$0x0]  }
0x2: {  	s4 =	stileid.u32;
	s2 =	rddreg [dreg:$0x1];
	s3 =	simm.s32 $0x0  }
0x3: {  	s14 =	simm.s32 $0x5000;
	s15 =	simm.s32 $0x5;
	s16 =	simm.s32 $0x2800  }
0x4: {  	s17 =	simm.s32 $0x400;
	s18 =	simm.s32 $0x1;
	s19 =	simm.s32 $0x9000  }
0x5: {  	s20 =	simm.s32 $0x2;
	s21 =	simm.s32 $0x3;
	s24 =	simm.s32 $0x4  }
0x6: {  	s28 =	simm.s32 $0x2000;
	s29 =	simm.s32 $0x4400;
	s30 =	simm.s32 $0x2400  }
0x7: {  	s31 =	simm.s32 $0x4800;
	s0 =	sand.u32 $0x1, s0;
	s13 =	smul.u32 $0x2780, s4  }
0x8: {  	[smem:$0x7FF] =	sst s3;
	s7 =	smul.u32 $0xA000, s4;
	s1 =	sshll.u32 s0, $0x4  }
0x9: {  	s5 =	smul.u32 $0x27800, s0;
	_ =	strace $0x8000004A;
	s0 =	ssub.s32 $0x2, s0  }
0xa: {  	s1 =	sor.u32 s4, s1;
	s4 =	sadd.s32 $0x1600, s6;
	s7 =	sshrl.u32 s7, $0x2  }
0xb: {  	s9 =	sshrl.u32 s0, $0x1;
	s26 =	sadd.s32 s13, s2;
	s1 =	smul.u32 $0x500, s1  }
0xc: {  	s5 =	sadd.s32 s13, s5;
	s0 =	ssub.s32 s0, s9;
	s25 =	sshrl.u32 s26, $0x3  }
0xd: {  	s26 =	simm.s32 $0x4000;
	s8 =	sshrl.u32 s5, $0x3;
	s5 =	sadd.s32 s7, s2  }
0xe: {  	s13 =	smax.u32 s0, $0x1;
	s0 =	simm.s32 $0x0;
	s1 =	sadd.s32 s1, s6  }
0xf: {  	s12 =	sadd.s32 s8, s6;
	s6 =	sadd.s32 $0x800, s5;
	s7 =	sadd.s32 $0x1000, s5  }
0x10: {  	s8 =	sadd.s32 $0x1800, s5;
	s9 =	sadd.s32 $0x2000, s5;
	s10 =	sadd.s32 $0x32800, s1  }
0x11: {  	v0 =	vimm.f32 $0.0e+00;
	s11 =	sadd.s32 $0x28800, s1;
	s12 =	sadd.s32 $0x6600, s12;
	s1 =	simm.s32 $0x4C00  }
.LBB2_1:
0x12: {  	s22 =	simm.s32 $0x40;
	s23 =	simm.s32 $0x0  }
.LBB2_2:
0x13: {  	p0 =	sne.s32 s22, $0x1FC0;
	[tilespmem:s23+$0x5000] =	vst v0;
	s23 =	smov.u32 s22;
	s22 =	sadd.s32 $0x40, s22  }
.Ltmp0:
0x14: {  	(pc) =	sbr.rel @p0 .LBB2_2-.Ltmp0, $2  }
0x15: {  	_ =	sdelay $0x2  }
0x16: {  	s23 =	sshra.s32 s23, $0x2  }
0x17: {  	[tilespmem:s23+$0x5000] =	vst v0  }
0x18: {  	[spmem:s5] =	stream.linear.scatter [tilespmem:s14], [sflag:$0x5], $0x800, $0x38;
	[tilespmem:$0xF800] =	vst v63  }
0x19: {  	_ =	swait.ge [sflag:s15], $0x800  }
0x1a: {  	[sflag:s15] =	ssyncset.done $0x0  }
0x1b: {  	[sflag:s15] =	ssyncadd.s32 $0xFFFFF800  }
0x1c: {  	[spmem:s6] =	stream.linear.scatter [tilespmem:s14], [sflag:$0x5], $0x800, $0x38;
	[tilespmem:$0xF800] =	vst v63  }
0x1d: {  	_ =	swait.ge [sflag:s15], $0x800  }
0x1e: {  	[sflag:s15] =	ssyncset.done $0x0  }
0x1f: {  	[sflag:s15] =	ssyncadd.s32 $0xFFFFF800  }
0x20: {  	[spmem:s7] =	stream.linear.scatter [tilespmem:s14], [sflag:$0x5], $0x800, $0x38;
	[tilespmem:$0xF800] =	vst v63  }
0x21: {  	_ =	swait.ge [sflag:s15], $0x800  }
0x22: {  	[sflag:s15] =	ssyncset.done $0x0  }
0x23: {  	[sflag:s15] =	ssyncadd.s32 $0xFFFFF800  }
0x24: {  	[spmem:s8] =	stream.linear.scatter [tilespmem:s14], [sflag:$0x5], $0x800, $0x38;
	[tilespmem:$0xF800] =	vst v63  }
0x25: {  	_ =	swait.ge [sflag:s15], $0x800  }
0x26: {  	[sflag:s15] =	ssyncset.done $0x0  }
0x27: {  	[sflag:s15] =	ssyncadd.s32 $0xFFFFF800  }
0x28: {  	[spmem:s9] =	stream.linear.scatter [tilespmem:s14], [sflag:$0x5], $0x800, $0x38;
	[tilespmem:$0xF800] =	vst v63  }
0x29: {  	_ =	swait.ge [sflag:s15], $0x800  }
0x2a: {  	[sflag:s15] =	ssyncset.done $0x0  }
0x2b: {  	[sflag:s15] =	ssyncadd.s32 $0xFFFFF800  }
0x2c: {  	[tilespmem:s3], [sflag:$0x5] =	stream.linear.gather [hbm4b:s10+s3], $0x2800, $0x38;
	[tilespmem:$0xF800] =	vst v63  }
0x2d: {  	_ =	swait.ge [sflag:s15], $0x2800  }
0x2e: {  	[sflag:s15] =	ssyncset.done $0x0  }
0x2f: {  	[sflag:s15] =	ssyncadd.s32 $0xFFFFD800  }
0x30: {  	[tilespmem:s16], [sflag:$0x5] =	stream.linear.gather [hbm4b:s11+s3], $0x2800, $0x38;
	[tilespmem:$0xF800] =	vst v63  }
0x31: {  	_ =	swait.ge [sflag:s15], $0x2800  }
0x32: {  	[sflag:s15] =	ssyncset.done $0x0  }
0x33: {  	[sflag:s15] =	ssyncadd.s32 $0xFFFFD800  }
0x34: {  	[bflag:$0x0] =	sbarrier.arrive $0xFFFF  }
0x35: {  	[tilespmem:s14], [sflag:$0x1] =	stream.indirect.gather [hbm4b:s4+s17], $0x10, s3, s17, $0xb8;
	[tilespmem:$0xF800] =	vst v63  }
0x36: {  	_ =	swait.ge [sflag:s18], $0x4000  }
0x37: {  	[sflag:s18] =	ssyncset.done $0x0  }
0x38: {  	[sflag:s18] =	ssyncadd.s32 $0xFFFFC000  }
0x39: {  	[tilespmem:s19], [sflag:$0x2] =	stream.indirect.gather [hbm4b:s4+s17], $0x10, s17, s17, $0xb8;
	[tilespmem:$0xF800] =	vst v63  }
0x3a: {  	_ = 	snop  }
0x3b: {  	[spmem:s2] =	stream.indirect.scatter.add.f32 [tilespmem:s14], [sflag:$0x3], $0x10, s16, s17, $0xb8;
	[tilespmem:$0xF800] =	vst v63  }
0x3c: {  	_ =	swait.ge [sflag:s20], $0x4000  }
0x3d: {  	[sflag:s20] =	ssyncset.done $0x0  }
0x3e: {  	[sflag:s20] =	ssyncadd.s32 $0xFFFFC000  }
0x3f: {  	_ =	swait.ge [sflag:s21], $0x4000  }
0x40: {  	[sflag:s21] =	ssyncset.done $0x0  }
0x41: {  	s22 =	simm.s32 $0x800;
	[sflag:s21] =	ssyncadd.s32 $0xFFFFC000  }
0x42: {  	[tilespmem:s14], [sflag:$0x1] =	stream.indirect.gather [hbm4b:s4+s17], $0x10, s22, s17, $0xb8;
	[tilespmem:$0xF800] =	vst v63  }
0x43: {  	s23 =	simm.s32 $0x2C00  }
0x44: {  	[spmem:s2] =	stream.indirect.scatter.add.f32 [tilespmem:s19], [sflag:$0x4], $0x10, s23, s17, $0xb8;
	[tilespmem:$0xF800] =	vst v63  }
0x45: {  	_ =	swait.ge [sflag:s24], $0x4000  }
0x46: {  	[sflag:s24] =	ssyncset.done $0x0  }
0x47: {  	[sflag:s24] =	ssyncadd.s32 $0xFFFFC000  }
0x48: {  	_ =	swait.ge [sflag:s18], $0x4000  }
0x49: {  	[sflag:s18] =	ssyncset.done $0x0  }
0x4a: {  	s23 =	simm.s32 $0xC00;
	[sflag:s18] =	ssyncadd.s32 $0xFFFFC000  }
0x4b: {  	[tilespmem:s19], [sflag:$0x2] =	stream.indirect.gather [hbm4b:s4+s17], $0x10, s23, s17, $0xb8;
	[tilespmem:$0xF800] =	vst v63  }
0x4c: {  	s23 =	simm.s32 $0x3000  }
0x4d: {  	[spmem:s2] =	stream.indirect.scatter.add.f32 [tilespmem:s14], [sflag:$0x3], $0x10, s23, s17, $0xb8;
	[tilespmem:$0xF800] =	vst v63  }
0x4e: {  	_ =	swait.ge [sflag:s20], $0x4000  }
0x4f: {  	[sflag:s20] =	ssyncset.done $0x0  }
0x50: {  	[sflag:s20] =	ssyncadd.s32 $0xFFFFC000  }
0x51: {  	_ =	swait.ge [sflag:s21], $0x4000  }
0x52: {  	[sflag:s21] =	ssyncset.done $0x0  }
0x53: {  	s23 =	simm.s32 $0x1000;
	[sflag:s21] =	ssyncadd.s32 $0xFFFFC000  }
0x54: {  	[tilespmem:s14], [sflag:$0x1] =	stream.indirect.gather [hbm4b:s4+s17], $0x10, s23, s17, $0xb8;
	[tilespmem:$0xF800] =	vst v63  }
0x55: {  	s23 =	simm.s32 $0x3400  }
0x56: {  	[spmem:s2] =	stream.indirect.scatter.add.f32 [tilespmem:s19], [sflag:$0x4], $0x10, s23, s17, $0xb8;
	[tilespmem:$0xF800] =	vst v63  }
0x57: {  	_ =	swait.ge [sflag:s24], $0x4000  }
0x58: {  	[sflag:s24] =	ssyncset.done $0x0  }
0x59: {  	[sflag:s24] =	ssyncadd.s32 $0xFFFFC000  }
0x5a: {  	_ =	swait.ge [sflag:s18], $0x4000  }
0x5b: {  	[sflag:s18] =	ssyncset.done $0x0  }
0x5c: {  	s23 =	simm.s32 $0x1400;
	[sflag:s18] =	ssyncadd.s32 $0xFFFFC000  }
0x5d: {  	[tilespmem:s19], [sflag:$0x2] =	stream.indirect.gather [hbm4b:s4+s17], $0x10, s23, s17, $0xb8;
	[tilespmem:$0xF800] =	vst v63  }
0x5e: {  	s23 =	simm.s32 $0x3800  }
0x5f: {  	[spmem:s2] =	stream.indirect.scatter.add.f32 [tilespmem:s14], [sflag:$0x3], $0x10, s23, s17, $0xb8;
	[tilespmem:$0xF800] =	vst v63  }
0x60: {  	_ =	swait.ge [sflag:s20], $0x4000  }
0x61: {  	[sflag:s20] =	ssyncset.done $0x0  }
0x62: {  	[sflag:s20] =	ssyncadd.s32 $0xFFFFC000  }
0x63: {  	_ =	swait.ge [sflag:s21], $0x4000  }
0x64: {  	[sflag:s21] =	ssyncset.done $0x0  }
0x65: {  	s23 =	simm.s32 $0x1800;
	[sflag:s21] =	ssyncadd.s32 $0xFFFFC000  }
0x66: {  	[tilespmem:s14], [sflag:$0x1] =	stream.indirect.gather [hbm4b:s4+s17], $0x10, s23, s17, $0xb8;
	[tilespmem:$0xF800] =	vst v63  }
0x67: {  	s23 =	simm.s32 $0x3C00  }
0x68: {  	[spmem:s2] =	stream.indirect.scatter.add.f32 [tilespmem:s19], [sflag:$0x4], $0x10, s23, s17, $0xb8;
	[tilespmem:$0xF800] =	vst v63  }
0x69: {  	_ =	swait.ge [sflag:s24], $0x4000  }
0x6a: {  	[sflag:s24] =	ssyncset.done $0x0  }
0x6b: {  	[sflag:s24] =	ssyncadd.s32 $0xFFFFC000  }
0x6c: {  	_ =	swait.ge [sflag:s18], $0x4000  }
0x6d: {  	[sflag:s18] =	ssyncset.done $0x0  }
0x6e: {  	s23 =	simm.s32 $0x1C00;
	[sflag:s18] =	ssyncadd.s32 $0xFFFFC000  }
0x6f: {  	[tilespmem:s19], [sflag:$0x2] =	stream.indirect.gather [hbm4b:s4+s17], $0x10, s23, s17, $0xb8;
	[tilespmem:$0xF800] =	vst v63  }
0x70: {  	_ = 	snop  }
0x71: {  	[spmem:s2] =	stream.indirect.scatter.add.f32 [tilespmem:s14], [sflag:$0x3], $0x10, s26, s17, $0xb8;
	[tilespmem:$0xF800] =	vst v63  }
0x72: {  	_ =	swait.ge [sflag:s20], $0x4000  }
0x73: {  	[sflag:s20] =	ssyncset.done $0x0  }
0x74: {  	[sflag:s20] =	ssyncadd.s32 $0xFFFFC000  }
0x75: {  	_ =	swait.ge [sflag:s21], $0x4000  }
0x76: {  	[sflag:s21] =	ssyncset.done $0x0  }
0x77: {  	[sflag:s21] =	ssyncadd.s32 $0xFFFFC000  }
0x78: {  	[tilespmem:s14], [sflag:$0x1] =	stream.indirect.gather [hbm4b:s4+s17], $0x10, s28, s17, $0xb8;
	[tilespmem:$0xF800] =	vst v63  }
0x79: {  	_ = 	snop  }
0x7a: {  	[spmem:s2] =	stream.indirect.scatter.add.f32 [tilespmem:s19], [sflag:$0x4], $0x10, s29, s17, $0xb8;
	[tilespmem:$0xF800] =	vst v63  }
0x7b: {  	_ =	swait.ge [sflag:s24], $0x4000  }
0x7c: {  	[sflag:s24] =	ssyncset.done $0x0  }
0x7d: {  	[sflag:s24] =	ssyncadd.s32 $0xFFFFC000  }
0x7e: {  	_ =	swait.ge [sflag:s18], $0x4000  }
0x7f: {  	[sflag:s18] =	ssyncset.done $0x0  }
0x80: {  	[sflag:s18] =	ssyncadd.s32 $0xFFFFC000  }
0x81: {  	[tilespmem:s19], [sflag:$0x2] =	stream.indirect.gather [hbm4b:s4+s17], $0x10, s30, s17, $0xb8;
	[tilespmem:$0xF800] =	vst v63  }
0x82: {  	_ = 	snop  }
0x83: {  	[spmem:s2] =	stream.indirect.scatter.add.f32 [tilespmem:s14], [sflag:$0x3], $0x10, s31, s17, $0xb8;
	[tilespmem:$0xF800] =	vst v63  }
0x84: {  	_ =	swait.ge [sflag:s20], $0x4000  }
0x85: {  	[sflag:s20] =	ssyncset.done $0x0  }
0x86: {  	[sflag:s20] =	ssyncadd.s32 $0xFFFFC000  }
0x87: {  	_ =	swait.ge [sflag:s21], $0x4000  }
0x88: {  	[sflag:s21] =	ssyncset.done $0x0  }
0x89: {  	[sflag:s21] =	ssyncadd.s32 $0xFFFFC000  }
0x8a: {  	[spmem:s2] =	stream.indirect.scatter.add.f32 [tilespmem:s19], [sflag:$0x4], $0x10, s1, s17, $0xb8;
	[tilespmem:$0xF800] =	vst v63  }
0x8b: {  	_ =	swait.ge [sflag:s24], $0x4000  }
0x8c: {  	s0 =	sadd.s32 $0x1, s0;
	s23 =	stileid.u32;
	[sflag:s24] =	ssyncset.done $0x0  }
0x8d: {  	p0 =	sne.s32 s0, s13;
	s22 =	sshll.u32 s23, $0x6;
	[sflag:s24] =	ssyncadd.s32 $0xFFFFC000  }
.Ltmp1:
0x8e: {  	s22 =	sor.u32 $0x1C05, s22;
	[bflag:$0x0] =	sbarrier.arrive $0xFFFF;
	(pc) =	sbr.rel @p0 .LBB2_1-.Ltmp1, $4  }
0x8f: {  	[hbm:s12], [sflag:s22] =	dma.local [spmem:s25], $0x4F0  }
0x90: {  	_ =	swait.ge [sflag:s15], $0x4F0  }
0x91: {  	[sflag:s15] =	ssyncset.done $0x0  }
0x92: {  	[sflag:s15] =	ssyncadd.s32 $0xFFFFFB10  }
0x93: {  	_ =	sfence.sel $0x180000  }
0x94: {  	[bflag:$0x0] =	sbarrier.arrive $0xFFFF  }
0x95: {  	_ =	strace $0x9000004A  }
0x96: {  	s0 =	stileid.u32;
	[bflag:$0x2] =	sbarrier.arrive $0xFFFF  }
0x97: {  	p0 =	sne.s32 s0, $0x0;
	s0 =	rddreg [dreg:$0x2]  }
0x98: {  	s0 =	sadd.s32 @!p0 $0x100000, s0  }
0x99: {  	[sflag:s0] =	ssyncadd.tile.s32 @!p0 $0x1;
	_ =	shalt  }
.Lfunc_end2:
_tile_overlayer_lowered:
.L_overlay_start_2:
0x9a: {  	(tag) =	ssettag $0x2  }
0x9b: {  	s0 =	rddreg [dreg:$0x0];
	s2 =	stileid.u32  }
0x9c: {  	s1 =	rddreg [dreg:$0x1];
	p0 =	sne.s32 s2, $0x0  }
0x9d: {  	s3 =	rddreg [dreg:$0x2];
	[bflag:$0x3] =	sbarrier.arrive $0xFFFF;
	s2 =	simm.s32 @!p0 $0x1C05  }
0x9e: {  	[timem:s3], [sflag:s2] =	dma.local @!p0 [hbm:s0], s1  }
0x9f: {  	s0 =	simm.s32 @!p0 $0x5  }
0xa0: {  	_ =	swait.ge @!p0 [sflag:s0], s1  }
0xa1: {  	s1 =	ssub.s32 @!p0 $0x0, s1;
	[sflag:s0] =	ssyncset.done @!p0 $0x0  }
0xa2: {  	[sflag:s0] =	ssyncadd.s32 @!p0 s1  }
0xa3: {  	[bflag:$0x3] =	sbarrier.arrive $0xFFFF  }
0xa4: {  	_ =	shalt  }

</sc_bundles>
